<compile_context>
chip_gen: v7x
topology: tpu7x:2x2x1
jax: 0.10.2.dev20260603
libtpu: 0.0.44.dev20260713+nightly
codegen_flags: <defaults>
</compile_context>

<pallas_src>
import jax
import jax.numpy as jnp
from jax import lax
from jax.experimental import pallas as pl
from jax.experimental.pallas import tpu as pltpu
from jax.experimental.pallas import tpu_sc as plsc

_NC = 2
_NS = 16
_NW = _NC * _NS
_L = 16
_NBUF = 2
_CC = 2048


def _chunk_add(t_v, in_b, out_b, tbase):
    for s in range(8):
        tvec = t_v[pl.ds(pl.multiple_of(tbase + s * _L, _L), _L)]

        @plsc.parallel_loop(0, _CC, step=_L, unroll=8)
        def body(c):
            col = pl.multiple_of(c, _L)
            out_b[s, pl.ds(col, _L)] = in_b[s, pl.ds(col, _L)] + tvec


def _sc_body(x_hbm, t_hbm, o_hbm, t_v, in_bufs, out_bufs, ld_sems, st_sems):
    R, B = x_hbm.shape
    nq = B // _CC
    rpw = R // _NW
    trw = rpw // 8
    nch = trw * nq
    ng = nch // _NBUF
    wid = lax.axis_index("s") * _NC + lax.axis_index("c")
    wtr = wid * trw

    pltpu.sync_copy(t_hbm.at[pl.ds(wid * (rpw * _L), rpw * _L)], t_v)

    def chunk_slice(ref, e):
        tr = wtr + e // nq
        return ref.at[pl.ds(tr * 8, 8), pl.ds((e % nq) * _CC, _CC)]

    for j in range(_NBUF):
        pltpu.async_copy(chunk_slice(x_hbm, j), in_bufs[j], ld_sems[j])

    def slot(g, j, *, first, last):
        e = g * _NBUF + j
        pltpu.make_async_copy(chunk_slice(x_hbm, e), in_bufs[j], ld_sems[j]).wait()
        if not first:
            pltpu.make_async_copy(out_bufs[j], chunk_slice(o_hbm, e), st_sems[j]).wait()
        _chunk_add(t_v, in_bufs[j], out_bufs[j], (e // nq) * (8 * _L))
        pltpu.async_copy(out_bufs[j], chunk_slice(o_hbm, e), st_sems[j])
        if not last:
            pltpu.async_copy(chunk_slice(x_hbm, e + _NBUF), in_bufs[j], ld_sems[j])

    for j in range(_NBUF):
        slot(0, j, first=True, last=False)

    def group(g, c):
        for j in range(_NBUF):
            slot(g, j, first=False, last=False)
        return c

    lax.fori_loop(1, ng - 1, group, 0)

    for j in range(_NBUF):
        slot(ng - 1, j, first=False, last=True)

    for j in range(_NBUF):
        e = (ng - 1) * _NBUF + j
        pltpu.make_async_copy(out_bufs[j], chunk_slice(o_hbm, e), st_sems[j]).wait()


def kernel(input_tensor, pos_table):
    B, S, E = input_tensor.shape
    D = S * E
    x = input_tensor.transpose(1, 2, 0).reshape(D, B)
    t_rep = jnp.broadcast_to(pos_table.reshape(D, 1), (D, _L)).reshape(D * _L)

    rpw = D // _NW
    mesh = plsc.VectorSubcoreMesh(core_axis_name="c", subcore_axis_name="s",
                                  num_cores=_NC)
    scratch = (
        [pltpu.VMEM((rpw * _L,), jnp.float32)]
        + [pltpu.VMEM((8, _CC), jnp.float32)] * _NBUF
        + [pltpu.VMEM((8, _CC), jnp.float32)] * _NBUF
        + [pltpu.SemaphoreType.DMA] * (2 * _NBUF)
    )

    def body(x_ref, t_ref, o_ref, *scr):
        t_v = scr[0]
        in_bufs = scr[1:1 + _NBUF]
        out_bufs = scr[1 + _NBUF:1 + 2 * _NBUF]
        ld_sems = scr[1 + 2 * _NBUF:1 + 3 * _NBUF]
        st_sems = scr[1 + 3 * _NBUF:1 + 4 * _NBUF]
        _sc_body(x_ref, t_ref, o_ref, t_v, in_bufs, out_bufs, ld_sems, st_sems)

    run = pl.kernel(
        body,
        out_type=jax.ShapeDtypeStruct((D, B), jnp.float32),
        mesh=mesh,
        scratch_types=scratch,
        compiler_params=pltpu.CompilerParams(use_tc_tiling_on_sc=True),
    )
    out = run(x, t_rep)
    return out.reshape(S, E, B).transpose(2, 0, 1)

# --- scband reference (transcript-rebuilt; emitter-appended) ---
"""Pipeline reference for scband-position-embedding-layer-5007931867482 (READ-ONLY COPY).

The authoritative reference and input builder live on the scoring server;
editing this copy changes nothing except your own understanding.
"""

import jax, jax.numpy as jnp
import numpy as np

MAX_POS = 200
EMBED = 64

def setup_inputs(seed: int = 0) -> dict:
    key = jax.random.key(seed)
    k1, k2 = jax.random.split(key)
    input_tensor = jax.random.normal(k1, (4096, 200, 64), dtype=jnp.float32)
    # learned position embedding table (nn.Embedding weight), N(0,1) init like torch
    pos_table = jax.random.normal(k2, (MAX_POS, EMBED), dtype=jnp.float32)
    return {"input_tensor": input_tensor, "pos_table": pos_table}

def reference(input_tensor, pos_table):
    batch_size = input_tensor.shape[0]
    seq_length = input_tensor.shape[1]
    position_ids = jnp.arange(seq_length, dtype=jnp.int32)
    position_ids = jnp.broadcast_to(position_ids[None, :], (batch_size, seq_length))
    # embedding lookup -> gather
    position_embeddings = jnp.take(pos_table, position_ids, axis=0)
    embeddings = input_tensor + position_embeddings
    # dropout_prob = 0 -> identity
    return embeddings

if __name__ == "__main__":
    import jax
    _d = setup_inputs()
    print(jax.jit(kernel)(*tuple(_d.values())))

</pallas_src>

<mosaic_0001>
#map = affine_map<(d0, d1) -> (0, 0)>
#map1 = affine_map<(d0, d1) -> (0)>
module attributes {stable_mosaic.version = 14 : i64} {
  func.func @body(%arg0: i32, %arg1: i32, %arg2: memref<12800x4096xf32, #tpu.memory_space<hbm>>, %arg3: memref<204800xf32, #tpu.memory_space<hbm>>, %arg4: memref<12800x4096xf32, #tpu.memory_space<hbm>>, %arg5: memref<6400xf32, #tpu.memory_space<vmem>>, %arg6: memref<8x2048xf32, #tpu.memory_space<vmem>>, %arg7: memref<8x2048xf32, #tpu.memory_space<vmem>>, %arg8: memref<8x2048xf32, #tpu.memory_space<vmem>>, %arg9: memref<8x2048xf32, #tpu.memory_space<vmem>>, %arg10: memref<!tpu.dma_semaphore, #tpu.memory_space<semaphore_mem>>, %arg11: memref<!tpu.dma_semaphore, #tpu.memory_space<semaphore_mem>>, %arg12: memref<!tpu.dma_semaphore, #tpu.memory_space<semaphore_mem>>, %arg13: memref<!tpu.dma_semaphore, #tpu.memory_space<semaphore_mem>>) attributes {dimension_semantics = [#tpu.dimension_semantics<core_parallel>, #tpu.dimension_semantics<subcore_parallel>], iteration_bounds = array<i64: 2, 16>, scalar_prefetch = 0 : i64, scratch_operands = 9 : i64, tpu.core_type = #tpu.core_type<sc_vector_subcore>, window_params = [{transform_indices = #map}, {transform_indices = #map1}, {transform_indices = #map}]} {
    %mul3A = arith.constant 2 : i32
    %mul3A_0 = arith.muli %arg1, %mul3A : i32
    %add3A = arith.addi %mul3A_0, %arg0 : i32
    %mul3A_1 = arith.constant 50 : i32
    %mul3A_2 = arith.muli %add3A, %mul3A_1 : i32
    %mul3A_3 = arith.constant 6400 : i32
    %mul3A_4 = arith.muli %add3A, %mul3A_3 : i32
    "tpu.region"() ({
      %run_scoped3A = tpu.sem_alloc : memref<!tpu.dma_semaphore, #tpu.memory_space<semaphore_mem>>
      %dma_start3A_389 = tpu.memref_slice %arg3[%mul3A_4] : memref<204800xf32, #tpu.memory_space<hbm>> -> memref<6400xf32, #tpu.memory_space<hbm>>
      %dma_start3A_390 = tpu.memref_slice %arg3[%mul3A_4] : memref<204800xf32, #tpu.memory_space<hbm>> -> memref<6400xf32, #tpu.memory_space<hbm>>
      tpu.enqueue_dma source(%dma_start3A_390 : memref<6400xf32, #tpu.memory_space<hbm>>) target(%arg5 : memref<6400xf32, #tpu.memory_space<vmem>>) target_semaphore(%run_scoped3A : memref<!tpu.dma_semaphore, #tpu.memory_space<semaphore_mem>>)
      %dma_wait3A_391 = tpu.memref_slice %arg3[%mul3A_4] : memref<204800xf32, #tpu.memory_space<hbm>> -> memref<6400xf32, #tpu.memory_space<hbm>>
      %dma_wait3A_392 = tpu.memref_slice %arg3[%mul3A_4] : memref<204800xf32, #tpu.memory_space<hbm>> -> memref<6400xf32, #tpu.memory_space<hbm>>
      tpu.wait_dma2 semaphore(%run_scoped3A : memref<!tpu.dma_semaphore, #tpu.memory_space<semaphore_mem>>) src(%dma_wait3A_392 : memref<6400xf32, #tpu.memory_space<hbm>>) dst(%arg5 : memref<6400xf32, #tpu.memory_space<vmem>>)
      tpu.yield
    }) : () -> ()
    %add3A_5 = arith.constant 0 : i32
    %add3A_6 = arith.addi %mul3A_2, %add3A_5 : i32
    %mul3A_7 = arith.constant 8 : i32
    %mul3A_8 = arith.muli %add3A_6, %mul3A_7 : i32
    %dma_start3A = arith.constant 0 : i32
    %dma_start3A_9 = tpu.memref_slice %arg2[%mul3A_8, %dma_start3A] : memref<12800x4096xf32, #tpu.memory_space<hbm>> -> memref<8x2048xf32, #tpu.memory_space<hbm>>
    %dma_start3A_10 = arith.constant 0 : i32
    %dma_start3A_11 = tpu.memref_slice %arg2[%mul3A_8, %dma_start3A_10] : memref<12800x4096xf32, #tpu.memory_space<hbm>> -> memref<8x2048xf32, #tpu.memory_space<hbm>>
    tpu.enqueue_dma source(%dma_start3A_11 : memref<8x2048xf32, #tpu.memory_space<hbm>>) target(%arg6 : memref<8x2048xf32, #tpu.memory_space<vmem>>) target_semaphore(%arg10 : memref<!tpu.dma_semaphore, #tpu.memory_space<semaphore_mem>>)
    %add3A_12 = arith.constant 0 : i32
    %add3A_13 = arith.addi %mul3A_2, %add3A_12 : i32
    %mul3A_14 = arith.constant 8 : i32
    %mul3A_15 = arith.muli %add3A_13, %mul3A_14 : i32
    %dma_start3A_16 = arith.constant 2048 : i32
    %dma_start3A_17 = tpu.memref_slice %arg2[%mul3A_15, %dma_start3A_16] : memref<12800x4096xf32, #tpu.memory_space<hbm>> -> memref<8x2048xf32, #tpu.memory_space<hbm>>
    %dma_start3A_18 = arith.constant 2048 : i32
    %dma_start3A_19 = tpu.memref_slice %arg2[%mul3A_15, %dma_start3A_18] : memref<12800x4096xf32, #tpu.memory_space<hbm>> -> memref<8x2048xf32, #tpu.memory_space<hbm>>
    tpu.enqueue_dma source(%dma_start3A_19 : memref<8x2048xf32, #tpu.memory_space<hbm>>) target(%arg7 : memref<8x2048xf32, #tpu.memory_space<vmem>>) target_semaphore(%arg11 : memref<!tpu.dma_semaphore, #tpu.memory_space<semaphore_mem>>)
    %add3A_20 = arith.constant 0 : i32
    %add3A_21 = arith.addi %mul3A_2, %add3A_20 : i32
    %mul3A_22 = arith.constant 8 : i32
    %mul3A_23 = arith.muli %add3A_21, %mul3A_22 : i32
    %dma_wait3A = arith.constant 0 : i32
    %dma_wait3A_24 = tpu.memref_slice %arg2[%mul3A_23, %dma_wait3A] : memref<12800x4096xf32, #tpu.memory_space<hbm>> -> memref<8x2048xf32, #tpu.memory_space<hbm>>
    %dma_wait3A_25 = arith.constant 0 : i32
    %dma_wait3A_26 = tpu.memref_slice %arg2[%mul3A_23, %dma_wait3A_25] : memref<12800x4096xf32, #tpu.memory_space<hbm>> -> memref<8x2048xf32, #tpu.memory_space<hbm>>
    tpu.wait_dma2 semaphore(%arg10 : memref<!tpu.dma_semaphore, #tpu.memory_space<semaphore_mem>>) src(%dma_wait3A_26 : memref<8x2048xf32, #tpu.memory_space<hbm>>) dst(%arg6 : memref<8x2048xf32, #tpu.memory_space<vmem>>)
    %multiple_of3A = arith.constant 0 : i32
    %multiple_of3A_27 = tpu.assume_multiple %multiple_of3A, 16 : i32
    %get3A = arith.index_cast %multiple_of3A_27 : i32 to index
    %get3A_28 = tpu.vector_load %arg5[%get3A] {strides = array<i32>} : memref<6400xf32, #tpu.memory_space<vmem>>, vector<16xf32>,
    %get3A_29 = vector.shape_cast %get3A_28 : vector<16xf32> to vector<16xf32>
    %parallel_loop3A = arith.constant 0 : i32
    %parallel_loop3A_30 = arith.constant 2048 : i32
    %parallel_loop3A_31 = arith.constant 16 : i32
    scf.for %parallel_loop3A_389 = %parallel_loop3A to %parallel_loop3A_30 step %parallel_loop3A_31  : i32 {
      %parallel_loop3A_390 = tpu.assume_multiple %parallel_loop3A_389, 16 : i32
      %parallel_loop3A_391 = arith.constant 0 : i32
      %parallel_loop3A_392 = arith.index_cast %parallel_loop3A_391 : i32 to index
      %parallel_loop3A_393 = arith.index_cast %parallel_loop3A_390 : i32 to index
      %parallel_loop3A_394 = tpu.vector_load %arg6[%parallel_loop3A_392, %parallel_loop3A_393] {strides = array<i32>} : memref<8x2048xf32, #tpu.memory_space<vmem>>, vector<1x16xf32>,
      %parallel_loop3A_395 = vector.shape_cast %parallel_loop3A_394 : vector<1x16xf32> to vector<16xf32>
      %parallel_loop3A_396 = arith.addf %parallel_loop3A_395, %get3A_29 : vector<16xf32>
      %parallel_loop3A_397 = arith.constant 0 : i32
      %parallel_loop3A_398 = arith.index_cast %parallel_loop3A_397 : i32 to index
      %parallel_loop3A_399 = arith.index_cast %parallel_loop3A_390 : i32 to index
      %parallel_loop3A_400 = tpu.vector_load %arg8[%parallel_loop3A_398, %parallel_loop3A_399] {strides = array<i32>} : memref<8x2048xf32, #tpu.memory_space<vmem>>, vector<1x16xf32>,
      %parallel_loop3A_401 = vector.shape_cast %parallel_loop3A_400 : vector<1x16xf32> to vector<16xf32>
      %parallel_loop3A_402 = vector.shape_cast %parallel_loop3A_396 : vector<16xf32> to vector<1x16xf32>
      tpu.vector_store %arg8[%parallel_loop3A_398, %parallel_loop3A_399], %parallel_loop3A_402 {strides = array<i32>} : memref<8x2048xf32, #tpu.memory_space<vmem>>, vector<1x16xf32>,
    } {sc.loop_unroll_factor = 8 : i64, sc.parallel_access}
    %multiple_of3A_32 = arith.constant 16 : i32
    %multiple_of3A_33 = tpu.assume_multiple %multiple_of3A_32, 16 : i32
    %get3A_34 = arith.index_cast %multiple_of3A_33 : i32 to index
    %get3A_35 = tpu.vector_load %arg5[%get3A_34] {strides = array<i32>} : memref<6400xf32, #tpu.memory_space<vmem>>, vector<16xf32>,
    %get3A_36 = vector.shape_cast %get3A_35 : vector<16xf32> to vector<16xf32>
    %parallel_loop3A_37 = arith.constant 0 : i32
    %parallel_loop3A_38 = arith.constant 2048 : i32
    %parallel_loop3A_39 = arith.constant 16 : i32
    scf.for %parallel_loop3A_389 = %parallel_loop3A_37 to %parallel_loop3A_38 step %parallel_loop3A_39  : i32 {
      %parallel_loop3A_390 = tpu.assume_multiple %parallel_loop3A_389, 16 : i32
      %parallel_loop3A_391 = arith.constant 1 : i32
      %parallel_loop3A_392 = arith.index_cast %parallel_loop3A_391 : i32 to index
      %parallel_loop3A_393 = arith.index_cast %parallel_loop3A_390 : i32 to index
      %parallel_loop3A_394 = tpu.vector_load %arg6[%parallel_loop3A_392, %parallel_loop3A_393] {strides = array<i32>} : memref<8x2048xf32, #tpu.memory_space<vmem>>, vector<1x16xf32>,
      %parallel_loop3A_395 = vector.shape_cast %parallel_loop3A_394 : vector<1x16xf32> to vector<16xf32>
      %parallel_loop3A_396 = arith.addf %parallel_loop3A_395, %get3A_36 : vector<16xf32>
      %parallel_loop3A_397 = arith.constant 1 : i32
      %parallel_loop3A_398 = arith.index_cast %parallel_loop3A_397 : i32 to index
      %parallel_loop3A_399 = arith.index_cast %parallel_loop3A_390 : i32 to index
      %parallel_loop3A_400 = tpu.vector_load %arg8[%parallel_loop3A_398, %parallel_loop3A_399] {strides = array<i32>} : memref<8x2048xf32, #tpu.memory_space<vmem>>, vector<1x16xf32>,
      %parallel_loop3A_401 = vector.shape_cast %parallel_loop3A_400 : vector<1x16xf32> to vector<16xf32>
      %parallel_loop3A_402 = vector.shape_cast %parallel_loop3A_396 : vector<16xf32> to vector<1x16xf32>
      tpu.vector_store %arg8[%parallel_loop3A_398, %parallel_loop3A_399], %parallel_loop3A_402 {strides = array<i32>} : memref<8x2048xf32, #tpu.memory_space<vmem>>, vector<1x16xf32>,
    } {sc.loop_unroll_factor = 8 : i64, sc.parallel_access}
    %multiple_of3A_40 = arith.constant 32 : i32
    %multiple_of3A_41 = tpu.assume_multiple %multiple_of3A_40, 16 : i32
    %get3A_42 = arith.index_cast %multiple_of3A_41 : i32 to index
    %get3A_43 = tpu.vector_load %arg5[%get3A_42] {strides = array<i32>} : memref<6400xf32, #tpu.memory_space<vmem>>, vector<16xf32>,
    %get3A_44 = vector.shape_cast %get3A_43 : vector<16xf32> to vector<16xf32>
    %parallel_loop3A_45 = arith.constant 0 : i32
    %parallel_loop3A_46 = arith.constant 2048 : i32
    %parallel_loop3A_47 = arith.constant 16 : i32
    scf.for %parallel_loop3A_389 = %parallel_loop3A_45 to %parallel_loop3A_46 step %parallel_loop3A_47  : i32 {
      %parallel_loop3A_390 = tpu.assume_multiple %parallel_loop3A_389, 16 : i32
      %parallel_loop3A_391 = arith.constant 2 : i32
      %parallel_loop3A_392 = arith.index_cast %parallel_loop3A_391 : i32 to index
      %parallel_loop3A_393 = arith.index_cast %parallel_loop3A_390 : i32 to index
      %parallel_loop3A_394 = tpu.vector_load %arg6[%parallel_loop3A_392, %parallel_loop3A_393] {strides = array<i32>} : memref<8x2048xf32, #tpu.memory_space<vmem>>, vector<1x16xf32>,
      %parallel_loop3A_395 = vector.shape_cast %parallel_loop3A_394 : vector<1x16xf32> to vector<16xf32>
      %parallel_loop3A_396 = arith.addf %parallel_loop3A_395, %get3A_44 : vector<16xf32>
      %parallel_loop3A_397 = arith.constant 2 : i32
      %parallel_loop3A_398 = arith.index_cast %parallel_loop3A_397 : i32 to index
      %parallel_loop3A_399 = arith.index_cast %parallel_loop3A_390 : i32 to index
      %parallel_loop3A_400 = tpu.vector_load %arg8[%parallel_loop3A_398, %parallel_loop3A_399] {strides = array<i32>} : memref<8x2048xf32, #tpu.memory_space<vmem>>, vector<1x16xf32>,
      %parallel_loop3A_401 = vector.shape_cast %parallel_loop3A_400 : vector<1x16xf32> to vector<16xf32>
      %parallel_loop3A_402 = vector.shape_cast %parallel_loop3A_396 : vector<16xf32> to vector<1x16xf32>
      tpu.vector_store %arg8[%parallel_loop3A_398, %parallel_loop3A_399], %parallel_loop3A_402 {strides = array<i32>} : memref<8x2048xf32, #tpu.memory_space<vmem>>, vector<1x16xf32>,
    } {sc.loop_unroll_factor = 8 : i64, sc.parallel_access}
    %multiple_of3A_48 = arith.constant 48 : i32
    %multiple_of3A_49 = tpu.assume_multiple %multiple_of3A_48, 16 : i32
    %get3A_50 = arith.index_cast %multiple_of3A_49 : i32 to index
    %get3A_51 = tpu.vector_load %arg5[%get3A_50] {strides = array<i32>} : memref<6400xf32, #tpu.memory_space<vmem>>, vector<16xf32>,
    %get3A_52 = vector.shape_cast %get3A_51 : vector<16xf32> to vector<16xf32>
    %parallel_loop3A_53 = arith.constant 0 : i32
    %parallel_loop3A_54 = arith.constant 2048 : i32
    %parallel_loop3A_55 = arith.constant 16 : i32
    scf.for %parallel_loop3A_389 = %parallel_loop3A_53 to %parallel_loop3A_54 step %parallel_loop3A_55  : i32 {
      %parallel_loop3A_390 = tpu.assume_multiple %parallel_loop3A_389, 16 : i32
      %parallel_loop3A_391 = arith.constant 3 : i32
      %parallel_loop3A_392 = arith.index_cast %parallel_loop3A_391 : i32 to index
      %parallel_loop3A_393 = arith.index_cast %parallel_loop3A_390 : i32 to index
      %parallel_loop3A_394 = tpu.vector_load %arg6[%parallel_loop3A_392, %parallel_loop3A_393] {strides = array<i32>} : memref<8x2048xf32, #tpu.memory_space<vmem>>, vector<1x16xf32>,
      %parallel_loop3A_395 = vector.shape_cast %parallel_loop3A_394 : vector<1x16xf32> to vector<16xf32>
      %parallel_loop3A_396 = arith.addf %parallel_loop3A_395, %get3A_52 : vector<16xf32>
      %parallel_loop3A_397 = arith.constant 3 : i32
      %parallel_loop3A_398 = arith.index_cast %parallel_loop3A_397 : i32 to index
      %parallel_loop3A_399 = arith.index_cast %parallel_loop3A_390 : i32 to index
      %parallel_loop3A_400 = tpu.vector_load %arg8[%parallel_loop3A_398, %parallel_loop3A_399] {strides = array<i32>} : memref<8x2048xf32, #tpu.memory_space<vmem>>, vector<1x16xf32>,
      %parallel_loop3A_401 = vector.shape_cast %parallel_loop3A_400 : vector<1x16xf32> to vector<16xf32>
      %parallel_loop3A_402 = vector.shape_cast %parallel_loop3A_396 : vector<16xf32> to vector<1x16xf32>
      tpu.vector_store %arg8[%parallel_loop3A_398, %parallel_loop3A_399], %parallel_loop3A_402 {strides = array<i32>} : memref<8x2048xf32, #tpu.memory_space<vmem>>, vector<1x16xf32>,
    } {sc.loop_unroll_factor = 8 : i64, sc.parallel_access}
    %multiple_of3A_56 = arith.constant 64 : i32
    %multiple_of3A_57 = tpu.assume_multiple %multiple_of3A_56, 16 : i32
    %get3A_58 = arith.index_cast %multiple_of3A_57 : i32 to index
    %get3A_59 = tpu.vector_load %arg5[%get3A_58] {strides = array<i32>} : memref<6400xf32, #tpu.memory_space<vmem>>, vector<16xf32>,
    %get3A_60 = vector.shape_cast %get3A_59 : vector<16xf32> to vector<16xf32>
    %parallel_loop3A_61 = arith.constant 0 : i32
    %parallel_loop3A_62 = arith.constant 2048 : i32
    %parallel_loop3A_63 = arith.constant 16 : i32
    scf.for %parallel_loop3A_389 = %parallel_loop3A_61 to %parallel_loop3A_62 step %parallel_loop3A_63  : i32 {
      %parallel_loop3A_390 = tpu.assume_multiple %parallel_loop3A_389, 16 : i32
      %parallel_loop3A_391 = arith.constant 4 : i32
      %parallel_loop3A_392 = arith.index_cast %parallel_loop3A_391 : i32 to index
      %parallel_loop3A_393 = arith.index_cast %parallel_loop3A_390 : i32 to index
      %parallel_loop3A_394 = tpu.vector_load %arg6[%parallel_loop3A_392, %parallel_loop3A_393] {strides = array<i32>} : memref<8x2048xf32, #tpu.memory_space<vmem>>, vector<1x16xf32>,
      %parallel_loop3A_395 = vector.shape_cast %parallel_loop3A_394 : vector<1x16xf32> to vector<16xf32>
      %parallel_loop3A_396 = arith.addf %parallel_loop3A_395, %get3A_60 : vector<16xf32>
      %parallel_loop3A_397 = arith.constant 4 : i32
      %parallel_loop3A_398 = arith.index_cast %parallel_loop3A_397 : i32 to index
      %parallel_loop3A_399 = arith.index_cast %parallel_loop3A_390 : i32 to index
      %parallel_loop3A_400 = tpu.vector_load %arg8[%parallel_loop3A_398, %parallel_loop3A_399] {strides = array<i32>} : memref<8x2048xf32, #tpu.memory_space<vmem>>, vector<1x16xf32>,
      %parallel_loop3A_401 = vector.shape_cast %parallel_loop3A_400 : vector<1x16xf32> to vector<16xf32>
      %parallel_loop3A_402 = vector.shape_cast %parallel_loop3A_396 : vector<16xf32> to vector<1x16xf32>
      tpu.vector_store %arg8[%parallel_loop3A_398, %parallel_loop3A_399], %parallel_loop3A_402 {strides = array<i32>} : memref<8x2048xf32, #tpu.memory_space<vmem>>, vector<1x16xf32>,
    } {sc.loop_unroll_factor = 8 : i64, sc.parallel_access}
    %multiple_of3A_64 = arith.constant 80 : i32
    %multiple_of3A_65 = tpu.assume_multiple %multiple_of3A_64, 16 : i32
    %get3A_66 = arith.index_cast %multiple_of3A_65 : i32 to index
    %get3A_67 = tpu.vector_load %arg5[%get3A_66] {strides = array<i32>} : memref<6400xf32, #tpu.memory_space<vmem>>, vector<16xf32>,
    %get3A_68 = vector.shape_cast %get3A_67 : vector<16xf32> to vector<16xf32>
    %parallel_loop3A_69 = arith.constant 0 : i32
    %parallel_loop3A_70 = arith.constant 2048 : i32
    %parallel_loop3A_71 = arith.constant 16 : i32
    scf.for %parallel_loop3A_389 = %parallel_loop3A_69 to %parallel_loop3A_70 step %parallel_loop3A_71  : i32 {
      %parallel_loop3A_390 = tpu.assume_multiple %parallel_loop3A_389, 16 : i32
      %parallel_loop3A_391 = arith.constant 5 : i32
      %parallel_loop3A_392 = arith.index_cast %parallel_loop3A_391 : i32 to index
      %parallel_loop3A_393 = arith.index_cast %parallel_loop3A_390 : i32 to index
      %parallel_loop3A_394 = tpu.vector_load %arg6[%parallel_loop3A_392, %parallel_loop3A_393] {strides = array<i32>} : memref<8x2048xf32, #tpu.memory_space<vmem>>, vector<1x16xf32>,
      %parallel_loop3A_395 = vector.shape_cast %parallel_loop3A_394 : vector<1x16xf32> to vector<16xf32>
      %parallel_loop3A_396 = arith.addf %parallel_loop3A_395, %get3A_68 : vector<16xf32>
      %parallel_loop3A_397 = arith.constant 5 : i32
      %parallel_loop3A_398 = arith.index_cast %parallel_loop3A_397 : i32 to index
      %parallel_loop3A_399 = arith.index_cast %parallel_loop3A_390 : i32 to index
      %parallel_loop3A_400 = tpu.vector_load %arg8[%parallel_loop3A_398, %parallel_loop3A_399] {strides = array<i32>} : memref<8x2048xf32, #tpu.memory_space<vmem>>, vector<1x16xf32>,
      %parallel_loop3A_401 = vector.shape_cast %parallel_loop3A_400 : vector<1x16xf32> to vector<16xf32>
      %parallel_loop3A_402 = vector.shape_cast %parallel_loop3A_396 : vector<16xf32> to vector<1x16xf32>
      tpu.vector_store %arg8[%parallel_loop3A_398, %parallel_loop3A_399], %parallel_loop3A_402 {strides = array<i32>} : memref<8x2048xf32, #tpu.memory_space<vmem>>, vector<1x16xf32>,
    } {sc.loop_unroll_factor = 8 : i64, sc.parallel_access}
    %multiple_of3A_72 = arith.constant 96 : i32
    %multiple_of3A_73 = tpu.assume_multiple %multiple_of3A_72, 16 : i32
    %get3A_74 = arith.index_cast %multiple_of3A_73 : i32 to index
    %get3A_75 = tpu.vector_load %arg5[%get3A_74] {strides = array<i32>} : memref<6400xf32, #tpu.memory_space<vmem>>, vector<16xf32>,
    %get3A_76 = vector.shape_cast %get3A_75 : vector<16xf32> to vector<16xf32>
    %parallel_loop3A_77 = arith.constant 0 : i32
    %parallel_loop3A_78 = arith.constant 2048 : i32
    %parallel_loop3A_79 = arith.constant 16 : i32
    scf.for %parallel_loop3A_389 = %parallel_loop3A_77 to %parallel_loop3A_78 step %parallel_loop3A_79  : i32 {
      %parallel_loop3A_390 = tpu.assume_multiple %parallel_loop3A_389, 16 : i32
      %parallel_loop3A_391 = arith.constant 6 : i32
      %parallel_loop3A_392 = arith.index_cast %parallel_loop3A_391 : i32 to index
      %parallel_loop3A_393 = arith.index_cast %parallel_loop3A_390 : i32 to index
      %parallel_loop3A_394 = tpu.vector_load %arg6[%parallel_loop3A_392, %parallel_loop3A_393] {strides = array<i32>} : memref<8x2048xf32, #tpu.memory_space<vmem>>, vector<1x16xf32>,
      %parallel_loop3A_395 = vector.shape_cast %parallel_loop3A_394 : vector<1x16xf32> to vector<16xf32>
      %parallel_loop3A_396 = arith.addf %parallel_loop3A_395, %get3A_76 : vector<16xf32>
      %parallel_loop3A_397 = arith.constant 6 : i32
      %parallel_loop3A_398 = arith.index_cast %parallel_loop3A_397 : i32 to index
      %parallel_loop3A_399 = arith.index_cast %parallel_loop3A_390 : i32 to index
      %parallel_loop3A_400 = tpu.vector_load %arg8[%parallel_loop3A_398, %parallel_loop3A_399] {strides = array<i32>} : memref<8x2048xf32, #tpu.memory_space<vmem>>, vector<1x16xf32>,
      %parallel_loop3A_401 = vector.shape_cast %parallel_loop3A_400 : vector<1x16xf32> to vector<16xf32>
      %parallel_loop3A_402 = vector.shape_cast %parallel_loop3A_396 : vector<16xf32> to vector<1x16xf32>
      tpu.vector_store %arg8[%parallel_loop3A_398, %parallel_loop3A_399], %parallel_loop3A_402 {strides = array<i32>} : memref<8x2048xf32, #tpu.memory_space<vmem>>, vector<1x16xf32>,
    } {sc.loop_unroll_factor = 8 : i64, sc.parallel_access}
    %multiple_of3A_80 = arith.constant 112 : i32
    %multiple_of3A_81 = tpu.assume_multiple %multiple_of3A_80, 16 : i32
    %get3A_82 = arith.index_cast %multiple_of3A_81 : i32 to index
    %get3A_83 = tpu.vector_load %arg5[%get3A_82] {strides = array<i32>} : memref<6400xf32, #tpu.memory_space<vmem>>, vector<16xf32>,
    %get3A_84 = vector.shape_cast %get3A_83 : vector<16xf32> to vector<16xf32>
    %parallel_loop3A_85 = arith.constant 0 : i32
    %parallel_loop3A_86 = arith.constant 2048 : i32
    %parallel_loop3A_87 = arith.constant 16 : i32
    scf.for %parallel_loop3A_389 = %parallel_loop3A_85 to %parallel_loop3A_86 step %parallel_loop3A_87  : i32 {
      %parallel_loop3A_390 = tpu.assume_multiple %parallel_loop3A_389, 16 : i32
      %parallel_loop3A_391 = arith.constant 7 : i32
      %parallel_loop3A_392 = arith.index_cast %parallel_loop3A_391 : i32 to index
      %parallel_loop3A_393 = arith.index_cast %parallel_loop3A_390 : i32 to index
      %parallel_loop3A_394 = tpu.vector_load %arg6[%parallel_loop3A_392, %parallel_loop3A_393] {strides = array<i32>} : memref<8x2048xf32, #tpu.memory_space<vmem>>, vector<1x16xf32>,
      %parallel_loop3A_395 = vector.shape_cast %parallel_loop3A_394 : vector<1x16xf32> to vector<16xf32>
      %parallel_loop3A_396 = arith.addf %parallel_loop3A_395, %get3A_84 : vector<16xf32>
      %parallel_loop3A_397 = arith.constant 7 : i32
      %parallel_loop3A_398 = arith.index_cast %parallel_loop3A_397 : i32 to index
      %parallel_loop3A_399 = arith.index_cast %parallel_loop3A_390 : i32 to index
      %parallel_loop3A_400 = tpu.vector_load %arg8[%parallel_loop3A_398, %parallel_loop3A_399] {strides = array<i32>} : memref<8x2048xf32, #tpu.memory_space<vmem>>, vector<1x16xf32>,
      %parallel_loop3A_401 = vector.shape_cast %parallel_loop3A_400 : vector<1x16xf32> to vector<16xf32>
      %parallel_loop3A_402 = vector.shape_cast %parallel_loop3A_396 : vector<16xf32> to vector<1x16xf32>
      tpu.vector_store %arg8[%parallel_loop3A_398, %parallel_loop3A_399], %parallel_loop3A_402 {strides = array<i32>} : memref<8x2048xf32, #tpu.memory_space<vmem>>, vector<1x16xf32>,
    } {sc.loop_unroll_factor = 8 : i64, sc.parallel_access}
    %add3A_88 = arith.constant 0 : i32
    %add3A_89 = arith.addi %mul3A_2, %add3A_88 : i32
    %mul3A_90 = arith.constant 8 : i32
    %mul3A_91 = arith.muli %add3A_89, %mul3A_90 : i32
    %dma_start3A_92 = arith.constant 0 : i32
    %dma_start3A_93 = tpu.memref_slice %arg4[%mul3A_91, %dma_start3A_92] : memref<12800x4096xf32, #tpu.memory_space<hbm>> -> memref<8x2048xf32, #tpu.memory_space<hbm>>
    %dma_start3A_94 = arith.constant 0 : i32
    %dma_start3A_95 = tpu.memref_slice %arg4[%mul3A_91, %dma_start3A_94] : memref<12800x4096xf32, #tpu.memory_space<hbm>> -> memref<8x2048xf32, #tpu.memory_space<hbm>>
    tpu.enqueue_dma source(%arg8 : memref<8x2048xf32, #tpu.memory_space<vmem>>) target(%dma_start3A_95 : memref<8x2048xf32, #tpu.memory_space<hbm>>) target_semaphore(%arg12 : memref<!tpu.dma_semaphore, #tpu.memory_space<semaphore_mem>>)
    %add3A_96 = arith.constant 1 : i32
    %add3A_97 = arith.addi %mul3A_2, %add3A_96 : i32
    %mul3A_98 = arith.constant 8 : i32
    %mul3A_99 = arith.muli %add3A_97, %mul3A_98 : i32
    %dma_start3A_100 = arith.constant 0 : i32
    %dma_start3A_101 = tpu.memref_slice %arg2[%mul3A_99, %dma_start3A_100] : memref<12800x4096xf32, #tpu.memory_space<hbm>> -> memref<8x2048xf32, #tpu.memory_space<hbm>>
    %dma_start3A_102 = arith.constant 0 : i32
    %dma_start3A_103 = tpu.memref_slice %arg2[%mul3A_99, %dma_start3A_102] : memref<12800x4096xf32, #tpu.memory_space<hbm>> -> memref<8x2048xf32, #tpu.memory_space<hbm>>
    tpu.enqueue_dma source(%dma_start3A_103 : memref<8x2048xf32, #tpu.memory_space<hbm>>) target(%arg6 : memref<8x2048xf32, #tpu.memory_space<vmem>>) target_semaphore(%arg10 : memref<!tpu.dma_semaphore, #tpu.memory_space<semaphore_mem>>)
    %add3A_104 = arith.constant 0 : i32
    %add3A_105 = arith.addi %mul3A_2, %add3A_104 : i32
    %mul3A_106 = arith.constant 8 : i32
    %mul3A_107 = arith.muli %add3A_105, %mul3A_106 : i32
    %dma_wait3A_108 = arith.constant 2048 : i32
    %dma_wait3A_109 = tpu.memref_slice %arg2[%mul3A_107, %dma_wait3A_108] : memref<12800x4096xf32, #tpu.memory_space<hbm>> -> memref<8x2048xf32, #tpu.memory_space<hbm>>
    %dma_wait3A_110 = arith.constant 2048 : i32
    %dma_wait3A_111 = tpu.memref_slice %arg2[%mul3A_107, %dma_wait3A_110] : memref<12800x4096xf32, #tpu.memory_space<hbm>> -> memref<8x2048xf32, #tpu.memory_space<hbm>>
    tpu.wait_dma2 semaphore(%arg11 : memref<!tpu.dma_semaphore, #tpu.memory_space<semaphore_mem>>) src(%dma_wait3A_111 : memref<8x2048xf32, #tpu.memory_space<hbm>>) dst(%arg7 : memref<8x2048xf32, #tpu.memory_space<vmem>>)
    %multiple_of3A_112 = arith.constant 0 : i32
    %multiple_of3A_113 = tpu.assume_multiple %multiple_of3A_112, 16 : i32
    %get3A_114 = arith.index_cast %multiple_of3A_113 : i32 to index
    %get3A_115 = tpu.vector_load %arg5[%get3A_114] {strides = array<i32>} : memref<6400xf32, #tpu.memory_space<vmem>>, vector<16xf32>,
    %get3A_116 = vector.shape_cast %get3A_115 : vector<16xf32> to vector<16xf32>
    %parallel_loop3A_117 = arith.constant 0 : i32
    %parallel_loop3A_118 = arith.constant 2048 : i32
    %parallel_loop3A_119 = arith.constant 16 : i32
    scf.for %parallel_loop3A_389 = %parallel_loop3A_117 to %parallel_loop3A_118 step %parallel_loop3A_119  : i32 {
      %parallel_loop3A_390 = tpu.assume_multiple %parallel_loop3A_389, 16 : i32
      %parallel_loop3A_391 = arith.constant 0 : i32
      %parallel_loop3A_392 = arith.index_cast %parallel_loop3A_391 : i32 to index
      %parallel_loop3A_393 = arith.index_cast %parallel_loop3A_390 : i32 to index
      %parallel_loop3A_394 = tpu.vector_load %arg7[%parallel_loop3A_392, %parallel_loop3A_393] {strides = array<i32>} : memref<8x2048xf32, #tpu.memory_space<vmem>>, vector<1x16xf32>,
      %parallel_loop3A_395 = vector.shape_cast %parallel_loop3A_394 : vector<1x16xf32> to vector<16xf32>
      %parallel_loop3A_396 = arith.addf %parallel_loop3A_395, %get3A_116 : vector<16xf32>
      %parallel_loop3A_397 = arith.constant 0 : i32
      %parallel_loop3A_398 = arith.index_cast %parallel_loop3A_397 : i32 to index
      %parallel_loop3A_399 = arith.index_cast %parallel_loop3A_390 : i32 to index
      %parallel_loop3A_400 = tpu.vector_load %arg9[%parallel_loop3A_398, %parallel_loop3A_399] {strides = array<i32>} : memref<8x2048xf32, #tpu.memory_space<vmem>>, vector<1x16xf32>,
      %parallel_loop3A_401 = vector.shape_cast %parallel_loop3A_400 : vector<1x16xf32> to vector<16xf32>
      %parallel_loop3A_402 = vector.shape_cast %parallel_loop3A_396 : vector<16xf32> to vector<1x16xf32>
      tpu.vector_store %arg9[%parallel_loop3A_398, %parallel_loop3A_399], %parallel_loop3A_402 {strides = array<i32>} : memref<8x2048xf32, #tpu.memory_space<vmem>>, vector<1x16xf32>,
    } {sc.loop_unroll_factor = 8 : i64, sc.parallel_access}
    %multiple_of3A_120 = arith.constant 16 : i32
    %multiple_of3A_121 = tpu.assume_multiple %multiple_of3A_120, 16 : i32
    %get3A_122 = arith.index_cast %multiple_of3A_121 : i32 to index
    %get3A_123 = tpu.vector_load %arg5[%get3A_122] {strides = array<i32>} : memref<6400xf32, #tpu.memory_space<vmem>>, vector<16xf32>,
    %get3A_124 = vector.shape_cast %get3A_123 : vector<16xf32> to vector<16xf32>
    %parallel_loop3A_125 = arith.constant 0 : i32
    %parallel_loop3A_126 = arith.constant 2048 : i32
    %parallel_loop3A_127 = arith.constant 16 : i32
    scf.for %parallel_loop3A_389 = %parallel_loop3A_125 to %parallel_loop3A_126 step %parallel_loop3A_127  : i32 {
      %parallel_loop3A_390 = tpu.assume_multiple %parallel_loop3A_389, 16 : i32
      %parallel_loop3A_391 = arith.constant 1 : i32
      %parallel_loop3A_392 = arith.index_cast %parallel_loop3A_391 : i32 to index
      %parallel_loop3A_393 = arith.index_cast %parallel_loop3A_390 : i32 to index
      %parallel_loop3A_394 = tpu.vector_load %arg7[%parallel_loop3A_392, %parallel_loop3A_393] {strides = array<i32>} : memref<8x2048xf32, #tpu.memory_space<vmem>>, vector<1x16xf32>,
      %parallel_loop3A_395 = vector.shape_cast %parallel_loop3A_394 : vector<1x16xf32> to vector<16xf32>
      %parallel_loop3A_396 = arith.addf %parallel_loop3A_395, %get3A_124 : vector<16xf32>
      %parallel_loop3A_397 = arith.constant 1 : i32
      %parallel_loop3A_398 = arith.index_cast %parallel_loop3A_397 : i32 to index
      %parallel_loop3A_399 = arith.index_cast %parallel_loop3A_390 : i32 to index
      %parallel_loop3A_400 = tpu.vector_load %arg9[%parallel_loop3A_398, %parallel_loop3A_399] {strides = array<i32>} : memref<8x2048xf32, #tpu.memory_space<vmem>>, vector<1x16xf32>,
      %parallel_loop3A_401 = vector.shape_cast %parallel_loop3A_400 : vector<1x16xf32> to vector<16xf32>
      %parallel_loop3A_402 = vector.shape_cast %parallel_loop3A_396 : vector<16xf32> to vector<1x16xf32>
      tpu.vector_store %arg9[%parallel_loop3A_398, %parallel_loop3A_399], %parallel_loop3A_402 {strides = array<i32>} : memref<8x2048xf32, #tpu.memory_space<vmem>>, vector<1x16xf32>,
    } {sc.loop_unroll_factor = 8 : i64, sc.parallel_access}
    %multiple_of3A_128 = arith.constant 32 : i32
    %multiple_of3A_129 = tpu.assume_multiple %multiple_of3A_128, 16 : i32
    %get3A_130 = arith.index_cast %multiple_of3A_129 : i32 to index
    %get3A_131 = tpu.vector_load %arg5[%get3A_130] {strides = array<i32>} : memref<6400xf32, #tpu.memory_space<vmem>>, vector<16xf32>,
    %get3A_132 = vector.shape_cast %get3A_131 : vector<16xf32> to vector<16xf32>
    %parallel_loop3A_133 = arith.constant 0 : i32
    %parallel_loop3A_134 = arith.constant 2048 : i32
    %parallel_loop3A_135 = arith.constant 16 : i32
    scf.for %parallel_loop3A_389 = %parallel_loop3A_133 to %parallel_loop3A_134 step %parallel_loop3A_135  : i32 {
      %parallel_loop3A_390 = tpu.assume_multiple %parallel_loop3A_389, 16 : i32
      %parallel_loop3A_391 = arith.constant 2 : i32
      %parallel_loop3A_392 = arith.index_cast %parallel_loop3A_391 : i32 to index
      %parallel_loop3A_393 = arith.index_cast %parallel_loop3A_390 : i32 to index
      %parallel_loop3A_394 = tpu.vector_load %arg7[%parallel_loop3A_392, %parallel_loop3A_393] {strides = array<i32>} : memref<8x2048xf32, #tpu.memory_space<vmem>>, vector<1x16xf32>,
      %parallel_loop3A_395 = vector.shape_cast %parallel_loop3A_394 : vector<1x16xf32> to vector<16xf32>
      %parallel_loop3A_396 = arith.addf %parallel_loop3A_395, %get3A_132 : vector<16xf32>
      %parallel_loop3A_397 = arith.constant 2 : i32
      %parallel_loop3A_398 = arith.index_cast %parallel_loop3A_397 : i32 to index
      %parallel_loop3A_399 = arith.index_cast %parallel_loop3A_390 : i32 to index
      %parallel_loop3A_400 = tpu.vector_load %arg9[%parallel_loop3A_398, %parallel_loop3A_399] {strides = array<i32>} : memref<8x2048xf32, #tpu.memory_space<vmem>>, vector<1x16xf32>,
      %parallel_loop3A_401 = vector.shape_cast %parallel_loop3A_400 : vector<1x16xf32> to vector<16xf32>
      %parallel_loop3A_402 = vector.shape_cast %parallel_loop3A_396 : vector<16xf32> to vector<1x16xf32>
      tpu.vector_store %arg9[%parallel_loop3A_398, %parallel_loop3A_399], %parallel_loop3A_402 {strides = array<i32>} : memref<8x2048xf32, #tpu.memory_space<vmem>>, vector<1x16xf32>,
    } {sc.loop_unroll_factor = 8 : i64, sc.parallel_access}
    %multiple_of3A_136 = arith.constant 48 : i32
    %multiple_of3A_137 = tpu.assume_multiple %multiple_of3A_136, 16 : i32
    %get3A_138 = arith.index_cast %multiple_of3A_137 : i32 to index
    %get3A_139 = tpu.vector_load %arg5[%get3A_138] {strides = array<i32>} : memref<6400xf32, #tpu.memory_space<vmem>>, vector<16xf32>,
    %get3A_140 = vector.shape_cast %get3A_139 : vector<16xf32> to vector<16xf32>
    %parallel_loop3A_141 = arith.constant 0 : i32
    %parallel_loop3A_142 = arith.constant 2048 : i32
    %parallel_loop3A_143 = arith.constant 16 : i32
    scf.for %parallel_loop3A_389 = %parallel_loop3A_141 to %parallel_loop3A_142 step %parallel_loop3A_143  : i32 {
      %parallel_loop3A_390 = tpu.assume_multiple %parallel_loop3A_389, 16 : i32
      %parallel_loop3A_391 = arith.constant 3 : i32
      %parallel_loop3A_392 = arith.index_cast %parallel_loop3A_391 : i32 to index
      %parallel_loop3A_393 = arith.index_cast %parallel_loop3A_390 : i32 to index
      %parallel_loop3A_394 = tpu.vector_load %arg7[%parallel_loop3A_392, %parallel_loop3A_393] {strides = array<i32>} : memref<8x2048xf32, #tpu.memory_space<vmem>>, vector<1x16xf32>,
      %parallel_loop3A_395 = vector.shape_cast %parallel_loop3A_394 : vector<1x16xf32> to vector<16xf32>
      %parallel_loop3A_396 = arith.addf %parallel_loop3A_395, %get3A_140 : vector<16xf32>
      %parallel_loop3A_397 = arith.constant 3 : i32
      %parallel_loop3A_398 = arith.index_cast %parallel_loop3A_397 : i32 to index
      %parallel_loop3A_399 = arith.index_cast %parallel_loop3A_390 : i32 to index
      %parallel_loop3A_400 = tpu.vector_load %arg9[%parallel_loop3A_398, %parallel_loop3A_399] {strides = array<i32>} : memref<8x2048xf32, #tpu.memory_space<vmem>>, vector<1x16xf32>,
      %parallel_loop3A_401 = vector.shape_cast %parallel_loop3A_400 : vector<1x16xf32> to vector<16xf32>
      %parallel_loop3A_402 = vector.shape_cast %parallel_loop3A_396 : vector<16xf32> to vector<1x16xf32>
      tpu.vector_store %arg9[%parallel_loop3A_398, %parallel_loop3A_399], %parallel_loop3A_402 {strides = array<i32>} : memref<8x2048xf32, #tpu.memory_space<vmem>>, vector<1x16xf32>,
    } {sc.loop_unroll_factor = 8 : i64, sc.parallel_access}
    %multiple_of3A_144 = arith.constant 64 : i32
    %multiple_of3A_145 = tpu.assume_multiple %multiple_of3A_144, 16 : i32
    %get3A_146 = arith.index_cast %multiple_of3A_145 : i32 to index
    %get3A_147 = tpu.vector_load %arg5[%get3A_146] {strides = array<i32>} : memref<6400xf32, #tpu.memory_space<vmem>>, vector<16xf32>,
    %get3A_148 = vector.shape_cast %get3A_147 : vector<16xf32> to vector<16xf32>
    %parallel_loop3A_149 = arith.constant 0 : i32
    %parallel_loop3A_150 = arith.constant 2048 : i32
    %parallel_loop3A_151 = arith.constant 16 : i32
    scf.for %parallel_loop3A_389 = %parallel_loop3A_149 to %parallel_loop3A_150 step %parallel_loop3A_151  : i32 {
      %parallel_loop3A_390 = tpu.assume_multiple %parallel_loop3A_389, 16 : i32
      %parallel_loop3A_391 = arith.constant 4 : i32
      %parallel_loop3A_392 = arith.index_cast %parallel_loop3A_391 : i32 to index
      %parallel_loop3A_393 = arith.index_cast %parallel_loop3A_390 : i32 to index
      %parallel_loop3A_394 = tpu.vector_load %arg7[%parallel_loop3A_392, %parallel_loop3A_393] {strides = array<i32>} : memref<8x2048xf32, #tpu.memory_space<vmem>>, vector<1x16xf32>,
      %parallel_loop3A_395 = vector.shape_cast %parallel_loop3A_394 : vector<1x16xf32> to vector<16xf32>
      %parallel_loop3A_396 = arith.addf %parallel_loop3A_395, %get3A_148 : vector<16xf32>
      %parallel_loop3A_397 = arith.constant 4 : i32
      %parallel_loop3A_398 = arith.index_cast %parallel_loop3A_397 : i32 to index
      %parallel_loop3A_399 = arith.index_cast %parallel_loop3A_390 : i32 to index
      %parallel_loop3A_400 = tpu.vector_load %arg9[%parallel_loop3A_398, %parallel_loop3A_399] {strides = array<i32>} : memref<8x2048xf32, #tpu.memory_space<vmem>>, vector<1x16xf32>,
      %parallel_loop3A_401 = vector.shape_cast %parallel_loop3A_400 : vector<1x16xf32> to vector<16xf32>
      %parallel_loop3A_402 = vector.shape_cast %parallel_loop3A_396 : vector<16xf32> to vector<1x16xf32>
      tpu.vector_store %arg9[%parallel_loop3A_398, %parallel_loop3A_399], %parallel_loop3A_402 {strides = array<i32>} : memref<8x2048xf32, #tpu.memory_space<vmem>>, vector<1x16xf32>,
    } {sc.loop_unroll_factor = 8 : i64, sc.parallel_access}
    %multiple_of3A_152 = arith.constant 80 : i32
    %multiple_of3A_153 = tpu.assume_multiple %multiple_of3A_152, 16 : i32
    %get3A_154 = arith.index_cast %multiple_of3A_153 : i32 to index
    %get3A_155 = tpu.vector_load %arg5[%get3A_154] {strides = array<i32>} : memref<6400xf32, #tpu.memory_space<vmem>>, vector<16xf32>,
    %get3A_156 = vector.shape_cast %get3A_155 : vector<16xf32> to vector<16xf32>
    %parallel_loop3A_157 = arith.constant 0 : i32
    %parallel_loop3A_158 = arith.constant 2048 : i32
    %parallel_loop3A_159 = arith.constant 16 : i32
    scf.for %parallel_loop3A_389 = %parallel_loop3A_157 to %parallel_loop3A_158 step %parallel_loop3A_159  : i32 {
      %parallel_loop3A_390 = tpu.assume_multiple %parallel_loop3A_389, 16 : i32
      %parallel_loop3A_391 = arith.constant 5 : i32
      %parallel_loop3A_392 = arith.index_cast %parallel_loop3A_391 : i32 to index
      %parallel_loop3A_393 = arith.index_cast %parallel_loop3A_390 : i32 to index
      %parallel_loop3A_394 = tpu.vector_load %arg7[%parallel_loop3A_392, %parallel_loop3A_393] {strides = array<i32>} : memref<8x2048xf32, #tpu.memory_space<vmem>>, vector<1x16xf32>,
      %parallel_loop3A_395 = vector.shape_cast %parallel_loop3A_394 : vector<1x16xf32> to vector<16xf32>
      %parallel_loop3A_396 = arith.addf %parallel_loop3A_395, %get3A_156 : vector<16xf32>
      %parallel_loop3A_397 = arith.constant 5 : i32
      %parallel_loop3A_398 = arith.index_cast %parallel_loop3A_397 : i32 to index
      %parallel_loop3A_399 = arith.index_cast %parallel_loop3A_390 : i32 to index
      %parallel_loop3A_400 = tpu.vector_load %arg9[%parallel_loop3A_398, %parallel_loop3A_399] {strides = array<i32>} : memref<8x2048xf32, #tpu.memory_space<vmem>>, vector<1x16xf32>,
      %parallel_loop3A_401 = vector.shape_cast %parallel_loop3A_400 : vector<1x16xf32> to vector<16xf32>
      %parallel_loop3A_402 = vector.shape_cast %parallel_loop3A_396 : vector<16xf32> to vector<1x16xf32>
      tpu.vector_store %arg9[%parallel_loop3A_398, %parallel_loop3A_399], %parallel_loop3A_402 {strides = array<i32>} : memref<8x2048xf32, #tpu.memory_space<vmem>>, vector<1x16xf32>,
    } {sc.loop_unroll_factor = 8 : i64, sc.parallel_access}
    %multiple_of3A_160 = arith.constant 96 : i32
    %multiple_of3A_161 = tpu.assume_multiple %multiple_of3A_160, 16 : i32
    %get3A_162 = arith.index_cast %multiple_of3A_161 : i32 to index
    %get3A_163 = tpu.vector_load %arg5[%get3A_162] {strides = array<i32>} : memref<6400xf32, #tpu.memory_space<vmem>>, vector<16xf32>,
    %get3A_164 = vector.shape_cast %get3A_163 : vector<16xf32> to vector<16xf32>
    %parallel_loop3A_165 = arith.constant 0 : i32
    %parallel_loop3A_166 = arith.constant 2048 : i32
    %parallel_loop3A_167 = arith.constant 16 : i32
    scf.for %parallel_loop3A_389 = %parallel_loop3A_165 to %parallel_loop3A_166 step %parallel_loop3A_167  : i32 {
      %parallel_loop3A_390 = tpu.assume_multiple %parallel_loop3A_389, 16 : i32
      %parallel_loop3A_391 = arith.constant 6 : i32
      %parallel_loop3A_392 = arith.index_cast %parallel_loop3A_391 : i32 to index
      %parallel_loop3A_393 = arith.index_cast %parallel_loop3A_390 : i32 to index
      %parallel_loop3A_394 = tpu.vector_load %arg7[%parallel_loop3A_392, %parallel_loop3A_393] {strides = array<i32>} : memref<8x2048xf32, #tpu.memory_space<vmem>>, vector<1x16xf32>,
      %parallel_loop3A_395 = vector.shape_cast %parallel_loop3A_394 : vector<1x16xf32> to vector<16xf32>
      %parallel_loop3A_396 = arith.addf %parallel_loop3A_395, %get3A_164 : vector<16xf32>
      %parallel_loop3A_397 = arith.constant 6 : i32
      %parallel_loop3A_398 = arith.index_cast %parallel_loop3A_397 : i32 to index
      %parallel_loop3A_399 = arith.index_cast %parallel_loop3A_390 : i32 to index
      %parallel_loop3A_400 = tpu.vector_load %arg9[%parallel_loop3A_398, %parallel_loop3A_399] {strides = array<i32>} : memref<8x2048xf32, #tpu.memory_space<vmem>>, vector<1x16xf32>,
      %parallel_loop3A_401 = vector.shape_cast %parallel_loop3A_400 : vector<1x16xf32> to vector<16xf32>
      %parallel_loop3A_402 = vector.shape_cast %parallel_loop3A_396 : vector<16xf32> to vector<1x16xf32>
      tpu.vector_store %arg9[%parallel_loop3A_398, %parallel_loop3A_399], %parallel_loop3A_402 {strides = array<i32>} : memref<8x2048xf32, #tpu.memory_space<vmem>>, vector<1x16xf32>,
    } {sc.loop_unroll_factor = 8 : i64, sc.parallel_access}
    %multiple_of3A_168 = arith.constant 112 : i32
    %multiple_of3A_169 = tpu.assume_multiple %multiple_of3A_168, 16 : i32
    %get3A_170 = arith.index_cast %multiple_of3A_169 : i32 to index
    %get3A_171 = tpu.vector_load %arg5[%get3A_170] {strides = array<i32>} : memref<6400xf32, #tpu.memory_space<vmem>>, vector<16xf32>,
    %get3A_172 = vector.shape_cast %get3A_171 : vector<16xf32> to vector<16xf32>
    %parallel_loop3A_173 = arith.constant 0 : i32
    %parallel_loop3A_174 = arith.constant 2048 : i32
    %parallel_loop3A_175 = arith.constant 16 : i32
    scf.for %parallel_loop3A_389 = %parallel_loop3A_173 to %parallel_loop3A_174 step %parallel_loop3A_175  : i32 {
      %parallel_loop3A_390 = tpu.assume_multiple %parallel_loop3A_389, 16 : i32
      %parallel_loop3A_391 = arith.constant 7 : i32
      %parallel_loop3A_392 = arith.index_cast %parallel_loop3A_391 : i32 to index
      %parallel_loop3A_393 = arith.index_cast %parallel_loop3A_390 : i32 to index
      %parallel_loop3A_394 = tpu.vector_load %arg7[%parallel_loop3A_392, %parallel_loop3A_393] {strides = array<i32>} : memref<8x2048xf32, #tpu.memory_space<vmem>>, vector<1x16xf32>,
      %parallel_loop3A_395 = vector.shape_cast %parallel_loop3A_394 : vector<1x16xf32> to vector<16xf32>
      %parallel_loop3A_396 = arith.addf %parallel_loop3A_395, %get3A_172 : vector<16xf32>
      %parallel_loop3A_397 = arith.constant 7 : i32
      %parallel_loop3A_398 = arith.index_cast %parallel_loop3A_397 : i32 to index
      %parallel_loop3A_399 = arith.index_cast %parallel_loop3A_390 : i32 to index
      %parallel_loop3A_400 = tpu.vector_load %arg9[%parallel_loop3A_398, %parallel_loop3A_399] {strides = array<i32>} : memref<8x2048xf32, #tpu.memory_space<vmem>>, vector<1x16xf32>,
      %parallel_loop3A_401 = vector.shape_cast %parallel_loop3A_400 : vector<1x16xf32> to vector<16xf32>
      %parallel_loop3A_402 = vector.shape_cast %parallel_loop3A_396 : vector<16xf32> to vector<1x16xf32>
      tpu.vector_store %arg9[%parallel_loop3A_398, %parallel_loop3A_399], %parallel_loop3A_402 {strides = array<i32>} : memref<8x2048xf32, #tpu.memory_space<vmem>>, vector<1x16xf32>,
    } {sc.loop_unroll_factor = 8 : i64, sc.parallel_access}
    %add3A_176 = arith.constant 0 : i32
    %add3A_177 = arith.addi %mul3A_2, %add3A_176 : i32
    %mul3A_178 = arith.constant 8 : i32
    %mul3A_179 = arith.muli %add3A_177, %mul3A_178 : i32
    %dma_start3A_180 = arith.constant 2048 : i32
    %dma_start3A_181 = tpu.memref_slice %arg4[%mul3A_179, %dma_start3A_180] : memref<12800x4096xf32, #tpu.memory_space<hbm>> -> memref<8x2048xf32, #tpu.memory_space<hbm>>
    %dma_start3A_182 = arith.constant 2048 : i32
    %dma_start3A_183 = tpu.memref_slice %arg4[%mul3A_179, %dma_start3A_182] : memref<12800x4096xf32, #tpu.memory_space<hbm>> -> memref<8x2048xf32, #tpu.memory_space<hbm>>
    tpu.enqueue_dma source(%arg9 : memref<8x2048xf32, #tpu.memory_space<vmem>>) target(%dma_start3A_183 : memref<8x2048xf32, #tpu.memory_space<hbm>>) target_semaphore(%arg13 : memref<!tpu.dma_semaphore, #tpu.memory_space<semaphore_mem>>)
    %add3A_184 = arith.constant 1 : i32
    %add3A_185 = arith.addi %mul3A_2, %add3A_184 : i32
    %mul3A_186 = arith.constant 8 : i32
    %mul3A_187 = arith.muli %add3A_185, %mul3A_186 : i32
    %dma_start3A_188 = arith.constant 2048 : i32
    %dma_start3A_189 = tpu.memref_slice %arg2[%mul3A_187, %dma_start3A_188] : memref<12800x4096xf32, #tpu.memory_space<hbm>> -> memref<8x2048xf32, #tpu.memory_space<hbm>>
    %dma_start3A_190 = arith.constant 2048 : i32
    %dma_start3A_191 = tpu.memref_slice %arg2[%mul3A_187, %dma_start3A_190] : memref<12800x4096xf32, #tpu.memory_space<hbm>> -> memref<8x2048xf32, #tpu.memory_space<hbm>>
    tpu.enqueue_dma source(%dma_start3A_191 : memref<8x2048xf32, #tpu.memory_space<hbm>>) target(%arg7 : memref<8x2048xf32, #tpu.memory_space<vmem>>) target_semaphore(%arg11 : memref<!tpu.dma_semaphore, #tpu.memory_space<semaphore_mem>>)
    %scan3A = arith.constant 0 : i32
    %scan3A_192 = arith.constant 1 : i32
    %scan3A_193 = arith.constant 48 : i32
    %scan3A_194 = arith.addi %scan3A_192, %scan3A_193 : i32
    %scan3A_195 = arith.constant 1 : i32
    scf.for %scan3A_389 = %scan3A_192 to %scan3A_194 step %scan3A_195  : i32 {
      %mul3A_390 = arith.constant 2 : i32
      %mul3A_391 = arith.muli %scan3A_389, %mul3A_390 : i32
      %add3A_392 = arith.constant 0 : i32
      %add3A_393 = arith.addi %mul3A_391, %add3A_392 : i32
      %jit3A = arith.constant 2 : i32
      %div3A = arith.divsi %add3A_393, %jit3A : i32
      %sign3A = arith.constant 0 : i32
      %sign3A_394 = arith.cmpi sgt, %add3A_393, %sign3A : i32
      %sign3A_395 = arith.extui %sign3A_394 : i1 to i32
      %sign3A_396 = arith.constant 0 : i32
      %sign3A_397 = arith.cmpi slt, %add3A_393, %sign3A_396 : i32
      %sign3A_398 = arith.extui %sign3A_397 : i1 to i32
      %sign3A_399 = arith.subi %sign3A_395, %sign3A_398 : i32
      %sign3A_400 = arith.constant 0 : i32
      %sign3A_401 = arith.cmpi sgt, %jit3A, %sign3A_400 : i32
      %sign3A_402 = arith.extui %sign3A_401 : i1 to i32
      %sign3A_403 = arith.constant 0 : i32
      %sign3A_404 = arith.cmpi slt, %jit3A, %sign3A_403 : i32
      %sign3A_405 = arith.extui %sign3A_404 : i1 to i32
      %sign3A_406 = arith.subi %sign3A_402, %sign3A_405 : i32
      %ne3A = arith.cmpi ne, %sign3A_399, %sign3A_406 : i32
      %rem3A = arith.remsi %add3A_393, %jit3A : i32
      %ne3A_407 = arith.constant 0 : i32
      %ne3A_408 = arith.cmpi ne, %rem3A, %ne3A_407 : i32
      %and3A = arith.andi %ne3A, %ne3A_408 : i1
      %sub3A = arith.constant 1 : i32
      %sub3A_409 = arith.subi %div3A, %sub3A : i32
      %select_n3A = arith.select %and3A, %sub3A_409, %div3A : i32
      %add3A_410 = arith.addi %mul3A_2, %select_n3A : i32
      %mul3A_411 = arith.constant 8 : i32
      %mul3A_412 = arith.muli %add3A_410, %mul3A_411 : i32
      %jit3A_413 = arith.constant 2 : i32
      %eq3A = arith.constant 0 : i32
      %eq3A_414 = arith.cmpi eq, %jit3A_413, %eq3A : i32
      %jit3A_415 = arith.constant 1 : i32
      %select_n3A_416 = arith.select %eq3A_414, %jit3A_415, %jit3A_413 : i32
      %rem3A_417 = arith.remsi %add3A_393, %select_n3A_416 : i32
      %ne3A_418 = arith.constant 0 : i32
      %ne3A_419 = arith.cmpi ne, %rem3A_417, %ne3A_418 : i32
      %lt3A = arith.constant 0 : i32
      %lt3A_420 = arith.cmpi slt, %rem3A_417, %lt3A : i32
      %lt3A_421 = arith.constant 0 : i32
      %lt3A_422 = arith.cmpi slt, %select_n3A_416, %lt3A_421 : i32
      %ne3A_423 = arith.xori %lt3A_420, %lt3A_422 : i1
      %and3A_424 = arith.andi %ne3A_423, %ne3A_419 : i1
      %add3A_425 = arith.addi %rem3A_417, %select_n3A_416 : i32
      %select_n3A_426 = arith.select %and3A_424, %add3A_425, %rem3A_417 : i32
      %mul3A_427 = arith.constant 2048 : i32
      %mul3A_428 = arith.muli %select_n3A_426, %mul3A_427 : i32
      %dma_wait3A_429 = tpu.memref_slice %arg2[%mul3A_412, %mul3A_428] : memref<12800x4096xf32, #tpu.memory_space<hbm>> -> memref<8x2048xf32, #tpu.memory_space<hbm>>
      %dma_wait3A_430 = tpu.memref_slice %arg2[%mul3A_412, %mul3A_428] : memref<12800x4096xf32, #tpu.memory_space<hbm>> -> memref<8x2048xf32, #tpu.memory_space<hbm>>
      tpu.wait_dma2 semaphore(%arg10 : memref<!tpu.dma_semaphore, #tpu.memory_space<semaphore_mem>>) src(%dma_wait3A_430 : memref<8x2048xf32, #tpu.memory_space<hbm>>) dst(%arg6 : memref<8x2048xf32, #tpu.memory_space<vmem>>)
      %jit3A_431 = arith.constant 2 : i32
      %div3A_432 = arith.divsi %add3A_393, %jit3A_431 : i32
      %sign3A_433 = arith.constant 0 : i32
      %sign3A_434 = arith.cmpi sgt, %add3A_393, %sign3A_433 : i32
      %sign3A_435 = arith.extui %sign3A_434 : i1 to i32
      %sign3A_436 = arith.constant 0 : i32
      %sign3A_437 = arith.cmpi slt, %add3A_393, %sign3A_436 : i32
      %sign3A_438 = arith.extui %sign3A_437 : i1 to i32
      %sign3A_439 = arith.subi %sign3A_435, %sign3A_438 : i32
      %sign3A_440 = arith.constant 0 : i32
      %sign3A_441 = arith.cmpi sgt, %jit3A_431, %sign3A_440 : i32
      %sign3A_442 = arith.extui %sign3A_441 : i1 to i32
      %sign3A_443 = arith.constant 0 : i32
      %sign3A_444 = arith.cmpi slt, %jit3A_431, %sign3A_443 : i32
      %sign3A_445 = arith.extui %sign3A_444 : i1 to i32
      %sign3A_446 = arith.subi %sign3A_442, %sign3A_445 : i32
      %ne3A_447 = arith.cmpi ne, %sign3A_439, %sign3A_446 : i32
      %rem3A_448 = arith.remsi %add3A_393, %jit3A_431 : i32
      %ne3A_449 = arith.constant 0 : i32
      %ne3A_450 = arith.cmpi ne, %rem3A_448, %ne3A_449 : i32
      %and3A_451 = arith.andi %ne3A_447, %ne3A_450 : i1
      %sub3A_452 = arith.constant 1 : i32
      %sub3A_453 = arith.subi %div3A_432, %sub3A_452 : i32
      %select_n3A_454 = arith.select %and3A_451, %sub3A_453, %div3A_432 : i32
      %add3A_455 = arith.addi %mul3A_2, %select_n3A_454 : i32
      %mul3A_456 = arith.constant 8 : i32
      %mul3A_457 = arith.muli %add3A_455, %mul3A_456 : i32
      %jit3A_458 = arith.constant 2 : i32
      %eq3A_459 = arith.constant 0 : i32
      %eq3A_460 = arith.cmpi eq, %jit3A_458, %eq3A_459 : i32
      %jit3A_461 = arith.constant 1 : i32
      %select_n3A_462 = arith.select %eq3A_460, %jit3A_461, %jit3A_458 : i32
      %rem3A_463 = arith.remsi %add3A_393, %select_n3A_462 : i32
      %ne3A_464 = arith.constant 0 : i32
      %ne3A_465 = arith.cmpi ne, %rem3A_463, %ne3A_464 : i32
      %lt3A_466 = arith.constant 0 : i32
      %lt3A_467 = arith.cmpi slt, %rem3A_463, %lt3A_466 : i32
      %lt3A_468 = arith.constant 0 : i32
      %lt3A_469 = arith.cmpi slt, %select_n3A_462, %lt3A_468 : i32
      %ne3A_470 = arith.xori %lt3A_467, %lt3A_469 : i1
      %and3A_471 = arith.andi %ne3A_470, %ne3A_465 : i1
      %add3A_472 = arith.addi %rem3A_463, %select_n3A_462 : i32
      %select_n3A_473 = arith.select %and3A_471, %add3A_472, %rem3A_463 : i32
      %mul3A_474 = arith.constant 2048 : i32
      %mul3A_475 = arith.muli %select_n3A_473, %mul3A_474 : i32
      %dma_wait3A_476 = tpu.memref_slice %arg4[%mul3A_457, %mul3A_475] : memref<12800x4096xf32, #tpu.memory_space<hbm>> -> memref<8x2048xf32, #tpu.memory_space<hbm>>
      %dma_wait3A_477 = tpu.memref_slice %arg4[%mul3A_457, %mul3A_475] : memref<12800x4096xf32, #tpu.memory_space<hbm>> -> memref<8x2048xf32, #tpu.memory_space<hbm>>
      tpu.wait_dma2 semaphore(%arg12 : memref<!tpu.dma_semaphore, #tpu.memory_space<semaphore_mem>>) src(%arg8 : memref<8x2048xf32, #tpu.memory_space<vmem>>) dst(%dma_wait3A_477 : memref<8x2048xf32, #tpu.memory_space<hbm>>)
      %jit3A_478 = arith.constant 2 : i32
      %div3A_479 = arith.divsi %add3A_393, %jit3A_478 : i32
      %sign3A_480 = arith.constant 0 : i32
      %sign3A_481 = arith.cmpi sgt, %add3A_393, %sign3A_480 : i32
      %sign3A_482 = arith.extui %sign3A_481 : i1 to i32
      %sign3A_483 = arith.constant 0 : i32
      %sign3A_484 = arith.cmpi slt, %add3A_393, %sign3A_483 : i32
      %sign3A_485 = arith.extui %sign3A_484 : i1 to i32
      %sign3A_486 = arith.subi %sign3A_482, %sign3A_485 : i32
      %sign3A_487 = arith.constant 0 : i32
      %sign3A_488 = arith.cmpi sgt, %jit3A_478, %sign3A_487 : i32
      %sign3A_489 = arith.extui %sign3A_488 : i1 to i32
      %sign3A_490 = arith.constant 0 : i32
      %sign3A_491 = arith.cmpi slt, %jit3A_478, %sign3A_490 : i32
      %sign3A_492 = arith.extui %sign3A_491 : i1 to i32
      %sign3A_493 = arith.subi %sign3A_489, %sign3A_492 : i32
      %ne3A_494 = arith.cmpi ne, %sign3A_486, %sign3A_493 : i32
      %rem3A_495 = arith.remsi %add3A_393, %jit3A_478 : i32
      %ne3A_496 = arith.constant 0 : i32
      %ne3A_497 = arith.cmpi ne, %rem3A_495, %ne3A_496 : i32
      %and3A_498 = arith.andi %ne3A_494, %ne3A_497 : i1
      %sub3A_499 = arith.constant 1 : i32
      %sub3A_500 = arith.subi %div3A_479, %sub3A_499 : i32
      %select_n3A_501 = arith.select %and3A_498, %sub3A_500, %div3A_479 : i32
      %mul3A_502 = arith.constant 128 : i32
      %mul3A_503 = arith.muli %select_n3A_501, %mul3A_502 : i32
      %add3A_504 = arith.constant 0 : i32
      %add3A_505 = arith.addi %mul3A_503, %add3A_504 : i32
      %multiple_of3A_506 = tpu.assume_multiple %add3A_505, 16 : i32
      %get3A_507 = arith.index_cast %multiple_of3A_506 : i32 to index
      %get3A_508 = tpu.vector_load %arg5[%get3A_507] {strides = array<i32>} : memref<6400xf32, #tpu.memory_space<vmem>>, vector<16xf32>,
      %get3A_509 = vector.shape_cast %get3A_508 : vector<16xf32> to vector<16xf32>
      %parallel_loop3A_510 = arith.constant 0 : i32
      %parallel_loop3A_511 = arith.constant 2048 : i32
      %parallel_loop3A_512 = arith.constant 16 : i32
      scf.for %parallel_loop3A_964 = %parallel_loop3A_510 to %parallel_loop3A_511 step %parallel_loop3A_512  : i32 {
        %parallel_loop3A_965 = tpu.assume_multiple %parallel_loop3A_964, 16 : i32
        %parallel_loop3A_966 = arith.constant 0 : i32
        %parallel_loop3A_967 = arith.index_cast %parallel_loop3A_966 : i32 to index
        %parallel_loop3A_968 = arith.index_cast %parallel_loop3A_965 : i32 to index
        %parallel_loop3A_969 = tpu.vector_load %arg6[%parallel_loop3A_967, %parallel_loop3A_968] {strides = array<i32>} : memref<8x2048xf32, #tpu.memory_space<vmem>>, vector<1x16xf32>,
        %parallel_loop3A_970 = vector.shape_cast %parallel_loop3A_969 : vector<1x16xf32> to vector<16xf32>
        %parallel_loop3A_971 = arith.addf %parallel_loop3A_970, %get3A_509 : vector<16xf32>
        %parallel_loop3A_972 = arith.constant 0 : i32
        %parallel_loop3A_973 = arith.index_cast %parallel_loop3A_972 : i32 to index
        %parallel_loop3A_974 = arith.index_cast %parallel_loop3A_965 : i32 to index
        %parallel_loop3A_975 = tpu.vector_load %arg8[%parallel_loop3A_973, %parallel_loop3A_974] {strides = array<i32>} : memref<8x2048xf32, #tpu.memory_space<vmem>>, vector<1x16xf32>,
        %parallel_loop3A_976 = vector.shape_cast %parallel_loop3A_975 : vector<1x16xf32> to vector<16xf32>
        %parallel_loop3A_977 = vector.shape_cast %parallel_loop3A_971 : vector<16xf32> to vector<1x16xf32>
        tpu.vector_store %arg8[%parallel_loop3A_973, %parallel_loop3A_974], %parallel_loop3A_977 {strides = array<i32>} : memref<8x2048xf32, #tpu.memory_space<vmem>>, vector<1x16xf32>,
      } {sc.loop_unroll_factor = 8 : i64, sc.parallel_access}
      %add3A_513 = arith.constant 16 : i32
      %add3A_514 = arith.addi %mul3A_503, %add3A_513 : i32
      %multiple_of3A_515 = tpu.assume_multiple %add3A_514, 16 : i32
      %get3A_516 = arith.index_cast %multiple_of3A_515 : i32 to index
      %get3A_517 = tpu.vector_load %arg5[%get3A_516] {strides = array<i32>} : memref<6400xf32, #tpu.memory_space<vmem>>, vector<16xf32>,
      %get3A_518 = vector.shape_cast %get3A_517 : vector<16xf32> to vector<16xf32>
      %parallel_loop3A_519 = arith.constant 0 : i32
      %parallel_loop3A_520 = arith.constant 2048 : i32
      %parallel_loop3A_521 = arith.constant 16 : i32
      scf.for %parallel_loop3A_964 = %parallel_loop3A_519 to %parallel_loop3A_520 step %parallel_loop3A_521  : i32 {
        %parallel_loop3A_965 = tpu.assume_multiple %parallel_loop3A_964, 16 : i32
        %parallel_loop3A_966 = arith.constant 1 : i32
        %parallel_loop3A_967 = arith.index_cast %parallel_loop3A_966 : i32 to index
        %parallel_loop3A_968 = arith.index_cast %parallel_loop3A_965 : i32 to index
        %parallel_loop3A_969 = tpu.vector_load %arg6[%parallel_loop3A_967, %parallel_loop3A_968] {strides = array<i32>} : memref<8x2048xf32, #tpu.memory_space<vmem>>, vector<1x16xf32>,
        %parallel_loop3A_970 = vector.shape_cast %parallel_loop3A_969 : vector<1x16xf32> to vector<16xf32>
        %parallel_loop3A_971 = arith.addf %parallel_loop3A_970, %get3A_518 : vector<16xf32>
        %parallel_loop3A_972 = arith.constant 1 : i32
        %parallel_loop3A_973 = arith.index_cast %parallel_loop3A_972 : i32 to index
        %parallel_loop3A_974 = arith.index_cast %parallel_loop3A_965 : i32 to index
        %parallel_loop3A_975 = tpu.vector_load %arg8[%parallel_loop3A_973, %parallel_loop3A_974] {strides = array<i32>} : memref<8x2048xf32, #tpu.memory_space<vmem>>, vector<1x16xf32>,
        %parallel_loop3A_976 = vector.shape_cast %parallel_loop3A_975 : vector<1x16xf32> to vector<16xf32>
        %parallel_loop3A_977 = vector.shape_cast %parallel_loop3A_971 : vector<16xf32> to vector<1x16xf32>
        tpu.vector_store %arg8[%parallel_loop3A_973, %parallel_loop3A_974], %parallel_loop3A_977 {strides = array<i32>} : memref<8x2048xf32, #tpu.memory_space<vmem>>, vector<1x16xf32>,
      } {sc.loop_unroll_factor = 8 : i64, sc.parallel_access}
      %add3A_522 = arith.constant 32 : i32
      %add3A_523 = arith.addi %mul3A_503, %add3A_522 : i32
      %multiple_of3A_524 = tpu.assume_multiple %add3A_523, 16 : i32
      %get3A_525 = arith.index_cast %multiple_of3A_524 : i32 to index
      %get3A_526 = tpu.vector_load %arg5[%get3A_525] {strides = array<i32>} : memref<6400xf32, #tpu.memory_space<vmem>>, vector<16xf32>,
      %get3A_527 = vector.shape_cast %get3A_526 : vector<16xf32> to vector<16xf32>
      %parallel_loop3A_528 = arith.constant 0 : i32
      %parallel_loop3A_529 = arith.constant 2048 : i32
      %parallel_loop3A_530 = arith.constant 16 : i32
      scf.for %parallel_loop3A_964 = %parallel_loop3A_528 to %parallel_loop3A_529 step %parallel_loop3A_530  : i32 {
        %parallel_loop3A_965 = tpu.assume_multiple %parallel_loop3A_964, 16 : i32
        %parallel_loop3A_966 = arith.constant 2 : i32
        %parallel_loop3A_967 = arith.index_cast %parallel_loop3A_966 : i32 to index
        %parallel_loop3A_968 = arith.index_cast %parallel_loop3A_965 : i32 to index
        %parallel_loop3A_969 = tpu.vector_load %arg6[%parallel_loop3A_967, %parallel_loop3A_968] {strides = array<i32>} : memref<8x2048xf32, #tpu.memory_space<vmem>>, vector<1x16xf32>,
        %parallel_loop3A_970 = vector.shape_cast %parallel_loop3A_969 : vector<1x16xf32> to vector<16xf32>
        %parallel_loop3A_971 = arith.addf %parallel_loop3A_970, %get3A_527 : vector<16xf32>
        %parallel_loop3A_972 = arith.constant 2 : i32
        %parallel_loop3A_973 = arith.index_cast %parallel_loop3A_972 : i32 to index
        %parallel_loop3A_974 = arith.index_cast %parallel_loop3A_965 : i32 to index
        %parallel_loop3A_975 = tpu.vector_load %arg8[%parallel_loop3A_973, %parallel_loop3A_974] {strides = array<i32>} : memref<8x2048xf32, #tpu.memory_space<vmem>>, vector<1x16xf32>,
        %parallel_loop3A_976 = vector.shape_cast %parallel_loop3A_975 : vector<1x16xf32> to vector<16xf32>
        %parallel_loop3A_977 = vector.shape_cast %parallel_loop3A_971 : vector<16xf32> to vector<1x16xf32>
        tpu.vector_store %arg8[%parallel_loop3A_973, %parallel_loop3A_974], %parallel_loop3A_977 {strides = array<i32>} : memref<8x2048xf32, #tpu.memory_space<vmem>>, vector<1x16xf32>,
      } {sc.loop_unroll_factor = 8 : i64, sc.parallel_access}
      %add3A_531 = arith.constant 48 : i32
      %add3A_532 = arith.addi %mul3A_503, %add3A_531 : i32
      %multiple_of3A_533 = tpu.assume_multiple %add3A_532, 16 : i32
      %get3A_534 = arith.index_cast %multiple_of3A_533 : i32 to index
      %get3A_535 = tpu.vector_load %arg5[%get3A_534] {strides = array<i32>} : memref<6400xf32, #tpu.memory_space<vmem>>, vector<16xf32>,
      %get3A_536 = vector.shape_cast %get3A_535 : vector<16xf32> to vector<16xf32>
      %parallel_loop3A_537 = arith.constant 0 : i32
      %parallel_loop3A_538 = arith.constant 2048 : i32
      %parallel_loop3A_539 = arith.constant 16 : i32
      scf.for %parallel_loop3A_964 = %parallel_loop3A_537 to %parallel_loop3A_538 step %parallel_loop3A_539  : i32 {
        %parallel_loop3A_965 = tpu.assume_multiple %parallel_loop3A_964, 16 : i32
        %parallel_loop3A_966 = arith.constant 3 : i32
        %parallel_loop3A_967 = arith.index_cast %parallel_loop3A_966 : i32 to index
        %parallel_loop3A_968 = arith.index_cast %parallel_loop3A_965 : i32 to index
        %parallel_loop3A_969 = tpu.vector_load %arg6[%parallel_loop3A_967, %parallel_loop3A_968] {strides = array<i32>} : memref<8x2048xf32, #tpu.memory_space<vmem>>, vector<1x16xf32>,
        %parallel_loop3A_970 = vector.shape_cast %parallel_loop3A_969 : vector<1x16xf32> to vector<16xf32>
        %parallel_loop3A_971 = arith.addf %parallel_loop3A_970, %get3A_536 : vector<16xf32>
        %parallel_loop3A_972 = arith.constant 3 : i32
        %parallel_loop3A_973 = arith.index_cast %parallel_loop3A_972 : i32 to index
        %parallel_loop3A_974 = arith.index_cast %parallel_loop3A_965 : i32 to index
        %parallel_loop3A_975 = tpu.vector_load %arg8[%parallel_loop3A_973, %parallel_loop3A_974] {strides = array<i32>} : memref<8x2048xf32, #tpu.memory_space<vmem>>, vector<1x16xf32>,
        %parallel_loop3A_976 = vector.shape_cast %parallel_loop3A_975 : vector<1x16xf32> to vector<16xf32>
        %parallel_loop3A_977 = vector.shape_cast %parallel_loop3A_971 : vector<16xf32> to vector<1x16xf32>
        tpu.vector_store %arg8[%parallel_loop3A_973, %parallel_loop3A_974], %parallel_loop3A_977 {strides = array<i32>} : memref<8x2048xf32, #tpu.memory_space<vmem>>, vector<1x16xf32>,
      } {sc.loop_unroll_factor = 8 : i64, sc.parallel_access}
      %add3A_540 = arith.constant 64 : i32
      %add3A_541 = arith.addi %mul3A_503, %add3A_540 : i32
      %multiple_of3A_542 = tpu.assume_multiple %add3A_541, 16 : i32
      %get3A_543 = arith.index_cast %multiple_of3A_542 : i32 to index
      %get3A_544 = tpu.vector_load %arg5[%get3A_543] {strides = array<i32>} : memref<6400xf32, #tpu.memory_space<vmem>>, vector<16xf32>,
      %get3A_545 = vector.shape_cast %get3A_544 : vector<16xf32> to vector<16xf32>
      %parallel_loop3A_546 = arith.constant 0 : i32
      %parallel_loop3A_547 = arith.constant 2048 : i32
      %parallel_loop3A_548 = arith.constant 16 : i32
      scf.for %parallel_loop3A_964 = %parallel_loop3A_546 to %parallel_loop3A_547 step %parallel_loop3A_548  : i32 {
        %parallel_loop3A_965 = tpu.assume_multiple %parallel_loop3A_964, 16 : i32
        %parallel_loop3A_966 = arith.constant 4 : i32
        %parallel_loop3A_967 = arith.index_cast %parallel_loop3A_966 : i32 to index
        %parallel_loop3A_968 = arith.index_cast %parallel_loop3A_965 : i32 to index
        %parallel_loop3A_969 = tpu.vector_load %arg6[%parallel_loop3A_967, %parallel_loop3A_968] {strides = array<i32>} : memref<8x2048xf32, #tpu.memory_space<vmem>>, vector<1x16xf32>,
        %parallel_loop3A_970 = vector.shape_cast %parallel_loop3A_969 : vector<1x16xf32> to vector<16xf32>
        %parallel_loop3A_971 = arith.addf %parallel_loop3A_970, %get3A_545 : vector<16xf32>
        %parallel_loop3A_972 = arith.constant 4 : i32
        %parallel_loop3A_973 = arith.index_cast %parallel_loop3A_972 : i32 to index
        %parallel_loop3A_974 = arith.index_cast %parallel_loop3A_965 : i32 to index
        %parallel_loop3A_975 = tpu.vector_load %arg8[%parallel_loop3A_973, %parallel_loop3A_974] {strides = array<i32>} : memref<8x2048xf32, #tpu.memory_space<vmem>>, vector<1x16xf32>,
        %parallel_loop3A_976 = vector.shape_cast %parallel_loop3A_975 : vector<1x16xf32> to vector<16xf32>
        %parallel_loop3A_977 = vector.shape_cast %parallel_loop3A_971 : vector<16xf32> to vector<1x16xf32>
        tpu.vector_store %arg8[%parallel_loop3A_973, %parallel_loop3A_974], %parallel_loop3A_977 {strides = array<i32>} : memref<8x2048xf32, #tpu.memory_space<vmem>>, vector<1x16xf32>,
      } {sc.loop_unroll_factor = 8 : i64, sc.parallel_access}
      %add3A_549 = arith.constant 80 : i32
      %add3A_550 = arith.addi %mul3A_503, %add3A_549 : i32
      %multiple_of3A_551 = tpu.assume_multiple %add3A_550, 16 : i32
      %get3A_552 = arith.index_cast %multiple_of3A_551 : i32 to index
      %get3A_553 = tpu.vector_load %arg5[%get3A_552] {strides = array<i32>} : memref<6400xf32, #tpu.memory_space<vmem>>, vector<16xf32>,
      %get3A_554 = vector.shape_cast %get3A_553 : vector<16xf32> to vector<16xf32>
      %parallel_loop3A_555 = arith.constant 0 : i32
      %parallel_loop3A_556 = arith.constant 2048 : i32
      %parallel_loop3A_557 = arith.constant 16 : i32
      scf.for %parallel_loop3A_964 = %parallel_loop3A_555 to %parallel_loop3A_556 step %parallel_loop3A_557  : i32 {
        %parallel_loop3A_965 = tpu.assume_multiple %parallel_loop3A_964, 16 : i32
        %parallel_loop3A_966 = arith.constant 5 : i32
        %parallel_loop3A_967 = arith.index_cast %parallel_loop3A_966 : i32 to index
        %parallel_loop3A_968 = arith.index_cast %parallel_loop3A_965 : i32 to index
        %parallel_loop3A_969 = tpu.vector_load %arg6[%parallel_loop3A_967, %parallel_loop3A_968] {strides = array<i32>} : memref<8x2048xf32, #tpu.memory_space<vmem>>, vector<1x16xf32>,
        %parallel_loop3A_970 = vector.shape_cast %parallel_loop3A_969 : vector<1x16xf32> to vector<16xf32>
        %parallel_loop3A_971 = arith.addf %parallel_loop3A_970, %get3A_554 : vector<16xf32>
        %parallel_loop3A_972 = arith.constant 5 : i32
        %parallel_loop3A_973 = arith.index_cast %parallel_loop3A_972 : i32 to index
        %parallel_loop3A_974 = arith.index_cast %parallel_loop3A_965 : i32 to index
        %parallel_loop3A_975 = tpu.vector_load %arg8[%parallel_loop3A_973, %parallel_loop3A_974] {strides = array<i32>} : memref<8x2048xf32, #tpu.memory_space<vmem>>, vector<1x16xf32>,
        %parallel_loop3A_976 = vector.shape_cast %parallel_loop3A_975 : vector<1x16xf32> to vector<16xf32>
        %parallel_loop3A_977 = vector.shape_cast %parallel_loop3A_971 : vector<16xf32> to vector<1x16xf32>
        tpu.vector_store %arg8[%parallel_loop3A_973, %parallel_loop3A_974], %parallel_loop3A_977 {strides = array<i32>} : memref<8x2048xf32, #tpu.memory_space<vmem>>, vector<1x16xf32>,
      } {sc.loop_unroll_factor = 8 : i64, sc.parallel_access}
      %add3A_558 = arith.constant 96 : i32
      %add3A_559 = arith.addi %mul3A_503, %add3A_558 : i32
      %multiple_of3A_560 = tpu.assume_multiple %add3A_559, 16 : i32
      %get3A_561 = arith.index_cast %multiple_of3A_560 : i32 to index
      %get3A_562 = tpu.vector_load %arg5[%get3A_561] {strides = array<i32>} : memref<6400xf32, #tpu.memory_space<vmem>>, vector<16xf32>,
      %get3A_563 = vector.shape_cast %get3A_562 : vector<16xf32> to vector<16xf32>
      %parallel_loop3A_564 = arith.constant 0 : i32
      %parallel_loop3A_565 = arith.constant 2048 : i32
      %parallel_loop3A_566 = arith.constant 16 : i32
      scf.for %parallel_loop3A_964 = %parallel_loop3A_564 to %parallel_loop3A_565 step %parallel_loop3A_566  : i32 {
        %parallel_loop3A_965 = tpu.assume_multiple %parallel_loop3A_964, 16 : i32
        %parallel_loop3A_966 = arith.constant 6 : i32
        %parallel_loop3A_967 = arith.index_cast %parallel_loop3A_966 : i32 to index
        %parallel_loop3A_968 = arith.index_cast %parallel_loop3A_965 : i32 to index
        %parallel_loop3A_969 = tpu.vector_load %arg6[%parallel_loop3A_967, %parallel_loop3A_968] {strides = array<i32>} : memref<8x2048xf32, #tpu.memory_space<vmem>>, vector<1x16xf32>,
        %parallel_loop3A_970 = vector.shape_cast %parallel_loop3A_969 : vector<1x16xf32> to vector<16xf32>
        %parallel_loop3A_971 = arith.addf %parallel_loop3A_970, %get3A_563 : vector<16xf32>
        %parallel_loop3A_972 = arith.constant 6 : i32
        %parallel_loop3A_973 = arith.index_cast %parallel_loop3A_972 : i32 to index
        %parallel_loop3A_974 = arith.index_cast %parallel_loop3A_965 : i32 to index
        %parallel_loop3A_975 = tpu.vector_load %arg8[%parallel_loop3A_973, %parallel_loop3A_974] {strides = array<i32>} : memref<8x2048xf32, #tpu.memory_space<vmem>>, vector<1x16xf32>,
        %parallel_loop3A_976 = vector.shape_cast %parallel_loop3A_975 : vector<1x16xf32> to vector<16xf32>
        %parallel_loop3A_977 = vector.shape_cast %parallel_loop3A_971 : vector<16xf32> to vector<1x16xf32>
        tpu.vector_store %arg8[%parallel_loop3A_973, %parallel_loop3A_974], %parallel_loop3A_977 {strides = array<i32>} : memref<8x2048xf32, #tpu.memory_space<vmem>>, vector<1x16xf32>,
      } {sc.loop_unroll_factor = 8 : i64, sc.parallel_access}
      %add3A_567 = arith.constant 112 : i32
      %add3A_568 = arith.addi %mul3A_503, %add3A_567 : i32
      %multiple_of3A_569 = tpu.assume_multiple %add3A_568, 16 : i32
      %get3A_570 = arith.index_cast %multiple_of3A_569 : i32 to index
      %get3A_571 = tpu.vector_load %arg5[%get3A_570] {strides = array<i32>} : memref<6400xf32, #tpu.memory_space<vmem>>, vector<16xf32>,
      %get3A_572 = vector.shape_cast %get3A_571 : vector<16xf32> to vector<16xf32>
      %parallel_loop3A_573 = arith.constant 0 : i32
      %parallel_loop3A_574 = arith.constant 2048 : i32
      %parallel_loop3A_575 = arith.constant 16 : i32
      scf.for %parallel_loop3A_964 = %parallel_loop3A_573 to %parallel_loop3A_574 step %parallel_loop3A_575  : i32 {
        %parallel_loop3A_965 = tpu.assume_multiple %parallel_loop3A_964, 16 : i32
        %parallel_loop3A_966 = arith.constant 7 : i32
        %parallel_loop3A_967 = arith.index_cast %parallel_loop3A_966 : i32 to index
        %parallel_loop3A_968 = arith.index_cast %parallel_loop3A_965 : i32 to index
        %parallel_loop3A_969 = tpu.vector_load %arg6[%parallel_loop3A_967, %parallel_loop3A_968] {strides = array<i32>} : memref<8x2048xf32, #tpu.memory_space<vmem>>, vector<1x16xf32>,
        %parallel_loop3A_970 = vector.shape_cast %parallel_loop3A_969 : vector<1x16xf32> to vector<16xf32>
        %parallel_loop3A_971 = arith.addf %parallel_loop3A_970, %get3A_572 : vector<16xf32>
        %parallel_loop3A_972 = arith.constant 7 : i32
        %parallel_loop3A_973 = arith.index_cast %parallel_loop3A_972 : i32 to index
        %parallel_loop3A_974 = arith.index_cast %parallel_loop3A_965 : i32 to index
        %parallel_loop3A_975 = tpu.vector_load %arg8[%parallel_loop3A_973, %parallel_loop3A_974] {strides = array<i32>} : memref<8x2048xf32, #tpu.memory_space<vmem>>, vector<1x16xf32>,
        %parallel_loop3A_976 = vector.shape_cast %parallel_loop3A_975 : vector<1x16xf32> to vector<16xf32>
        %parallel_loop3A_977 = vector.shape_cast %parallel_loop3A_971 : vector<16xf32> to vector<1x16xf32>
        tpu.vector_store %arg8[%parallel_loop3A_973, %parallel_loop3A_974], %parallel_loop3A_977 {strides = array<i32>} : memref<8x2048xf32, #tpu.memory_space<vmem>>, vector<1x16xf32>,
      } {sc.loop_unroll_factor = 8 : i64, sc.parallel_access}
      %jit3A_576 = arith.constant 2 : i32
      %div3A_577 = arith.divsi %add3A_393, %jit3A_576 : i32
      %sign3A_578 = arith.constant 0 : i32
      %sign3A_579 = arith.cmpi sgt, %add3A_393, %sign3A_578 : i32
      %sign3A_580 = arith.extui %sign3A_579 : i1 to i32
      %sign3A_581 = arith.constant 0 : i32
      %sign3A_582 = arith.cmpi slt, %add3A_393, %sign3A_581 : i32
      %sign3A_583 = arith.extui %sign3A_582 : i1 to i32
      %sign3A_584 = arith.subi %sign3A_580, %sign3A_583 : i32
      %sign3A_585 = arith.constant 0 : i32
      %sign3A_586 = arith.cmpi sgt, %jit3A_576, %sign3A_585 : i32
      %sign3A_587 = arith.extui %sign3A_586 : i1 to i32
      %sign3A_588 = arith.constant 0 : i32
      %sign3A_589 = arith.cmpi slt, %jit3A_576, %sign3A_588 : i32
      %sign3A_590 = arith.extui %sign3A_589 : i1 to i32
      %sign3A_591 = arith.subi %sign3A_587, %sign3A_590 : i32
      %ne3A_592 = arith.cmpi ne, %sign3A_584, %sign3A_591 : i32
      %rem3A_593 = arith.remsi %add3A_393, %jit3A_576 : i32
      %ne3A_594 = arith.constant 0 : i32
      %ne3A_595 = arith.cmpi ne, %rem3A_593, %ne3A_594 : i32
      %and3A_596 = arith.andi %ne3A_592, %ne3A_595 : i1
      %sub3A_597 = arith.constant 1 : i32
      %sub3A_598 = arith.subi %div3A_577, %sub3A_597 : i32
      %select_n3A_599 = arith.select %and3A_596, %sub3A_598, %div3A_577 : i32
      %add3A_600 = arith.addi %mul3A_2, %select_n3A_599 : i32
      %mul3A_601 = arith.constant 8 : i32
      %mul3A_602 = arith.muli %add3A_600, %mul3A_601 : i32
      %jit3A_603 = arith.constant 2 : i32
      %eq3A_604 = arith.constant 0 : i32
      %eq3A_605 = arith.cmpi eq, %jit3A_603, %eq3A_604 : i32
      %jit3A_606 = arith.constant 1 : i32
      %select_n3A_607 = arith.select %eq3A_605, %jit3A_606, %jit3A_603 : i32
      %rem3A_608 = arith.remsi %add3A_393, %select_n3A_607 : i32
      %ne3A_609 = arith.constant 0 : i32
      %ne3A_610 = arith.cmpi ne, %rem3A_608, %ne3A_609 : i32
      %lt3A_611 = arith.constant 0 : i32
      %lt3A_612 = arith.cmpi slt, %rem3A_608, %lt3A_611 : i32
      %lt3A_613 = arith.constant 0 : i32
      %lt3A_614 = arith.cmpi slt, %select_n3A_607, %lt3A_613 : i32
      %ne3A_615 = arith.xori %lt3A_612, %lt3A_614 : i1
      %and3A_616 = arith.andi %ne3A_615, %ne3A_610 : i1
      %add3A_617 = arith.addi %rem3A_608, %select_n3A_607 : i32
      %select_n3A_618 = arith.select %and3A_616, %add3A_617, %rem3A_608 : i32
      %mul3A_619 = arith.constant 2048 : i32
      %mul3A_620 = arith.muli %select_n3A_618, %mul3A_619 : i32
      %dma_start3A_621 = tpu.memref_slice %arg4[%mul3A_602, %mul3A_620] : memref<12800x4096xf32, #tpu.memory_space<hbm>> -> memref<8x2048xf32, #tpu.memory_space<hbm>>
      %dma_start3A_622 = tpu.memref_slice %arg4[%mul3A_602, %mul3A_620] : memref<12800x4096xf32, #tpu.memory_space<hbm>> -> memref<8x2048xf32, #tpu.memory_space<hbm>>
      tpu.enqueue_dma source(%arg8 : memref<8x2048xf32, #tpu.memory_space<vmem>>) target(%dma_start3A_622 : memref<8x2048xf32, #tpu.memory_space<hbm>>) target_semaphore(%arg12 : memref<!tpu.dma_semaphore, #tpu.memory_space<semaphore_mem>>)
      %add3A_623 = arith.constant 2 : i32
      %add3A_624 = arith.addi %add3A_393, %add3A_623 : i32
      %jit3A_625 = arith.constant 2 : i32
      %div3A_626 = arith.divsi %add3A_624, %jit3A_625 : i32
      %sign3A_627 = arith.constant 0 : i32
      %sign3A_628 = arith.cmpi sgt, %add3A_624, %sign3A_627 : i32
      %sign3A_629 = arith.extui %sign3A_628 : i1 to i32
      %sign3A_630 = arith.constant 0 : i32
      %sign3A_631 = arith.cmpi slt, %add3A_624, %sign3A_630 : i32
      %sign3A_632 = arith.extui %sign3A_631 : i1 to i32
      %sign3A_633 = arith.subi %sign3A_629, %sign3A_632 : i32
      %sign3A_634 = arith.constant 0 : i32
      %sign3A_635 = arith.cmpi sgt, %jit3A_625, %sign3A_634 : i32
      %sign3A_636 = arith.extui %sign3A_635 : i1 to i32
      %sign3A_637 = arith.constant 0 : i32
      %sign3A_638 = arith.cmpi slt, %jit3A_625, %sign3A_637 : i32
      %sign3A_639 = arith.extui %sign3A_638 : i1 to i32
      %sign3A_640 = arith.subi %sign3A_636, %sign3A_639 : i32
      %ne3A_641 = arith.cmpi ne, %sign3A_633, %sign3A_640 : i32
      %rem3A_642 = arith.remsi %add3A_624, %jit3A_625 : i32
      %ne3A_643 = arith.constant 0 : i32
      %ne3A_644 = arith.cmpi ne, %rem3A_642, %ne3A_643 : i32
      %and3A_645 = arith.andi %ne3A_641, %ne3A_644 : i1
      %sub3A_646 = arith.constant 1 : i32
      %sub3A_647 = arith.subi %div3A_626, %sub3A_646 : i32
      %select_n3A_648 = arith.select %and3A_645, %sub3A_647, %div3A_626 : i32
      %add3A_649 = arith.addi %mul3A_2, %select_n3A_648 : i32
      %mul3A_650 = arith.constant 8 : i32
      %mul3A_651 = arith.muli %add3A_649, %mul3A_650 : i32
      %jit3A_652 = arith.constant 2 : i32
      %eq3A_653 = arith.constant 0 : i32
      %eq3A_654 = arith.cmpi eq, %jit3A_652, %eq3A_653 : i32
      %jit3A_655 = arith.constant 1 : i32
      %select_n3A_656 = arith.select %eq3A_654, %jit3A_655, %jit3A_652 : i32
      %rem3A_657 = arith.remsi %add3A_624, %select_n3A_656 : i32
      %ne3A_658 = arith.constant 0 : i32
      %ne3A_659 = arith.cmpi ne, %rem3A_657, %ne3A_658 : i32
      %lt3A_660 = arith.constant 0 : i32
      %lt3A_661 = arith.cmpi slt, %rem3A_657, %lt3A_660 : i32
      %lt3A_662 = arith.constant 0 : i32
      %lt3A_663 = arith.cmpi slt, %select_n3A_656, %lt3A_662 : i32
      %ne3A_664 = arith.xori %lt3A_661, %lt3A_663 : i1
      %and3A_665 = arith.andi %ne3A_664, %ne3A_659 : i1
      %add3A_666 = arith.addi %rem3A_657, %select_n3A_656 : i32
      %select_n3A_667 = arith.select %and3A_665, %add3A_666, %rem3A_657 : i32
      %mul3A_668 = arith.constant 2048 : i32
      %mul3A_669 = arith.muli %select_n3A_667, %mul3A_668 : i32
      %dma_start3A_670 = tpu.memref_slice %arg2[%mul3A_651, %mul3A_669] : memref<12800x4096xf32, #tpu.memory_space<hbm>> -> memref<8x2048xf32, #tpu.memory_space<hbm>>
      %dma_start3A_671 = tpu.memref_slice %arg2[%mul3A_651, %mul3A_669] : memref<12800x4096xf32, #tpu.memory_space<hbm>> -> memref<8x2048xf32, #tpu.memory_space<hbm>>
      tpu.enqueue_dma source(%dma_start3A_671 : memref<8x2048xf32, #tpu.memory_space<hbm>>) target(%arg6 : memref<8x2048xf32, #tpu.memory_space<vmem>>) target_semaphore(%arg10 : memref<!tpu.dma_semaphore, #tpu.memory_space<semaphore_mem>>)
      %mul3A_672 = arith.constant 2 : i32
      %mul3A_673 = arith.muli %scan3A_389, %mul3A_672 : i32
      %add3A_674 = arith.constant 1 : i32
      %add3A_675 = arith.addi %mul3A_673, %add3A_674 : i32
      %jit3A_676 = arith.constant 2 : i32
      %div3A_677 = arith.divsi %add3A_675, %jit3A_676 : i32
      %sign3A_678 = arith.constant 0 : i32
      %sign3A_679 = arith.cmpi sgt, %add3A_675, %sign3A_678 : i32
      %sign3A_680 = arith.extui %sign3A_679 : i1 to i32
      %sign3A_681 = arith.constant 0 : i32
      %sign3A_682 = arith.cmpi slt, %add3A_675, %sign3A_681 : i32
      %sign3A_683 = arith.extui %sign3A_682 : i1 to i32
      %sign3A_684 = arith.subi %sign3A_680, %sign3A_683 : i32
      %sign3A_685 = arith.constant 0 : i32
      %sign3A_686 = arith.cmpi sgt, %jit3A_676, %sign3A_685 : i32
      %sign3A_687 = arith.extui %sign3A_686 : i1 to i32
      %sign3A_688 = arith.constant 0 : i32
      %sign3A_689 = arith.cmpi slt, %jit3A_676, %sign3A_688 : i32
      %sign3A_690 = arith.extui %sign3A_689 : i1 to i32
      %sign3A_691 = arith.subi %sign3A_687, %sign3A_690 : i32
      %ne3A_692 = arith.cmpi ne, %sign3A_684, %sign3A_691 : i32
      %rem3A_693 = arith.remsi %add3A_675, %jit3A_676 : i32
      %ne3A_694 = arith.constant 0 : i32
      %ne3A_695 = arith.cmpi ne, %rem3A_693, %ne3A_694 : i32
      %and3A_696 = arith.andi %ne3A_692, %ne3A_695 : i1
      %sub3A_697 = arith.constant 1 : i32
      %sub3A_698 = arith.subi %div3A_677, %sub3A_697 : i32
      %select_n3A_699 = arith.select %and3A_696, %sub3A_698, %div3A_677 : i32
      %add3A_700 = arith.addi %mul3A_2, %select_n3A_699 : i32
      %mul3A_701 = arith.constant 8 : i32
      %mul3A_702 = arith.muli %add3A_700, %mul3A_701 : i32
      %jit3A_703 = arith.constant 2 : i32
      %eq3A_704 = arith.constant 0 : i32
      %eq3A_705 = arith.cmpi eq, %jit3A_703, %eq3A_704 : i32
      %jit3A_706 = arith.constant 1 : i32
      %select_n3A_707 = arith.select %eq3A_705, %jit3A_706, %jit3A_703 : i32
      %rem3A_708 = arith.remsi %add3A_675, %select_n3A_707 : i32
      %ne3A_709 = arith.constant 0 : i32
      %ne3A_710 = arith.cmpi ne, %rem3A_708, %ne3A_709 : i32
      %lt3A_711 = arith.constant 0 : i32
      %lt3A_712 = arith.cmpi slt, %rem3A_708, %lt3A_711 : i32
      %lt3A_713 = arith.constant 0 : i32
      %lt3A_714 = arith.cmpi slt, %select_n3A_707, %lt3A_713 : i32
      %ne3A_715 = arith.xori %lt3A_712, %lt3A_714 : i1
      %and3A_716 = arith.andi %ne3A_715, %ne3A_710 : i1
      %add3A_717 = arith.addi %rem3A_708, %select_n3A_707 : i32
      %select_n3A_718 = arith.select %and3A_716, %add3A_717, %rem3A_708 : i32
      %mul3A_719 = arith.constant 2048 : i32
      %mul3A_720 = arith.muli %select_n3A_718, %mul3A_719 : i32
      %dma_wait3A_721 = tpu.memref_slice %arg2[%mul3A_702, %mul3A_720] : memref<12800x4096xf32, #tpu.memory_space<hbm>> -> memref<8x2048xf32, #tpu.memory_space<hbm>>
      %dma_wait3A_722 = tpu.memref_slice %arg2[%mul3A_702, %mul3A_720] : memref<12800x4096xf32, #tpu.memory_space<hbm>> -> memref<8x2048xf32, #tpu.memory_space<hbm>>
      tpu.wait_dma2 semaphore(%arg11 : memref<!tpu.dma_semaphore, #tpu.memory_space<semaphore_mem>>) src(%dma_wait3A_722 : memref<8x2048xf32, #tpu.memory_space<hbm>>) dst(%arg7 : memref<8x2048xf32, #tpu.memory_space<vmem>>)
      %jit3A_723 = arith.constant 2 : i32
      %div3A_724 = arith.divsi %add3A_675, %jit3A_723 : i32
      %sign3A_725 = arith.constant 0 : i32
      %sign3A_726 = arith.cmpi sgt, %add3A_675, %sign3A_725 : i32
      %sign3A_727 = arith.extui %sign3A_726 : i1 to i32
      %sign3A_728 = arith.constant 0 : i32
      %sign3A_729 = arith.cmpi slt, %add3A_675, %sign3A_728 : i32
      %sign3A_730 = arith.extui %sign3A_729 : i1 to i32
      %sign3A_731 = arith.subi %sign3A_727, %sign3A_730 : i32
      %sign3A_732 = arith.constant 0 : i32
      %sign3A_733 = arith.cmpi sgt, %jit3A_723, %sign3A_732 : i32
      %sign3A_734 = arith.extui %sign3A_733 : i1 to i32
      %sign3A_735 = arith.constant 0 : i32
      %sign3A_736 = arith.cmpi slt, %jit3A_723, %sign3A_735 : i32
      %sign3A_737 = arith.extui %sign3A_736 : i1 to i32
      %sign3A_738 = arith.subi %sign3A_734, %sign3A_737 : i32
      %ne3A_739 = arith.cmpi ne, %sign3A_731, %sign3A_738 : i32
      %rem3A_740 = arith.remsi %add3A_675, %jit3A_723 : i32
      %ne3A_741 = arith.constant 0 : i32
      %ne3A_742 = arith.cmpi ne, %rem3A_740, %ne3A_741 : i32
      %and3A_743 = arith.andi %ne3A_739, %ne3A_742 : i1
      %sub3A_744 = arith.constant 1 : i32
      %sub3A_745 = arith.subi %div3A_724, %sub3A_744 : i32
      %select_n3A_746 = arith.select %and3A_743, %sub3A_745, %div3A_724 : i32
      %add3A_747 = arith.addi %mul3A_2, %select_n3A_746 : i32
      %mul3A_748 = arith.constant 8 : i32
      %mul3A_749 = arith.muli %add3A_747, %mul3A_748 : i32
      %jit3A_750 = arith.constant 2 : i32
      %eq3A_751 = arith.constant 0 : i32
      %eq3A_752 = arith.cmpi eq, %jit3A_750, %eq3A_751 : i32
      %jit3A_753 = arith.constant 1 : i32
      %select_n3A_754 = arith.select %eq3A_752, %jit3A_753, %jit3A_750 : i32
      %rem3A_755 = arith.remsi %add3A_675, %select_n3A_754 : i32
      %ne3A_756 = arith.constant 0 : i32
      %ne3A_757 = arith.cmpi ne, %rem3A_755, %ne3A_756 : i32
      %lt3A_758 = arith.constant 0 : i32
      %lt3A_759 = arith.cmpi slt, %rem3A_755, %lt3A_758 : i32
      %lt3A_760 = arith.constant 0 : i32
      %lt3A_761 = arith.cmpi slt, %select_n3A_754, %lt3A_760 : i32
      %ne3A_762 = arith.xori %lt3A_759, %lt3A_761 : i1
      %and3A_763 = arith.andi %ne3A_762, %ne3A_757 : i1
      %add3A_764 = arith.addi %rem3A_755, %select_n3A_754 : i32
      %select_n3A_765 = arith.select %and3A_763, %add3A_764, %rem3A_755 : i32
      %mul3A_766 = arith.constant 2048 : i32
      %mul3A_767 = arith.muli %select_n3A_765, %mul3A_766 : i32
      %dma_wait3A_768 = tpu.memref_slice %arg4[%mul3A_749, %mul3A_767] : memref<12800x4096xf32, #tpu.memory_space<hbm>> -> memref<8x2048xf32, #tpu.memory_space<hbm>>
      %dma_wait3A_769 = tpu.memref_slice %arg4[%mul3A_749, %mul3A_767] : memref<12800x4096xf32, #tpu.memory_space<hbm>> -> memref<8x2048xf32, #tpu.memory_space<hbm>>
      tpu.wait_dma2 semaphore(%arg13 : memref<!tpu.dma_semaphore, #tpu.memory_space<semaphore_mem>>) src(%arg9 : memref<8x2048xf32, #tpu.memory_space<vmem>>) dst(%dma_wait3A_769 : memref<8x2048xf32, #tpu.memory_space<hbm>>)
      %jit3A_770 = arith.constant 2 : i32
      %div3A_771 = arith.divsi %add3A_675, %jit3A_770 : i32
      %sign3A_772 = arith.constant 0 : i32
      %sign3A_773 = arith.cmpi sgt, %add3A_675, %sign3A_772 : i32
      %sign3A_774 = arith.extui %sign3A_773 : i1 to i32
      %sign3A_775 = arith.constant 0 : i32
      %sign3A_776 = arith.cmpi slt, %add3A_675, %sign3A_775 : i32
      %sign3A_777 = arith.extui %sign3A_776 : i1 to i32
      %sign3A_778 = arith.subi %sign3A_774, %sign3A_777 : i32
      %sign3A_779 = arith.constant 0 : i32
      %sign3A_780 = arith.cmpi sgt, %jit3A_770, %sign3A_779 : i32
      %sign3A_781 = arith.extui %sign3A_780 : i1 to i32
      %sign3A_782 = arith.constant 0 : i32
      %sign3A_783 = arith.cmpi slt, %jit3A_770, %sign3A_782 : i32
      %sign3A_784 = arith.extui %sign3A_783 : i1 to i32
      %sign3A_785 = arith.subi %sign3A_781, %sign3A_784 : i32
      %ne3A_786 = arith.cmpi ne, %sign3A_778, %sign3A_785 : i32
      %rem3A_787 = arith.remsi %add3A_675, %jit3A_770 : i32
      %ne3A_788 = arith.constant 0 : i32
      %ne3A_789 = arith.cmpi ne, %rem3A_787, %ne3A_788 : i32
      %and3A_790 = arith.andi %ne3A_786, %ne3A_789 : i1
      %sub3A_791 = arith.constant 1 : i32
      %sub3A_792 = arith.subi %div3A_771, %sub3A_791 : i32
      %select_n3A_793 = arith.select %and3A_790, %sub3A_792, %div3A_771 : i32
      %mul3A_794 = arith.constant 128 : i32
      %mul3A_795 = arith.muli %select_n3A_793, %mul3A_794 : i32
      %add3A_796 = arith.constant 0 : i32
      %add3A_797 = arith.addi %mul3A_795, %add3A_796 : i32
      %multiple_of3A_798 = tpu.assume_multiple %add3A_797, 16 : i32
      %get3A_799 = arith.index_cast %multiple_of3A_798 : i32 to index
      %get3A_800 = tpu.vector_load %arg5[%get3A_799] {strides = array<i32>} : memref<6400xf32, #tpu.memory_space<vmem>>, vector<16xf32>,
      %get3A_801 = vector.shape_cast %get3A_800 : vector<16xf32> to vector<16xf32>
      %parallel_loop3A_802 = arith.constant 0 : i32
      %parallel_loop3A_803 = arith.constant 2048 : i32
      %parallel_loop3A_804 = arith.constant 16 : i32
      scf.for %parallel_loop3A_964 = %parallel_loop3A_802 to %parallel_loop3A_803 step %parallel_loop3A_804  : i32 {
        %parallel_loop3A_965 = tpu.assume_multiple %parallel_loop3A_964, 16 : i32
        %parallel_loop3A_966 = arith.constant 0 : i32
        %parallel_loop3A_967 = arith.index_cast %parallel_loop3A_966 : i32 to index
        %parallel_loop3A_968 = arith.index_cast %parallel_loop3A_965 : i32 to index
        %parallel_loop3A_969 = tpu.vector_load %arg7[%parallel_loop3A_967, %parallel_loop3A_968] {strides = array<i32>} : memref<8x2048xf32, #tpu.memory_space<vmem>>, vector<1x16xf32>,
        %parallel_loop3A_970 = vector.shape_cast %parallel_loop3A_969 : vector<1x16xf32> to vector<16xf32>
        %parallel_loop3A_971 = arith.addf %parallel_loop3A_970, %get3A_801 : vector<16xf32>
        %parallel_loop3A_972 = arith.constant 0 : i32
        %parallel_loop3A_973 = arith.index_cast %parallel_loop3A_972 : i32 to index
        %parallel_loop3A_974 = arith.index_cast %parallel_loop3A_965 : i32 to index
        %parallel_loop3A_975 = tpu.vector_load %arg9[%parallel_loop3A_973, %parallel_loop3A_974] {strides = array<i32>} : memref<8x2048xf32, #tpu.memory_space<vmem>>, vector<1x16xf32>,
        %parallel_loop3A_976 = vector.shape_cast %parallel_loop3A_975 : vector<1x16xf32> to vector<16xf32>
        %parallel_loop3A_977 = vector.shape_cast %parallel_loop3A_971 : vector<16xf32> to vector<1x16xf32>
        tpu.vector_store %arg9[%parallel_loop3A_973, %parallel_loop3A_974], %parallel_loop3A_977 {strides = array<i32>} : memref<8x2048xf32, #tpu.memory_space<vmem>>, vector<1x16xf32>,
      } {sc.loop_unroll_factor = 8 : i64, sc.parallel_access}
      %add3A_805 = arith.constant 16 : i32
      %add3A_806 = arith.addi %mul3A_795, %add3A_805 : i32
      %multiple_of3A_807 = tpu.assume_multiple %add3A_806, 16 : i32
      %get3A_808 = arith.index_cast %multiple_of3A_807 : i32 to index
      %get3A_809 = tpu.vector_load %arg5[%get3A_808] {strides = array<i32>} : memref<6400xf32, #tpu.memory_space<vmem>>, vector<16xf32>,
      %get3A_810 = vector.shape_cast %get3A_809 : vector<16xf32> to vector<16xf32>
      %parallel_loop3A_811 = arith.constant 0 : i32
      %parallel_loop3A_812 = arith.constant 2048 : i32
      %parallel_loop3A_813 = arith.constant 16 : i32
      scf.for %parallel_loop3A_964 = %parallel_loop3A_811 to %parallel_loop3A_812 step %parallel_loop3A_813  : i32 {
        %parallel_loop3A_965 = tpu.assume_multiple %parallel_loop3A_964, 16 : i32
        %parallel_loop3A_966 = arith.constant 1 : i32
        %parallel_loop3A_967 = arith.index_cast %parallel_loop3A_966 : i32 to index
        %parallel_loop3A_968 = arith.index_cast %parallel_loop3A_965 : i32 to index
        %parallel_loop3A_969 = tpu.vector_load %arg7[%parallel_loop3A_967, %parallel_loop3A_968] {strides = array<i32>} : memref<8x2048xf32, #tpu.memory_space<vmem>>, vector<1x16xf32>,
        %parallel_loop3A_970 = vector.shape_cast %parallel_loop3A_969 : vector<1x16xf32> to vector<16xf32>
        %parallel_loop3A_971 = arith.addf %parallel_loop3A_970, %get3A_810 : vector<16xf32>
        %parallel_loop3A_972 = arith.constant 1 : i32
        %parallel_loop3A_973 = arith.index_cast %parallel_loop3A_972 : i32 to index
        %parallel_loop3A_974 = arith.index_cast %parallel_loop3A_965 : i32 to index
        %parallel_loop3A_975 = tpu.vector_load %arg9[%parallel_loop3A_973, %parallel_loop3A_974] {strides = array<i32>} : memref<8x2048xf32, #tpu.memory_space<vmem>>, vector<1x16xf32>,
        %parallel_loop3A_976 = vector.shape_cast %parallel_loop3A_975 : vector<1x16xf32> to vector<16xf32>
        %parallel_loop3A_977 = vector.shape_cast %parallel_loop3A_971 : vector<16xf32> to vector<1x16xf32>
        tpu.vector_store %arg9[%parallel_loop3A_973, %parallel_loop3A_974], %parallel_loop3A_977 {strides = array<i32>} : memref<8x2048xf32, #tpu.memory_space<vmem>>, vector<1x16xf32>,
      } {sc.loop_unroll_factor = 8 : i64, sc.parallel_access}
      %add3A_814 = arith.constant 32 : i32
      %add3A_815 = arith.addi %mul3A_795, %add3A_814 : i32
      %multiple_of3A_816 = tpu.assume_multiple %add3A_815, 16 : i32
      %get3A_817 = arith.index_cast %multiple_of3A_816 : i32 to index
      %get3A_818 = tpu.vector_load %arg5[%get3A_817] {strides = array<i32>} : memref<6400xf32, #tpu.memory_space<vmem>>, vector<16xf32>,
      %get3A_819 = vector.shape_cast %get3A_818 : vector<16xf32> to vector<16xf32>
      %parallel_loop3A_820 = arith.constant 0 : i32
      %parallel_loop3A_821 = arith.constant 2048 : i32
      %parallel_loop3A_822 = arith.constant 16 : i32
      scf.for %parallel_loop3A_964 = %parallel_loop3A_820 to %parallel_loop3A_821 step %parallel_loop3A_822  : i32 {
        %parallel_loop3A_965 = tpu.assume_multiple %parallel_loop3A_964, 16 : i32
        %parallel_loop3A_966 = arith.constant 2 : i32
        %parallel_loop3A_967 = arith.index_cast %parallel_loop3A_966 : i32 to index
        %parallel_loop3A_968 = arith.index_cast %parallel_loop3A_965 : i32 to index
        %parallel_loop3A_969 = tpu.vector_load %arg7[%parallel_loop3A_967, %parallel_loop3A_968] {strides = array<i32>} : memref<8x2048xf32, #tpu.memory_space<vmem>>, vector<1x16xf32>,
        %parallel_loop3A_970 = vector.shape_cast %parallel_loop3A_969 : vector<1x16xf32> to vector<16xf32>
        %parallel_loop3A_971 = arith.addf %parallel_loop3A_970, %get3A_819 : vector<16xf32>
        %parallel_loop3A_972 = arith.constant 2 : i32
        %parallel_loop3A_973 = arith.index_cast %parallel_loop3A_972 : i32 to index
        %parallel_loop3A_974 = arith.index_cast %parallel_loop3A_965 : i32 to index
        %parallel_loop3A_975 = tpu.vector_load %arg9[%parallel_loop3A_973, %parallel_loop3A_974] {strides = array<i32>} : memref<8x2048xf32, #tpu.memory_space<vmem>>, vector<1x16xf32>,
        %parallel_loop3A_976 = vector.shape_cast %parallel_loop3A_975 : vector<1x16xf32> to vector<16xf32>
        %parallel_loop3A_977 = vector.shape_cast %parallel_loop3A_971 : vector<16xf32> to vector<1x16xf32>
        tpu.vector_store %arg9[%parallel_loop3A_973, %parallel_loop3A_974], %parallel_loop3A_977 {strides = array<i32>} : memref<8x2048xf32, #tpu.memory_space<vmem>>, vector<1x16xf32>,
      } {sc.loop_unroll_factor = 8 : i64, sc.parallel_access}
      %add3A_823 = arith.constant 48 : i32
      %add3A_824 = arith.addi %mul3A_795, %add3A_823 : i32
      %multiple_of3A_825 = tpu.assume_multiple %add3A_824, 16 : i32
      %get3A_826 = arith.index_cast %multiple_of3A_825 : i32 to index
      %get3A_827 = tpu.vector_load %arg5[%get3A_826] {strides = array<i32>} : memref<6400xf32, #tpu.memory_space<vmem>>, vector<16xf32>,
      %get3A_828 = vector.shape_cast %get3A_827 : vector<16xf32> to vector<16xf32>
      %parallel_loop3A_829 = arith.constant 0 : i32
      %parallel_loop3A_830 = arith.constant 2048 : i32
      %parallel_loop3A_831 = arith.constant 16 : i32
      scf.for %parallel_loop3A_964 = %parallel_loop3A_829 to %parallel_loop3A_830 step %parallel_loop3A_831  : i32 {
        %parallel_loop3A_965 = tpu.assume_multiple %parallel_loop3A_964, 16 : i32
        %parallel_loop3A_966 = arith.constant 3 : i32
        %parallel_loop3A_967 = arith.index_cast %parallel_loop3A_966 : i32 to index
        %parallel_loop3A_968 = arith.index_cast %parallel_loop3A_965 : i32 to index
        %parallel_loop3A_969 = tpu.vector_load %arg7[%parallel_loop3A_967, %parallel_loop3A_968] {strides = array<i32>} : memref<8x2048xf32, #tpu.memory_space<vmem>>, vector<1x16xf32>,
        %parallel_loop3A_970 = vector.shape_cast %parallel_loop3A_969 : vector<1x16xf32> to vector<16xf32>
        %parallel_loop3A_971 = arith.addf %parallel_loop3A_970, %get3A_828 : vector<16xf32>
        %parallel_loop3A_972 = arith.constant 3 : i32
        %parallel_loop3A_973 = arith.index_cast %parallel_loop3A_972 : i32 to index
        %parallel_loop3A_974 = arith.index_cast %parallel_loop3A_965 : i32 to index
        %parallel_loop3A_975 = tpu.vector_load %arg9[%parallel_loop3A_973, %parallel_loop3A_974] {strides = array<i32>} : memref<8x2048xf32, #tpu.memory_space<vmem>>, vector<1x16xf32>,
        %parallel_loop3A_976 = vector.shape_cast %parallel_loop3A_975 : vector<1x16xf32> to vector<16xf32>
        %parallel_loop3A_977 = vector.shape_cast %parallel_loop3A_971 : vector<16xf32> to vector<1x16xf32>
        tpu.vector_store %arg9[%parallel_loop3A_973, %parallel_loop3A_974], %parallel_loop3A_977 {strides = array<i32>} : memref<8x2048xf32, #tpu.memory_space<vmem>>, vector<1x16xf32>,
      } {sc.loop_unroll_factor = 8 : i64, sc.parallel_access}
      %add3A_832 = arith.constant 64 : i32
      %add3A_833 = arith.addi %mul3A_795, %add3A_832 : i32
      %multiple_of3A_834 = tpu.assume_multiple %add3A_833, 16 : i32
      %get3A_835 = arith.index_cast %multiple_of3A_834 : i32 to index
      %get3A_836 = tpu.vector_load %arg5[%get3A_835] {strides = array<i32>} : memref<6400xf32, #tpu.memory_space<vmem>>, vector<16xf32>,
      %get3A_837 = vector.shape_cast %get3A_836 : vector<16xf32> to vector<16xf32>
      %parallel_loop3A_838 = arith.constant 0 : i32
      %parallel_loop3A_839 = arith.constant 2048 : i32
      %parallel_loop3A_840 = arith.constant 16 : i32
      scf.for %parallel_loop3A_964 = %parallel_loop3A_838 to %parallel_loop3A_839 step %parallel_loop3A_840  : i32 {
        %parallel_loop3A_965 = tpu.assume_multiple %parallel_loop3A_964, 16 : i32
        %parallel_loop3A_966 = arith.constant 4 : i32
        %parallel_loop3A_967 = arith.index_cast %parallel_loop3A_966 : i32 to index
        %parallel_loop3A_968 = arith.index_cast %parallel_loop3A_965 : i32 to index
        %parallel_loop3A_969 = tpu.vector_load %arg7[%parallel_loop3A_967, %parallel_loop3A_968] {strides = array<i32>} : memref<8x2048xf32, #tpu.memory_space<vmem>>, vector<1x16xf32>,
        %parallel_loop3A_970 = vector.shape_cast %parallel_loop3A_969 : vector<1x16xf32> to vector<16xf32>
        %parallel_loop3A_971 = arith.addf %parallel_loop3A_970, %get3A_837 : vector<16xf32>
        %parallel_loop3A_972 = arith.constant 4 : i32
        %parallel_loop3A_973 = arith.index_cast %parallel_loop3A_972 : i32 to index
        %parallel_loop3A_974 = arith.index_cast %parallel_loop3A_965 : i32 to index
        %parallel_loop3A_975 = tpu.vector_load %arg9[%parallel_loop3A_973, %parallel_loop3A_974] {strides = array<i32>} : memref<8x2048xf32, #tpu.memory_space<vmem>>, vector<1x16xf32>,
        %parallel_loop3A_976 = vector.shape_cast %parallel_loop3A_975 : vector<1x16xf32> to vector<16xf32>
        %parallel_loop3A_977 = vector.shape_cast %parallel_loop3A_971 : vector<16xf32> to vector<1x16xf32>
        tpu.vector_store %arg9[%parallel_loop3A_973, %parallel_loop3A_974], %parallel_loop3A_977 {strides = array<i32>} : memref<8x2048xf32, #tpu.memory_space<vmem>>, vector<1x16xf32>,
      } {sc.loop_unroll_factor = 8 : i64, sc.parallel_access}
      %add3A_841 = arith.constant 80 : i32
      %add3A_842 = arith.addi %mul3A_795, %add3A_841 : i32
      %multiple_of3A_843 = tpu.assume_multiple %add3A_842, 16 : i32
      %get3A_844 = arith.index_cast %multiple_of3A_843 : i32 to index
      %get3A_845 = tpu.vector_load %arg5[%get3A_844] {strides = array<i32>} : memref<6400xf32, #tpu.memory_space<vmem>>, vector<16xf32>,
      %get3A_846 = vector.shape_cast %get3A_845 : vector<16xf32> to vector<16xf32>
      %parallel_loop3A_847 = arith.constant 0 : i32
      %parallel_loop3A_848 = arith.constant 2048 : i32
      %parallel_loop3A_849 = arith.constant 16 : i32
      scf.for %parallel_loop3A_964 = %parallel_loop3A_847 to %parallel_loop3A_848 step %parallel_loop3A_849  : i32 {
        %parallel_loop3A_965 = tpu.assume_multiple %parallel_loop3A_964, 16 : i32
        %parallel_loop3A_966 = arith.constant 5 : i32
        %parallel_loop3A_967 = arith.index_cast %parallel_loop3A_966 : i32 to index
        %parallel_loop3A_968 = arith.index_cast %parallel_loop3A_965 : i32 to index
        %parallel_loop3A_969 = tpu.vector_load %arg7[%parallel_loop3A_967, %parallel_loop3A_968] {strides = array<i32>} : memref<8x2048xf32, #tpu.memory_space<vmem>>, vector<1x16xf32>,
        %parallel_loop3A_970 = vector.shape_cast %parallel_loop3A_969 : vector<1x16xf32> to vector<16xf32>
        %parallel_loop3A_971 = arith.addf %parallel_loop3A_970, %get3A_846 : vector<16xf32>
        %parallel_loop3A_972 = arith.constant 5 : i32
        %parallel_loop3A_973 = arith.index_cast %parallel_loop3A_972 : i32 to index
        %parallel_loop3A_974 = arith.index_cast %parallel_loop3A_965 : i32 to index
        %parallel_loop3A_975 = tpu.vector_load %arg9[%parallel_loop3A_973, %parallel_loop3A_974] {strides = array<i32>} : memref<8x2048xf32, #tpu.memory_space<vmem>>, vector<1x16xf32>,
        %parallel_loop3A_976 = vector.shape_cast %parallel_loop3A_975 : vector<1x16xf32> to vector<16xf32>
        %parallel_loop3A_977 = vector.shape_cast %parallel_loop3A_971 : vector<16xf32> to vector<1x16xf32>
        tpu.vector_store %arg9[%parallel_loop3A_973, %parallel_loop3A_974], %parallel_loop3A_977 {strides = array<i32>} : memref<8x2048xf32, #tpu.memory_space<vmem>>, vector<1x16xf32>,
      } {sc.loop_unroll_factor = 8 : i64, sc.parallel_access}
      %add3A_850 = arith.constant 96 : i32
      %add3A_851 = arith.addi %mul3A_795, %add3A_850 : i32
      %multiple_of3A_852 = tpu.assume_multiple %add3A_851, 16 : i32
      %get3A_853 = arith.index_cast %multiple_of3A_852 : i32 to index
      %get3A_854 = tpu.vector_load %arg5[%get3A_853] {strides = array<i32>} : memref<6400xf32, #tpu.memory_space<vmem>>, vector<16xf32>,
      %get3A_855 = vector.shape_cast %get3A_854 : vector<16xf32> to vector<16xf32>
      %parallel_loop3A_856 = arith.constant 0 : i32
      %parallel_loop3A_857 = arith.constant 2048 : i32
      %parallel_loop3A_858 = arith.constant 16 : i32
      scf.for %parallel_loop3A_964 = %parallel_loop3A_856 to %parallel_loop3A_857 step %parallel_loop3A_858  : i32 {
        %parallel_loop3A_965 = tpu.assume_multiple %parallel_loop3A_964, 16 : i32
        %parallel_loop3A_966 = arith.constant 6 : i32
        %parallel_loop3A_967 = arith.index_cast %parallel_loop3A_966 : i32 to index
        %parallel_loop3A_968 = arith.index_cast %parallel_loop3A_965 : i32 to index
        %parallel_loop3A_969 = tpu.vector_load %arg7[%parallel_loop3A_967, %parallel_loop3A_968] {strides = array<i32>} : memref<8x2048xf32, #tpu.memory_space<vmem>>, vector<1x16xf32>,
        %parallel_loop3A_970 = vector.shape_cast %parallel_loop3A_969 : vector<1x16xf32> to vector<16xf32>
        %parallel_loop3A_971 = arith.addf %parallel_loop3A_970, %get3A_855 : vector<16xf32>
        %parallel_loop3A_972 = arith.constant 6 : i32
        %parallel_loop3A_973 = arith.index_cast %parallel_loop3A_972 : i32 to index
        %parallel_loop3A_974 = arith.index_cast %parallel_loop3A_965 : i32 to index
        %parallel_loop3A_975 = tpu.vector_load %arg9[%parallel_loop3A_973, %parallel_loop3A_974] {strides = array<i32>} : memref<8x2048xf32, #tpu.memory_space<vmem>>, vector<1x16xf32>,
        %parallel_loop3A_976 = vector.shape_cast %parallel_loop3A_975 : vector<1x16xf32> to vector<16xf32>
        %parallel_loop3A_977 = vector.shape_cast %parallel_loop3A_971 : vector<16xf32> to vector<1x16xf32>
        tpu.vector_store %arg9[%parallel_loop3A_973, %parallel_loop3A_974], %parallel_loop3A_977 {strides = array<i32>} : memref<8x2048xf32, #tpu.memory_space<vmem>>, vector<1x16xf32>,
      } {sc.loop_unroll_factor = 8 : i64, sc.parallel_access}
      %add3A_859 = arith.constant 112 : i32
      %add3A_860 = arith.addi %mul3A_795, %add3A_859 : i32
      %multiple_of3A_861 = tpu.assume_multiple %add3A_860, 16 : i32
      %get3A_862 = arith.index_cast %multiple_of3A_861 : i32 to index
      %get3A_863 = tpu.vector_load %arg5[%get3A_862] {strides = array<i32>} : memref<6400xf32, #tpu.memory_space<vmem>>, vector<16xf32>,
      %get3A_864 = vector.shape_cast %get3A_863 : vector<16xf32> to vector<16xf32>
      %parallel_loop3A_865 = arith.constant 0 : i32
      %parallel_loop3A_866 = arith.constant 2048 : i32
      %parallel_loop3A_867 = arith.constant 16 : i32
      scf.for %parallel_loop3A_964 = %parallel_loop3A_865 to %parallel_loop3A_866 step %parallel_loop3A_867  : i32 {
        %parallel_loop3A_965 = tpu.assume_multiple %parallel_loop3A_964, 16 : i32
        %parallel_loop3A_966 = arith.constant 7 : i32
        %parallel_loop3A_967 = arith.index_cast %parallel_loop3A_966 : i32 to index
        %parallel_loop3A_968 = arith.index_cast %parallel_loop3A_965 : i32 to index
        %parallel_loop3A_969 = tpu.vector_load %arg7[%parallel_loop3A_967, %parallel_loop3A_968] {strides = array<i32>} : memref<8x2048xf32, #tpu.memory_space<vmem>>, vector<1x16xf32>,
        %parallel_loop3A_970 = vector.shape_cast %parallel_loop3A_969 : vector<1x16xf32> to vector<16xf32>
        %parallel_loop3A_971 = arith.addf %parallel_loop3A_970, %get3A_864 : vector<16xf32>
        %parallel_loop3A_972 = arith.constant 7 : i32
        %parallel_loop3A_973 = arith.index_cast %parallel_loop3A_972 : i32 to index
        %parallel_loop3A_974 = arith.index_cast %parallel_loop3A_965 : i32 to index
        %parallel_loop3A_975 = tpu.vector_load %arg9[%parallel_loop3A_973, %parallel_loop3A_974] {strides = array<i32>} : memref<8x2048xf32, #tpu.memory_space<vmem>>, vector<1x16xf32>,
        %parallel_loop3A_976 = vector.shape_cast %parallel_loop3A_975 : vector<1x16xf32> to vector<16xf32>
        %parallel_loop3A_977 = vector.shape_cast %parallel_loop3A_971 : vector<16xf32> to vector<1x16xf32>
        tpu.vector_store %arg9[%parallel_loop3A_973, %parallel_loop3A_974], %parallel_loop3A_977 {strides = array<i32>} : memref<8x2048xf32, #tpu.memory_space<vmem>>, vector<1x16xf32>,
      } {sc.loop_unroll_factor = 8 : i64, sc.parallel_access}
      %jit3A_868 = arith.constant 2 : i32
      %div3A_869 = arith.divsi %add3A_675, %jit3A_868 : i32
      %sign3A_870 = arith.constant 0 : i32
      %sign3A_871 = arith.cmpi sgt, %add3A_675, %sign3A_870 : i32
      %sign3A_872 = arith.extui %sign3A_871 : i1 to i32
      %sign3A_873 = arith.constant 0 : i32
      %sign3A_874 = arith.cmpi slt, %add3A_675, %sign3A_873 : i32
      %sign3A_875 = arith.extui %sign3A_874 : i1 to i32
      %sign3A_876 = arith.subi %sign3A_872, %sign3A_875 : i32
      %sign3A_877 = arith.constant 0 : i32
      %sign3A_878 = arith.cmpi sgt, %jit3A_868, %sign3A_877 : i32
      %sign3A_879 = arith.extui %sign3A_878 : i1 to i32
      %sign3A_880 = arith.constant 0 : i32
      %sign3A_881 = arith.cmpi slt, %jit3A_868, %sign3A_880 : i32
      %sign3A_882 = arith.extui %sign3A_881 : i1 to i32
      %sign3A_883 = arith.subi %sign3A_879, %sign3A_882 : i32
      %ne3A_884 = arith.cmpi ne, %sign3A_876, %sign3A_883 : i32
      %rem3A_885 = arith.remsi %add3A_675, %jit3A_868 : i32
      %ne3A_886 = arith.constant 0 : i32
      %ne3A_887 = arith.cmpi ne, %rem3A_885, %ne3A_886 : i32
      %and3A_888 = arith.andi %ne3A_884, %ne3A_887 : i1
      %sub3A_889 = arith.constant 1 : i32
      %sub3A_890 = arith.subi %div3A_869, %sub3A_889 : i32
      %select_n3A_891 = arith.select %and3A_888, %sub3A_890, %div3A_869 : i32
      %add3A_892 = arith.addi %mul3A_2, %select_n3A_891 : i32
      %mul3A_893 = arith.constant 8 : i32
      %mul3A_894 = arith.muli %add3A_892, %mul3A_893 : i32
      %jit3A_895 = arith.constant 2 : i32
      %eq3A_896 = arith.constant 0 : i32
      %eq3A_897 = arith.cmpi eq, %jit3A_895, %eq3A_896 : i32
      %jit3A_898 = arith.constant 1 : i32
      %select_n3A_899 = arith.select %eq3A_897, %jit3A_898, %jit3A_895 : i32
      %rem3A_900 = arith.remsi %add3A_675, %select_n3A_899 : i32
      %ne3A_901 = arith.constant 0 : i32
      %ne3A_902 = arith.cmpi ne, %rem3A_900, %ne3A_901 : i32
      %lt3A_903 = arith.constant 0 : i32
      %lt3A_904 = arith.cmpi slt, %rem3A_900, %lt3A_903 : i32
      %lt3A_905 = arith.constant 0 : i32
      %lt3A_906 = arith.cmpi slt, %select_n3A_899, %lt3A_905 : i32
      %ne3A_907 = arith.xori %lt3A_904, %lt3A_906 : i1
      %and3A_908 = arith.andi %ne3A_907, %ne3A_902 : i1
      %add3A_909 = arith.addi %rem3A_900, %select_n3A_899 : i32
      %select_n3A_910 = arith.select %and3A_908, %add3A_909, %rem3A_900 : i32
      %mul3A_911 = arith.constant 2048 : i32
      %mul3A_912 = arith.muli %select_n3A_910, %mul3A_911 : i32
      %dma_start3A_913 = tpu.memref_slice %arg4[%mul3A_894, %mul3A_912] : memref<12800x4096xf32, #tpu.memory_space<hbm>> -> memref<8x2048xf32, #tpu.memory_space<hbm>>
      %dma_start3A_914 = tpu.memref_slice %arg4[%mul3A_894, %mul3A_912] : memref<12800x4096xf32, #tpu.memory_space<hbm>> -> memref<8x2048xf32, #tpu.memory_space<hbm>>
      tpu.enqueue_dma source(%arg9 : memref<8x2048xf32, #tpu.memory_space<vmem>>) target(%dma_start3A_914 : memref<8x2048xf32, #tpu.memory_space<hbm>>) target_semaphore(%arg13 : memref<!tpu.dma_semaphore, #tpu.memory_space<semaphore_mem>>)
      %add3A_915 = arith.constant 2 : i32
      %add3A_916 = arith.addi %add3A_675, %add3A_915 : i32
      %jit3A_917 = arith.constant 2 : i32
      %div3A_918 = arith.divsi %add3A_916, %jit3A_917 : i32
      %sign3A_919 = arith.constant 0 : i32
      %sign3A_920 = arith.cmpi sgt, %add3A_916, %sign3A_919 : i32
      %sign3A_921 = arith.extui %sign3A_920 : i1 to i32
      %sign3A_922 = arith.constant 0 : i32
      %sign3A_923 = arith.cmpi slt, %add3A_916, %sign3A_922 : i32
      %sign3A_924 = arith.extui %sign3A_923 : i1 to i32
      %sign3A_925 = arith.subi %sign3A_921, %sign3A_924 : i32
      %sign3A_926 = arith.constant 0 : i32
      %sign3A_927 = arith.cmpi sgt, %jit3A_917, %sign3A_926 : i32
      %sign3A_928 = arith.extui %sign3A_927 : i1 to i32
      %sign3A_929 = arith.constant 0 : i32
      %sign3A_930 = arith.cmpi slt, %jit3A_917, %sign3A_929 : i32
      %sign3A_931 = arith.extui %sign3A_930 : i1 to i32
      %sign3A_932 = arith.subi %sign3A_928, %sign3A_931 : i32
      %ne3A_933 = arith.cmpi ne, %sign3A_925, %sign3A_932 : i32
      %rem3A_934 = arith.remsi %add3A_916, %jit3A_917 : i32
      %ne3A_935 = arith.constant 0 : i32
      %ne3A_936 = arith.cmpi ne, %rem3A_934, %ne3A_935 : i32
      %and3A_937 = arith.andi %ne3A_933, %ne3A_936 : i1
      %sub3A_938 = arith.constant 1 : i32
      %sub3A_939 = arith.subi %div3A_918, %sub3A_938 : i32
      %select_n3A_940 = arith.select %and3A_937, %sub3A_939, %div3A_918 : i32
      %add3A_941 = arith.addi %mul3A_2, %select_n3A_940 : i32
      %mul3A_942 = arith.constant 8 : i32
      %mul3A_943 = arith.muli %add3A_941, %mul3A_942 : i32
      %jit3A_944 = arith.constant 2 : i32
      %eq3A_945 = arith.constant 0 : i32
      %eq3A_946 = arith.cmpi eq, %jit3A_944, %eq3A_945 : i32
      %jit3A_947 = arith.constant 1 : i32
      %select_n3A_948 = arith.select %eq3A_946, %jit3A_947, %jit3A_944 : i32
      %rem3A_949 = arith.remsi %add3A_916, %select_n3A_948 : i32
      %ne3A_950 = arith.constant 0 : i32
      %ne3A_951 = arith.cmpi ne, %rem3A_949, %ne3A_950 : i32
      %lt3A_952 = arith.constant 0 : i32
      %lt3A_953 = arith.cmpi slt, %rem3A_949, %lt3A_952 : i32
      %lt3A_954 = arith.constant 0 : i32
      %lt3A_955 = arith.cmpi slt, %select_n3A_948, %lt3A_954 : i32
      %ne3A_956 = arith.xori %lt3A_953, %lt3A_955 : i1
      %and3A_957 = arith.andi %ne3A_956, %ne3A_951 : i1
      %add3A_958 = arith.addi %rem3A_949, %select_n3A_948 : i32
      %select_n3A_959 = arith.select %and3A_957, %add3A_958, %rem3A_949 : i32
      %mul3A_960 = arith.constant 2048 : i32
      %mul3A_961 = arith.muli %select_n3A_959, %mul3A_960 : i32
      %dma_start3A_962 = tpu.memref_slice %arg2[%mul3A_943, %mul3A_961] : memref<12800x4096xf32, #tpu.memory_space<hbm>> -> memref<8x2048xf32, #tpu.memory_space<hbm>>
      %dma_start3A_963 = tpu.memref_slice %arg2[%mul3A_943, %mul3A_961] : memref<12800x4096xf32, #tpu.memory_space<hbm>> -> memref<8x2048xf32, #tpu.memory_space<hbm>>
      tpu.enqueue_dma source(%dma_start3A_963 : memref<8x2048xf32, #tpu.memory_space<hbm>>) target(%arg7 : memref<8x2048xf32, #tpu.memory_space<vmem>>) target_semaphore(%arg11 : memref<!tpu.dma_semaphore, #tpu.memory_space<semaphore_mem>>)
    }
    %scan3A_196 = arith.constant 48 : i32
    %add3A_197 = arith.constant 49 : i32
    %add3A_198 = arith.addi %mul3A_2, %add3A_197 : i32
    %mul3A_199 = arith.constant 8 : i32
    %mul3A_200 = arith.muli %add3A_198, %mul3A_199 : i32
    %dma_wait3A_201 = arith.constant 0 : i32
    %dma_wait3A_202 = tpu.memref_slice %arg2[%mul3A_200, %dma_wait3A_201] : memref<12800x4096xf32, #tpu.memory_space<hbm>> -> memref<8x2048xf32, #tpu.memory_space<hbm>>
    %dma_wait3A_203 = arith.constant 0 : i32
    %dma_wait3A_204 = tpu.memref_slice %arg2[%mul3A_200, %dma_wait3A_203] : memref<12800x4096xf32, #tpu.memory_space<hbm>> -> memref<8x2048xf32, #tpu.memory_space<hbm>>
    tpu.wait_dma2 semaphore(%arg10 : memref<!tpu.dma_semaphore, #tpu.memory_space<semaphore_mem>>) src(%dma_wait3A_204 : memref<8x2048xf32, #tpu.memory_space<hbm>>) dst(%arg6 : memref<8x2048xf32, #tpu.memory_space<vmem>>)
    %add3A_205 = arith.constant 49 : i32
    %add3A_206 = arith.addi %mul3A_2, %add3A_205 : i32
    %mul3A_207 = arith.constant 8 : i32
    %mul3A_208 = arith.muli %add3A_206, %mul3A_207 : i32
    %dma_wait3A_209 = arith.constant 0 : i32
    %dma_wait3A_210 = tpu.memref_slice %arg4[%mul3A_208, %dma_wait3A_209] : memref<12800x4096xf32, #tpu.memory_space<hbm>> -> memref<8x2048xf32, #tpu.memory_space<hbm>>
    %dma_wait3A_211 = arith.constant 0 : i32
    %dma_wait3A_212 = tpu.memref_slice %arg4[%mul3A_208, %dma_wait3A_211] : memref<12800x4096xf32, #tpu.memory_space<hbm>> -> memref<8x2048xf32, #tpu.memory_space<hbm>>
    tpu.wait_dma2 semaphore(%arg12 : memref<!tpu.dma_semaphore, #tpu.memory_space<semaphore_mem>>) src(%arg8 : memref<8x2048xf32, #tpu.memory_space<vmem>>) dst(%dma_wait3A_212 : memref<8x2048xf32, #tpu.memory_space<hbm>>)
    %multiple_of3A_213 = arith.constant 6272 : i32
    %multiple_of3A_214 = tpu.assume_multiple %multiple_of3A_213, 16 : i32
    %get3A_215 = arith.index_cast %multiple_of3A_214 : i32 to index
    %get3A_216 = tpu.vector_load %arg5[%get3A_215] {strides = array<i32>} : memref<6400xf32, #tpu.memory_space<vmem>>, vector<16xf32>,
    %get3A_217 = vector.shape_cast %get3A_216 : vector<16xf32> to vector<16xf32>
    %parallel_loop3A_218 = arith.constant 0 : i32
    %parallel_loop3A_219 = arith.constant 2048 : i32
    %parallel_loop3A_220 = arith.constant 16 : i32
    scf.for %parallel_loop3A_389 = %parallel_loop3A_218 to %parallel_loop3A_219 step %parallel_loop3A_220  : i32 {
      %parallel_loop3A_390 = tpu.assume_multiple %parallel_loop3A_389, 16 : i32
      %parallel_loop3A_391 = arith.constant 0 : i32
      %parallel_loop3A_392 = arith.index_cast %parallel_loop3A_391 : i32 to index
      %parallel_loop3A_393 = arith.index_cast %parallel_loop3A_390 : i32 to index
      %parallel_loop3A_394 = tpu.vector_load %arg6[%parallel_loop3A_392, %parallel_loop3A_393] {strides = array<i32>} : memref<8x2048xf32, #tpu.memory_space<vmem>>, vector<1x16xf32>,
      %parallel_loop3A_395 = vector.shape_cast %parallel_loop3A_394 : vector<1x16xf32> to vector<16xf32>
      %parallel_loop3A_396 = arith.addf %parallel_loop3A_395, %get3A_217 : vector<16xf32>
      %parallel_loop3A_397 = arith.constant 0 : i32
      %parallel_loop3A_398 = arith.index_cast %parallel_loop3A_397 : i32 to index
      %parallel_loop3A_399 = arith.index_cast %parallel_loop3A_390 : i32 to index
      %parallel_loop3A_400 = tpu.vector_load %arg8[%parallel_loop3A_398, %parallel_loop3A_399] {strides = array<i32>} : memref<8x2048xf32, #tpu.memory_space<vmem>>, vector<1x16xf32>,
      %parallel_loop3A_401 = vector.shape_cast %parallel_loop3A_400 : vector<1x16xf32> to vector<16xf32>
      %parallel_loop3A_402 = vector.shape_cast %parallel_loop3A_396 : vector<16xf32> to vector<1x16xf32>
      tpu.vector_store %arg8[%parallel_loop3A_398, %parallel_loop3A_399], %parallel_loop3A_402 {strides = array<i32>} : memref<8x2048xf32, #tpu.memory_space<vmem>>, vector<1x16xf32>,
    } {sc.loop_unroll_factor = 8 : i64, sc.parallel_access}
    %multiple_of3A_221 = arith.constant 6288 : i32
    %multiple_of3A_222 = tpu.assume_multiple %multiple_of3A_221, 16 : i32
    %get3A_223 = arith.index_cast %multiple_of3A_222 : i32 to index
    %get3A_224 = tpu.vector_load %arg5[%get3A_223] {strides = array<i32>} : memref<6400xf32, #tpu.memory_space<vmem>>, vector<16xf32>,
    %get3A_225 = vector.shape_cast %get3A_224 : vector<16xf32> to vector<16xf32>
    %parallel_loop3A_226 = arith.constant 0 : i32
    %parallel_loop3A_227 = arith.constant 2048 : i32
    %parallel_loop3A_228 = arith.constant 16 : i32
    scf.for %parallel_loop3A_389 = %parallel_loop3A_226 to %parallel_loop3A_227 step %parallel_loop3A_228  : i32 {
      %parallel_loop3A_390 = tpu.assume_multiple %parallel_loop3A_389, 16 : i32
      %parallel_loop3A_391 = arith.constant 1 : i32
      %parallel_loop3A_392 = arith.index_cast %parallel_loop3A_391 : i32 to index
      %parallel_loop3A_393 = arith.index_cast %parallel_loop3A_390 : i32 to index
      %parallel_loop3A_394 = tpu.vector_load %arg6[%parallel_loop3A_392, %parallel_loop3A_393] {strides = array<i32>} : memref<8x2048xf32, #tpu.memory_space<vmem>>, vector<1x16xf32>,
      %parallel_loop3A_395 = vector.shape_cast %parallel_loop3A_394 : vector<1x16xf32> to vector<16xf32>
      %parallel_loop3A_396 = arith.addf %parallel_loop3A_395, %get3A_225 : vector<16xf32>
      %parallel_loop3A_397 = arith.constant 1 : i32
      %parallel_loop3A_398 = arith.index_cast %parallel_loop3A_397 : i32 to index
      %parallel_loop3A_399 = arith.index_cast %parallel_loop3A_390 : i32 to index
      %parallel_loop3A_400 = tpu.vector_load %arg8[%parallel_loop3A_398, %parallel_loop3A_399] {strides = array<i32>} : memref<8x2048xf32, #tpu.memory_space<vmem>>, vector<1x16xf32>,
      %parallel_loop3A_401 = vector.shape_cast %parallel_loop3A_400 : vector<1x16xf32> to vector<16xf32>
      %parallel_loop3A_402 = vector.shape_cast %parallel_loop3A_396 : vector<16xf32> to vector<1x16xf32>
      tpu.vector_store %arg8[%parallel_loop3A_398, %parallel_loop3A_399], %parallel_loop3A_402 {strides = array<i32>} : memref<8x2048xf32, #tpu.memory_space<vmem>>, vector<1x16xf32>,
    } {sc.loop_unroll_factor = 8 : i64, sc.parallel_access}
    %multiple_of3A_229 = arith.constant 6304 : i32
    %multiple_of3A_230 = tpu.assume_multiple %multiple_of3A_229, 16 : i32
    %get3A_231 = arith.index_cast %multiple_of3A_230 : i32 to index
    %get3A_232 = tpu.vector_load %arg5[%get3A_231] {strides = array<i32>} : memref<6400xf32, #tpu.memory_space<vmem>>, vector<16xf32>,
    %get3A_233 = vector.shape_cast %get3A_232 : vector<16xf32> to vector<16xf32>
    %parallel_loop3A_234 = arith.constant 0 : i32
    %parallel_loop3A_235 = arith.constant 2048 : i32
    %parallel_loop3A_236 = arith.constant 16 : i32
    scf.for %parallel_loop3A_389 = %parallel_loop3A_234 to %parallel_loop3A_235 step %parallel_loop3A_236  : i32 {
      %parallel_loop3A_390 = tpu.assume_multiple %parallel_loop3A_389, 16 : i32
      %parallel_loop3A_391 = arith.constant 2 : i32
      %parallel_loop3A_392 = arith.index_cast %parallel_loop3A_391 : i32 to index
      %parallel_loop3A_393 = arith.index_cast %parallel_loop3A_390 : i32 to index
      %parallel_loop3A_394 = tpu.vector_load %arg6[%parallel_loop3A_392, %parallel_loop3A_393] {strides = array<i32>} : memref<8x2048xf32, #tpu.memory_space<vmem>>, vector<1x16xf32>,
      %parallel_loop3A_395 = vector.shape_cast %parallel_loop3A_394 : vector<1x16xf32> to vector<16xf32>
      %parallel_loop3A_396 = arith.addf %parallel_loop3A_395, %get3A_233 : vector<16xf32>
      %parallel_loop3A_397 = arith.constant 2 : i32
      %parallel_loop3A_398 = arith.index_cast %parallel_loop3A_397 : i32 to index
      %parallel_loop3A_399 = arith.index_cast %parallel_loop3A_390 : i32 to index
      %parallel_loop3A_400 = tpu.vector_load %arg8[%parallel_loop3A_398, %parallel_loop3A_399] {strides = array<i32>} : memref<8x2048xf32, #tpu.memory_space<vmem>>, vector<1x16xf32>,
      %parallel_loop3A_401 = vector.shape_cast %parallel_loop3A_400 : vector<1x16xf32> to vector<16xf32>
      %parallel_loop3A_402 = vector.shape_cast %parallel_loop3A_396 : vector<16xf32> to vector<1x16xf32>
      tpu.vector_store %arg8[%parallel_loop3A_398, %parallel_loop3A_399], %parallel_loop3A_402 {strides = array<i32>} : memref<8x2048xf32, #tpu.memory_space<vmem>>, vector<1x16xf32>,
    } {sc.loop_unroll_factor = 8 : i64, sc.parallel_access}
    %multiple_of3A_237 = arith.constant 6320 : i32
    %multiple_of3A_238 = tpu.assume_multiple %multiple_of3A_237, 16 : i32
    %get3A_239 = arith.index_cast %multiple_of3A_238 : i32 to index
    %get3A_240 = tpu.vector_load %arg5[%get3A_239] {strides = array<i32>} : memref<6400xf32, #tpu.memory_space<vmem>>, vector<16xf32>,
    %get3A_241 = vector.shape_cast %get3A_240 : vector<16xf32> to vector<16xf32>
    %parallel_loop3A_242 = arith.constant 0 : i32
    %parallel_loop3A_243 = arith.constant 2048 : i32
    %parallel_loop3A_244 = arith.constant 16 : i32
    scf.for %parallel_loop3A_389 = %parallel_loop3A_242 to %parallel_loop3A_243 step %parallel_loop3A_244  : i32 {
      %parallel_loop3A_390 = tpu.assume_multiple %parallel_loop3A_389, 16 : i32
      %parallel_loop3A_391 = arith.constant 3 : i32
      %parallel_loop3A_392 = arith.index_cast %parallel_loop3A_391 : i32 to index
      %parallel_loop3A_393 = arith.index_cast %parallel_loop3A_390 : i32 to index
      %parallel_loop3A_394 = tpu.vector_load %arg6[%parallel_loop3A_392, %parallel_loop3A_393] {strides = array<i32>} : memref<8x2048xf32, #tpu.memory_space<vmem>>, vector<1x16xf32>,
      %parallel_loop3A_395 = vector.shape_cast %parallel_loop3A_394 : vector<1x16xf32> to vector<16xf32>
      %parallel_loop3A_396 = arith.addf %parallel_loop3A_395, %get3A_241 : vector<16xf32>
      %parallel_loop3A_397 = arith.constant 3 : i32
      %parallel_loop3A_398 = arith.index_cast %parallel_loop3A_397 : i32 to index
      %parallel_loop3A_399 = arith.index_cast %parallel_loop3A_390 : i32 to index
      %parallel_loop3A_400 = tpu.vector_load %arg8[%parallel_loop3A_398, %parallel_loop3A_399] {strides = array<i32>} : memref<8x2048xf32, #tpu.memory_space<vmem>>, vector<1x16xf32>,
      %parallel_loop3A_401 = vector.shape_cast %parallel_loop3A_400 : vector<1x16xf32> to vector<16xf32>
      %parallel_loop3A_402 = vector.shape_cast %parallel_loop3A_396 : vector<16xf32> to vector<1x16xf32>
      tpu.vector_store %arg8[%parallel_loop3A_398, %parallel_loop3A_399], %parallel_loop3A_402 {strides = array<i32>} : memref<8x2048xf32, #tpu.memory_space<vmem>>, vector<1x16xf32>,
    } {sc.loop_unroll_factor = 8 : i64, sc.parallel_access}
    %multiple_of3A_245 = arith.constant 6336 : i32
    %multiple_of3A_246 = tpu.assume_multiple %multiple_of3A_245, 16 : i32
    %get3A_247 = arith.index_cast %multiple_of3A_246 : i32 to index
    %get3A_248 = tpu.vector_load %arg5[%get3A_247] {strides = array<i32>} : memref<6400xf32, #tpu.memory_space<vmem>>, vector<16xf32>,
    %get3A_249 = vector.shape_cast %get3A_248 : vector<16xf32> to vector<16xf32>
    %parallel_loop3A_250 = arith.constant 0 : i32
    %parallel_loop3A_251 = arith.constant 2048 : i32
    %parallel_loop3A_252 = arith.constant 16 : i32
    scf.for %parallel_loop3A_389 = %parallel_loop3A_250 to %parallel_loop3A_251 step %parallel_loop3A_252  : i32 {
      %parallel_loop3A_390 = tpu.assume_multiple %parallel_loop3A_389, 16 : i32
      %parallel_loop3A_391 = arith.constant 4 : i32
      %parallel_loop3A_392 = arith.index_cast %parallel_loop3A_391 : i32 to index
      %parallel_loop3A_393 = arith.index_cast %parallel_loop3A_390 : i32 to index
      %parallel_loop3A_394 = tpu.vector_load %arg6[%parallel_loop3A_392, %parallel_loop3A_393] {strides = array<i32>} : memref<8x2048xf32, #tpu.memory_space<vmem>>, vector<1x16xf32>,
      %parallel_loop3A_395 = vector.shape_cast %parallel_loop3A_394 : vector<1x16xf32> to vector<16xf32>
      %parallel_loop3A_396 = arith.addf %parallel_loop3A_395, %get3A_249 : vector<16xf32>
      %parallel_loop3A_397 = arith.constant 4 : i32
      %parallel_loop3A_398 = arith.index_cast %parallel_loop3A_397 : i32 to index
      %parallel_loop3A_399 = arith.index_cast %parallel_loop3A_390 : i32 to index
      %parallel_loop3A_400 = tpu.vector_load %arg8[%parallel_loop3A_398, %parallel_loop3A_399] {strides = array<i32>} : memref<8x2048xf32, #tpu.memory_space<vmem>>, vector<1x16xf32>,
      %parallel_loop3A_401 = vector.shape_cast %parallel_loop3A_400 : vector<1x16xf32> to vector<16xf32>
      %parallel_loop3A_402 = vector.shape_cast %parallel_loop3A_396 : vector<16xf32> to vector<1x16xf32>
      tpu.vector_store %arg8[%parallel_loop3A_398, %parallel_loop3A_399], %parallel_loop3A_402 {strides = array<i32>} : memref<8x2048xf32, #tpu.memory_space<vmem>>, vector<1x16xf32>,
    } {sc.loop_unroll_factor = 8 : i64, sc.parallel_access}
    %multiple_of3A_253 = arith.constant 6352 : i32
    %multiple_of3A_254 = tpu.assume_multiple %multiple_of3A_253, 16 : i32
    %get3A_255 = arith.index_cast %multiple_of3A_254 : i32 to index
    %get3A_256 = tpu.vector_load %arg5[%get3A_255] {strides = array<i32>} : memref<6400xf32, #tpu.memory_space<vmem>>, vector<16xf32>,
    %get3A_257 = vector.shape_cast %get3A_256 : vector<16xf32> to vector<16xf32>
    %parallel_loop3A_258 = arith.constant 0 : i32
    %parallel_loop3A_259 = arith.constant 2048 : i32
    %parallel_loop3A_260 = arith.constant 16 : i32
    scf.for %parallel_loop3A_389 = %parallel_loop3A_258 to %parallel_loop3A_259 step %parallel_loop3A_260  : i32 {
      %parallel_loop3A_390 = tpu.assume_multiple %parallel_loop3A_389, 16 : i32
      %parallel_loop3A_391 = arith.constant 5 : i32
      %parallel_loop3A_392 = arith.index_cast %parallel_loop3A_391 : i32 to index
      %parallel_loop3A_393 = arith.index_cast %parallel_loop3A_390 : i32 to index
      %parallel_loop3A_394 = tpu.vector_load %arg6[%parallel_loop3A_392, %parallel_loop3A_393] {strides = array<i32>} : memref<8x2048xf32, #tpu.memory_space<vmem>>, vector<1x16xf32>,
      %parallel_loop3A_395 = vector.shape_cast %parallel_loop3A_394 : vector<1x16xf32> to vector<16xf32>
      %parallel_loop3A_396 = arith.addf %parallel_loop3A_395, %get3A_257 : vector<16xf32>
      %parallel_loop3A_397 = arith.constant 5 : i32
      %parallel_loop3A_398 = arith.index_cast %parallel_loop3A_397 : i32 to index
      %parallel_loop3A_399 = arith.index_cast %parallel_loop3A_390 : i32 to index
      %parallel_loop3A_400 = tpu.vector_load %arg8[%parallel_loop3A_398, %parallel_loop3A_399] {strides = array<i32>} : memref<8x2048xf32, #tpu.memory_space<vmem>>, vector<1x16xf32>,
      %parallel_loop3A_401 = vector.shape_cast %parallel_loop3A_400 : vector<1x16xf32> to vector<16xf32>
      %parallel_loop3A_402 = vector.shape_cast %parallel_loop3A_396 : vector<16xf32> to vector<1x16xf32>
      tpu.vector_store %arg8[%parallel_loop3A_398, %parallel_loop3A_399], %parallel_loop3A_402 {strides = array<i32>} : memref<8x2048xf32, #tpu.memory_space<vmem>>, vector<1x16xf32>,
    } {sc.loop_unroll_factor = 8 : i64, sc.parallel_access}
    %multiple_of3A_261 = arith.constant 6368 : i32
    %multiple_of3A_262 = tpu.assume_multiple %multiple_of3A_261, 16 : i32
    %get3A_263 = arith.index_cast %multiple_of3A_262 : i32 to index
    %get3A_264 = tpu.vector_load %arg5[%get3A_263] {strides = array<i32>} : memref<6400xf32, #tpu.memory_space<vmem>>, vector<16xf32>,
    %get3A_265 = vector.shape_cast %get3A_264 : vector<16xf32> to vector<16xf32>
    %parallel_loop3A_266 = arith.constant 0 : i32
    %parallel_loop3A_267 = arith.constant 2048 : i32
    %parallel_loop3A_268 = arith.constant 16 : i32
    scf.for %parallel_loop3A_389 = %parallel_loop3A_266 to %parallel_loop3A_267 step %parallel_loop3A_268  : i32 {
      %parallel_loop3A_390 = tpu.assume_multiple %parallel_loop3A_389, 16 : i32
      %parallel_loop3A_391 = arith.constant 6 : i32
      %parallel_loop3A_392 = arith.index_cast %parallel_loop3A_391 : i32 to index
      %parallel_loop3A_393 = arith.index_cast %parallel_loop3A_390 : i32 to index
      %parallel_loop3A_394 = tpu.vector_load %arg6[%parallel_loop3A_392, %parallel_loop3A_393] {strides = array<i32>} : memref<8x2048xf32, #tpu.memory_space<vmem>>, vector<1x16xf32>,
      %parallel_loop3A_395 = vector.shape_cast %parallel_loop3A_394 : vector<1x16xf32> to vector<16xf32>
      %parallel_loop3A_396 = arith.addf %parallel_loop3A_395, %get3A_265 : vector<16xf32>
      %parallel_loop3A_397 = arith.constant 6 : i32
      %parallel_loop3A_398 = arith.index_cast %parallel_loop3A_397 : i32 to index
      %parallel_loop3A_399 = arith.index_cast %parallel_loop3A_390 : i32 to index
      %parallel_loop3A_400 = tpu.vector_load %arg8[%parallel_loop3A_398, %parallel_loop3A_399] {strides = array<i32>} : memref<8x2048xf32, #tpu.memory_space<vmem>>, vector<1x16xf32>,
      %parallel_loop3A_401 = vector.shape_cast %parallel_loop3A_400 : vector<1x16xf32> to vector<16xf32>
      %parallel_loop3A_402 = vector.shape_cast %parallel_loop3A_396 : vector<16xf32> to vector<1x16xf32>
      tpu.vector_store %arg8[%parallel_loop3A_398, %parallel_loop3A_399], %parallel_loop3A_402 {strides = array<i32>} : memref<8x2048xf32, #tpu.memory_space<vmem>>, vector<1x16xf32>,
    } {sc.loop_unroll_factor = 8 : i64, sc.parallel_access}
    %multiple_of3A_269 = arith.constant 6384 : i32
    %multiple_of3A_270 = tpu.assume_multiple %multiple_of3A_269, 16 : i32
    %get3A_271 = arith.index_cast %multiple_of3A_270 : i32 to index
    %get3A_272 = tpu.vector_load %arg5[%get3A_271] {strides = array<i32>} : memref<6400xf32, #tpu.memory_space<vmem>>, vector<16xf32>,
    %get3A_273 = vector.shape_cast %get3A_272 : vector<16xf32> to vector<16xf32>
    %parallel_loop3A_274 = arith.constant 0 : i32
    %parallel_loop3A_275 = arith.constant 2048 : i32
    %parallel_loop3A_276 = arith.constant 16 : i32
    scf.for %parallel_loop3A_389 = %parallel_loop3A_274 to %parallel_loop3A_275 step %parallel_loop3A_276  : i32 {
      %parallel_loop3A_390 = tpu.assume_multiple %parallel_loop3A_389, 16 : i32
      %parallel_loop3A_391 = arith.constant 7 : i32
      %parallel_loop3A_392 = arith.index_cast %parallel_loop3A_391 : i32 to index
      %parallel_loop3A_393 = arith.index_cast %parallel_loop3A_390 : i32 to index
      %parallel_loop3A_394 = tpu.vector_load %arg6[%parallel_loop3A_392, %parallel_loop3A_393] {strides = array<i32>} : memref<8x2048xf32, #tpu.memory_space<vmem>>, vector<1x16xf32>,
      %parallel_loop3A_395 = vector.shape_cast %parallel_loop3A_394 : vector<1x16xf32> to vector<16xf32>
      %parallel_loop3A_396 = arith.addf %parallel_loop3A_395, %get3A_273 : vector<16xf32>
      %parallel_loop3A_397 = arith.constant 7 : i32
      %parallel_loop3A_398 = arith.index_cast %parallel_loop3A_397 : i32 to index
      %parallel_loop3A_399 = arith.index_cast %parallel_loop3A_390 : i32 to index
      %parallel_loop3A_400 = tpu.vector_load %arg8[%parallel_loop3A_398, %parallel_loop3A_399] {strides = array<i32>} : memref<8x2048xf32, #tpu.memory_space<vmem>>, vector<1x16xf32>,
      %parallel_loop3A_401 = vector.shape_cast %parallel_loop3A_400 : vector<1x16xf32> to vector<16xf32>
      %parallel_loop3A_402 = vector.shape_cast %parallel_loop3A_396 : vector<16xf32> to vector<1x16xf32>
      tpu.vector_store %arg8[%parallel_loop3A_398, %parallel_loop3A_399], %parallel_loop3A_402 {strides = array<i32>} : memref<8x2048xf32, #tpu.memory_space<vmem>>, vector<1x16xf32>,
    } {sc.loop_unroll_factor = 8 : i64, sc.parallel_access}
    %add3A_277 = arith.constant 49 : i32
    %add3A_278 = arith.addi %mul3A_2, %add3A_277 : i32
    %mul3A_279 = arith.constant 8 : i32
    %mul3A_280 = arith.muli %add3A_278, %mul3A_279 : i32
    %dma_start3A_281 = arith.constant 0 : i32
    %dma_start3A_282 = tpu.memref_slice %arg4[%mul3A_280, %dma_start3A_281] : memref<12800x4096xf32, #tpu.memory_space<hbm>> -> memref<8x2048xf32, #tpu.memory_space<hbm>>
    %dma_start3A_283 = arith.constant 0 : i32
    %dma_start3A_284 = tpu.memref_slice %arg4[%mul3A_280, %dma_start3A_283] : memref<12800x4096xf32, #tpu.memory_space<hbm>> -> memref<8x2048xf32, #tpu.memory_space<hbm>>
    tpu.enqueue_dma source(%arg8 : memref<8x2048xf32, #tpu.memory_space<vmem>>) target(%dma_start3A_284 : memref<8x2048xf32, #tpu.memory_space<hbm>>) target_semaphore(%arg12 : memref<!tpu.dma_semaphore, #tpu.memory_space<semaphore_mem>>)
    %add3A_285 = arith.constant 49 : i32
    %add3A_286 = arith.addi %mul3A_2, %add3A_285 : i32
    %mul3A_287 = arith.constant 8 : i32
    %mul3A_288 = arith.muli %add3A_286, %mul3A_287 : i32
    %dma_wait3A_289 = arith.constant 2048 : i32
    %dma_wait3A_290 = tpu.memref_slice %arg2[%mul3A_288, %dma_wait3A_289] : memref<12800x4096xf32, #tpu.memory_space<hbm>> -> memref<8x2048xf32, #tpu.memory_space<hbm>>
    %dma_wait3A_291 = arith.constant 2048 : i32
    %dma_wait3A_292 = tpu.memref_slice %arg2[%mul3A_288, %dma_wait3A_291] : memref<12800x4096xf32, #tpu.memory_space<hbm>> -> memref<8x2048xf32, #tpu.memory_space<hbm>>
    tpu.wait_dma2 semaphore(%arg11 : memref<!tpu.dma_semaphore, #tpu.memory_space<semaphore_mem>>) src(%dma_wait3A_292 : memref<8x2048xf32, #tpu.memory_space<hbm>>) dst(%arg7 : memref<8x2048xf32, #tpu.memory_space<vmem>>)
    %add3A_293 = arith.constant 49 : i32
    %add3A_294 = arith.addi %mul3A_2, %add3A_293 : i32
    %mul3A_295 = arith.constant 8 : i32
    %mul3A_296 = arith.muli %add3A_294, %mul3A_295 : i32
    %dma_wait3A_297 = arith.constant 2048 : i32
    %dma_wait3A_298 = tpu.memref_slice %arg4[%mul3A_296, %dma_wait3A_297] : memref<12800x4096xf32, #tpu.memory_space<hbm>> -> memref<8x2048xf32, #tpu.memory_space<hbm>>
    %dma_wait3A_299 = arith.constant 2048 : i32
    %dma_wait3A_300 = tpu.memref_slice %arg4[%mul3A_296, %dma_wait3A_299] : memref<12800x4096xf32, #tpu.memory_space<hbm>> -> memref<8x2048xf32, #tpu.memory_space<hbm>>
    tpu.wait_dma2 semaphore(%arg13 : memref<!tpu.dma_semaphore, #tpu.memory_space<semaphore_mem>>) src(%arg9 : memref<8x2048xf32, #tpu.memory_space<vmem>>) dst(%dma_wait3A_300 : memref<8x2048xf32, #tpu.memory_space<hbm>>)
    %multiple_of3A_301 = arith.constant 6272 : i32
    %multiple_of3A_302 = tpu.assume_multiple %multiple_of3A_301, 16 : i32
    %get3A_303 = arith.index_cast %multiple_of3A_302 : i32 to index
    %get3A_304 = tpu.vector_load %arg5[%get3A_303] {strides = array<i32>} : memref<6400xf32, #tpu.memory_space<vmem>>, vector<16xf32>,
    %get3A_305 = vector.shape_cast %get3A_304 : vector<16xf32> to vector<16xf32>
    %parallel_loop3A_306 = arith.constant 0 : i32
    %parallel_loop3A_307 = arith.constant 2048 : i32
    %parallel_loop3A_308 = arith.constant 16 : i32
    scf.for %parallel_loop3A_389 = %parallel_loop3A_306 to %parallel_loop3A_307 step %parallel_loop3A_308  : i32 {
      %parallel_loop3A_390 = tpu.assume_multiple %parallel_loop3A_389, 16 : i32
      %parallel_loop3A_391 = arith.constant 0 : i32
      %parallel_loop3A_392 = arith.index_cast %parallel_loop3A_391 : i32 to index
      %parallel_loop3A_393 = arith.index_cast %parallel_loop3A_390 : i32 to index
      %parallel_loop3A_394 = tpu.vector_load %arg7[%parallel_loop3A_392, %parallel_loop3A_393] {strides = array<i32>} : memref<8x2048xf32, #tpu.memory_space<vmem>>, vector<1x16xf32>,
      %parallel_loop3A_395 = vector.shape_cast %parallel_loop3A_394 : vector<1x16xf32> to vector<16xf32>
      %parallel_loop3A_396 = arith.addf %parallel_loop3A_395, %get3A_305 : vector<16xf32>
      %parallel_loop3A_397 = arith.constant 0 : i32
      %parallel_loop3A_398 = arith.index_cast %parallel_loop3A_397 : i32 to index
      %parallel_loop3A_399 = arith.index_cast %parallel_loop3A_390 : i32 to index
      %parallel_loop3A_400 = tpu.vector_load %arg9[%parallel_loop3A_398, %parallel_loop3A_399] {strides = array<i32>} : memref<8x2048xf32, #tpu.memory_space<vmem>>, vector<1x16xf32>,
      %parallel_loop3A_401 = vector.shape_cast %parallel_loop3A_400 : vector<1x16xf32> to vector<16xf32>
      %parallel_loop3A_402 = vector.shape_cast %parallel_loop3A_396 : vector<16xf32> to vector<1x16xf32>
      tpu.vector_store %arg9[%parallel_loop3A_398, %parallel_loop3A_399], %parallel_loop3A_402 {strides = array<i32>} : memref<8x2048xf32, #tpu.memory_space<vmem>>, vector<1x16xf32>,
    } {sc.loop_unroll_factor = 8 : i64, sc.parallel_access}
    %multiple_of3A_309 = arith.constant 6288 : i32
    %multiple_of3A_310 = tpu.assume_multiple %multiple_of3A_309, 16 : i32
    %get3A_311 = arith.index_cast %multiple_of3A_310 : i32 to index
    %get3A_312 = tpu.vector_load %arg5[%get3A_311] {strides = array<i32>} : memref<6400xf32, #tpu.memory_space<vmem>>, vector<16xf32>,
    %get3A_313 = vector.shape_cast %get3A_312 : vector<16xf32> to vector<16xf32>
    %parallel_loop3A_314 = arith.constant 0 : i32
    %parallel_loop3A_315 = arith.constant 2048 : i32
    %parallel_loop3A_316 = arith.constant 16 : i32
    scf.for %parallel_loop3A_389 = %parallel_loop3A_314 to %parallel_loop3A_315 step %parallel_loop3A_316  : i32 {
      %parallel_loop3A_390 = tpu.assume_multiple %parallel_loop3A_389, 16 : i32
      %parallel_loop3A_391 = arith.constant 1 : i32
      %parallel_loop3A_392 = arith.index_cast %parallel_loop3A_391 : i32 to index
      %parallel_loop3A_393 = arith.index_cast %parallel_loop3A_390 : i32 to index
      %parallel_loop3A_394 = tpu.vector_load %arg7[%parallel_loop3A_392, %parallel_loop3A_393] {strides = array<i32>} : memref<8x2048xf32, #tpu.memory_space<vmem>>, vector<1x16xf32>,
      %parallel_loop3A_395 = vector.shape_cast %parallel_loop3A_394 : vector<1x16xf32> to vector<16xf32>
      %parallel_loop3A_396 = arith.addf %parallel_loop3A_395, %get3A_313 : vector<16xf32>
      %parallel_loop3A_397 = arith.constant 1 : i32
      %parallel_loop3A_398 = arith.index_cast %parallel_loop3A_397 : i32 to index
      %parallel_loop3A_399 = arith.index_cast %parallel_loop3A_390 : i32 to index
      %parallel_loop3A_400 = tpu.vector_load %arg9[%parallel_loop3A_398, %parallel_loop3A_399] {strides = array<i32>} : memref<8x2048xf32, #tpu.memory_space<vmem>>, vector<1x16xf32>,
      %parallel_loop3A_401 = vector.shape_cast %parallel_loop3A_400 : vector<1x16xf32> to vector<16xf32>
      %parallel_loop3A_402 = vector.shape_cast %parallel_loop3A_396 : vector<16xf32> to vector<1x16xf32>
      tpu.vector_store %arg9[%parallel_loop3A_398, %parallel_loop3A_399], %parallel_loop3A_402 {strides = array<i32>} : memref<8x2048xf32, #tpu.memory_space<vmem>>, vector<1x16xf32>,
    } {sc.loop_unroll_factor = 8 : i64, sc.parallel_access}
    %multiple_of3A_317 = arith.constant 6304 : i32
    %multiple_of3A_318 = tpu.assume_multiple %multiple_of3A_317, 16 : i32
    %get3A_319 = arith.index_cast %multiple_of3A_318 : i32 to index
    %get3A_320 = tpu.vector_load %arg5[%get3A_319] {strides = array<i32>} : memref<6400xf32, #tpu.memory_space<vmem>>, vector<16xf32>,
    %get3A_321 = vector.shape_cast %get3A_320 : vector<16xf32> to vector<16xf32>
    %parallel_loop3A_322 = arith.constant 0 : i32
    %parallel_loop3A_323 = arith.constant 2048 : i32
    %parallel_loop3A_324 = arith.constant 16 : i32
    scf.for %parallel_loop3A_389 = %parallel_loop3A_322 to %parallel_loop3A_323 step %parallel_loop3A_324  : i32 {
      %parallel_loop3A_390 = tpu.assume_multiple %parallel_loop3A_389, 16 : i32
      %parallel_loop3A_391 = arith.constant 2 : i32
      %parallel_loop3A_392 = arith.index_cast %parallel_loop3A_391 : i32 to index
      %parallel_loop3A_393 = arith.index_cast %parallel_loop3A_390 : i32 to index
      %parallel_loop3A_394 = tpu.vector_load %arg7[%parallel_loop3A_392, %parallel_loop3A_393] {strides = array<i32>} : memref<8x2048xf32, #tpu.memory_space<vmem>>, vector<1x16xf32>,
      %parallel_loop3A_395 = vector.shape_cast %parallel_loop3A_394 : vector<1x16xf32> to vector<16xf32>
      %parallel_loop3A_396 = arith.addf %parallel_loop3A_395, %get3A_321 : vector<16xf32>
      %parallel_loop3A_397 = arith.constant 2 : i32
      %parallel_loop3A_398 = arith.index_cast %parallel_loop3A_397 : i32 to index
      %parallel_loop3A_399 = arith.index_cast %parallel_loop3A_390 : i32 to index
      %parallel_loop3A_400 = tpu.vector_load %arg9[%parallel_loop3A_398, %parallel_loop3A_399] {strides = array<i32>} : memref<8x2048xf32, #tpu.memory_space<vmem>>, vector<1x16xf32>,
      %parallel_loop3A_401 = vector.shape_cast %parallel_loop3A_400 : vector<1x16xf32> to vector<16xf32>
      %parallel_loop3A_402 = vector.shape_cast %parallel_loop3A_396 : vector<16xf32> to vector<1x16xf32>
      tpu.vector_store %arg9[%parallel_loop3A_398, %parallel_loop3A_399], %parallel_loop3A_402 {strides = array<i32>} : memref<8x2048xf32, #tpu.memory_space<vmem>>, vector<1x16xf32>,
    } {sc.loop_unroll_factor = 8 : i64, sc.parallel_access}
    %multiple_of3A_325 = arith.constant 6320 : i32
    %multiple_of3A_326 = tpu.assume_multiple %multiple_of3A_325, 16 : i32
    %get3A_327 = arith.index_cast %multiple_of3A_326 : i32 to index
    %get3A_328 = tpu.vector_load %arg5[%get3A_327] {strides = array<i32>} : memref<6400xf32, #tpu.memory_space<vmem>>, vector<16xf32>,
    %get3A_329 = vector.shape_cast %get3A_328 : vector<16xf32> to vector<16xf32>
    %parallel_loop3A_330 = arith.constant 0 : i32
    %parallel_loop3A_331 = arith.constant 2048 : i32
    %parallel_loop3A_332 = arith.constant 16 : i32
    scf.for %parallel_loop3A_389 = %parallel_loop3A_330 to %parallel_loop3A_331 step %parallel_loop3A_332  : i32 {
      %parallel_loop3A_390 = tpu.assume_multiple %parallel_loop3A_389, 16 : i32
      %parallel_loop3A_391 = arith.constant 3 : i32
      %parallel_loop3A_392 = arith.index_cast %parallel_loop3A_391 : i32 to index
      %parallel_loop3A_393 = arith.index_cast %parallel_loop3A_390 : i32 to index
      %parallel_loop3A_394 = tpu.vector_load %arg7[%parallel_loop3A_392, %parallel_loop3A_393] {strides = array<i32>} : memref<8x2048xf32, #tpu.memory_space<vmem>>, vector<1x16xf32>,
      %parallel_loop3A_395 = vector.shape_cast %parallel_loop3A_394 : vector<1x16xf32> to vector<16xf32>
      %parallel_loop3A_396 = arith.addf %parallel_loop3A_395, %get3A_329 : vector<16xf32>
      %parallel_loop3A_397 = arith.constant 3 : i32
      %parallel_loop3A_398 = arith.index_cast %parallel_loop3A_397 : i32 to index
      %parallel_loop3A_399 = arith.index_cast %parallel_loop3A_390 : i32 to index
      %parallel_loop3A_400 = tpu.vector_load %arg9[%parallel_loop3A_398, %parallel_loop3A_399] {strides = array<i32>} : memref<8x2048xf32, #tpu.memory_space<vmem>>, vector<1x16xf32>,
      %parallel_loop3A_401 = vector.shape_cast %parallel_loop3A_400 : vector<1x16xf32> to vector<16xf32>
      %parallel_loop3A_402 = vector.shape_cast %parallel_loop3A_396 : vector<16xf32> to vector<1x16xf32>
      tpu.vector_store %arg9[%parallel_loop3A_398, %parallel_loop3A_399], %parallel_loop3A_402 {strides = array<i32>} : memref<8x2048xf32, #tpu.memory_space<vmem>>, vector<1x16xf32>,
    } {sc.loop_unroll_factor = 8 : i64, sc.parallel_access}
    %multiple_of3A_333 = arith.constant 6336 : i32
    %multiple_of3A_334 = tpu.assume_multiple %multiple_of3A_333, 16 : i32
    %get3A_335 = arith.index_cast %multiple_of3A_334 : i32 to index
    %get3A_336 = tpu.vector_load %arg5[%get3A_335] {strides = array<i32>} : memref<6400xf32, #tpu.memory_space<vmem>>, vector<16xf32>,
    %get3A_337 = vector.shape_cast %get3A_336 : vector<16xf32> to vector<16xf32>
    %parallel_loop3A_338 = arith.constant 0 : i32
    %parallel_loop3A_339 = arith.constant 2048 : i32
    %parallel_loop3A_340 = arith.constant 16 : i32
    scf.for %parallel_loop3A_389 = %parallel_loop3A_338 to %parallel_loop3A_339 step %parallel_loop3A_340  : i32 {
      %parallel_loop3A_390 = tpu.assume_multiple %parallel_loop3A_389, 16 : i32
      %parallel_loop3A_391 = arith.constant 4 : i32
      %parallel_loop3A_392 = arith.index_cast %parallel_loop3A_391 : i32 to index
      %parallel_loop3A_393 = arith.index_cast %parallel_loop3A_390 : i32 to index
      %parallel_loop3A_394 = tpu.vector_load %arg7[%parallel_loop3A_392, %parallel_loop3A_393] {strides = array<i32>} : memref<8x2048xf32, #tpu.memory_space<vmem>>, vector<1x16xf32>,
      %parallel_loop3A_395 = vector.shape_cast %parallel_loop3A_394 : vector<1x16xf32> to vector<16xf32>
      %parallel_loop3A_396 = arith.addf %parallel_loop3A_395, %get3A_337 : vector<16xf32>
      %parallel_loop3A_397 = arith.constant 4 : i32
      %parallel_loop3A_398 = arith.index_cast %parallel_loop3A_397 : i32 to index
      %parallel_loop3A_399 = arith.index_cast %parallel_loop3A_390 : i32 to index
      %parallel_loop3A_400 = tpu.vector_load %arg9[%parallel_loop3A_398, %parallel_loop3A_399] {strides = array<i32>} : memref<8x2048xf32, #tpu.memory_space<vmem>>, vector<1x16xf32>,
      %parallel_loop3A_401 = vector.shape_cast %parallel_loop3A_400 : vector<1x16xf32> to vector<16xf32>
      %parallel_loop3A_402 = vector.shape_cast %parallel_loop3A_396 : vector<16xf32> to vector<1x16xf32>
      tpu.vector_store %arg9[%parallel_loop3A_398, %parallel_loop3A_399], %parallel_loop3A_402 {strides = array<i32>} : memref<8x2048xf32, #tpu.memory_space<vmem>>, vector<1x16xf32>,
    } {sc.loop_unroll_factor = 8 : i64, sc.parallel_access}
    %multiple_of3A_341 = arith.constant 6352 : i32
    %multiple_of3A_342 = tpu.assume_multiple %multiple_of3A_341, 16 : i32
    %get3A_343 = arith.index_cast %multiple_of3A_342 : i32 to index
    %get3A_344 = tpu.vector_load %arg5[%get3A_343] {strides = array<i32>} : memref<6400xf32, #tpu.memory_space<vmem>>, vector<16xf32>,
    %get3A_345 = vector.shape_cast %get3A_344 : vector<16xf32> to vector<16xf32>
    %parallel_loop3A_346 = arith.constant 0 : i32
    %parallel_loop3A_347 = arith.constant 2048 : i32
    %parallel_loop3A_348 = arith.constant 16 : i32
    scf.for %parallel_loop3A_389 = %parallel_loop3A_346 to %parallel_loop3A_347 step %parallel_loop3A_348  : i32 {
      %parallel_loop3A_390 = tpu.assume_multiple %parallel_loop3A_389, 16 : i32
      %parallel_loop3A_391 = arith.constant 5 : i32
      %parallel_loop3A_392 = arith.index_cast %parallel_loop3A_391 : i32 to index
      %parallel_loop3A_393 = arith.index_cast %parallel_loop3A_390 : i32 to index
      %parallel_loop3A_394 = tpu.vector_load %arg7[%parallel_loop3A_392, %parallel_loop3A_393] {strides = array<i32>} : memref<8x2048xf32, #tpu.memory_space<vmem>>, vector<1x16xf32>,
      %parallel_loop3A_395 = vector.shape_cast %parallel_loop3A_394 : vector<1x16xf32> to vector<16xf32>
      %parallel_loop3A_396 = arith.addf %parallel_loop3A_395, %get3A_345 : vector<16xf32>
      %parallel_loop3A_397 = arith.constant 5 : i32
      %parallel_loop3A_398 = arith.index_cast %parallel_loop3A_397 : i32 to index
      %parallel_loop3A_399 = arith.index_cast %parallel_loop3A_390 : i32 to index
      %parallel_loop3A_400 = tpu.vector_load %arg9[%parallel_loop3A_398, %parallel_loop3A_399] {strides = array<i32>} : memref<8x2048xf32, #tpu.memory_space<vmem>>, vector<1x16xf32>,
      %parallel_loop3A_401 = vector.shape_cast %parallel_loop3A_400 : vector<1x16xf32> to vector<16xf32>
      %parallel_loop3A_402 = vector.shape_cast %parallel_loop3A_396 : vector<16xf32> to vector<1x16xf32>
      tpu.vector_store %arg9[%parallel_loop3A_398, %parallel_loop3A_399], %parallel_loop3A_402 {strides = array<i32>} : memref<8x2048xf32, #tpu.memory_space<vmem>>, vector<1x16xf32>,
    } {sc.loop_unroll_factor = 8 : i64, sc.parallel_access}
    %multiple_of3A_349 = arith.constant 6368 : i32
    %multiple_of3A_350 = tpu.assume_multiple %multiple_of3A_349, 16 : i32
    %get3A_351 = arith.index_cast %multiple_of3A_350 : i32 to index
    %get3A_352 = tpu.vector_load %arg5[%get3A_351] {strides = array<i32>} : memref<6400xf32, #tpu.memory_space<vmem>>, vector<16xf32>,
    %get3A_353 = vector.shape_cast %get3A_352 : vector<16xf32> to vector<16xf32>
    %parallel_loop3A_354 = arith.constant 0 : i32
    %parallel_loop3A_355 = arith.constant 2048 : i32
    %parallel_loop3A_356 = arith.constant 16 : i32
    scf.for %parallel_loop3A_389 = %parallel_loop3A_354 to %parallel_loop3A_355 step %parallel_loop3A_356  : i32 {
      %parallel_loop3A_390 = tpu.assume_multiple %parallel_loop3A_389, 16 : i32
      %parallel_loop3A_391 = arith.constant 6 : i32
      %parallel_loop3A_392 = arith.index_cast %parallel_loop3A_391 : i32 to index
      %parallel_loop3A_393 = arith.index_cast %parallel_loop3A_390 : i32 to index
      %parallel_loop3A_394 = tpu.vector_load %arg7[%parallel_loop3A_392, %parallel_loop3A_393] {strides = array<i32>} : memref<8x2048xf32, #tpu.memory_space<vmem>>, vector<1x16xf32>,
      %parallel_loop3A_395 = vector.shape_cast %parallel_loop3A_394 : vector<1x16xf32> to vector<16xf32>
      %parallel_loop3A_396 = arith.addf %parallel_loop3A_395, %get3A_353 : vector<16xf32>
      %parallel_loop3A_397 = arith.constant 6 : i32
      %parallel_loop3A_398 = arith.index_cast %parallel_loop3A_397 : i32 to index
      %parallel_loop3A_399 = arith.index_cast %parallel_loop3A_390 : i32 to index
      %parallel_loop3A_400 = tpu.vector_load %arg9[%parallel_loop3A_398, %parallel_loop3A_399] {strides = array<i32>} : memref<8x2048xf32, #tpu.memory_space<vmem>>, vector<1x16xf32>,
      %parallel_loop3A_401 = vector.shape_cast %parallel_loop3A_400 : vector<1x16xf32> to vector<16xf32>
      %parallel_loop3A_402 = vector.shape_cast %parallel_loop3A_396 : vector<16xf32> to vector<1x16xf32>
      tpu.vector_store %arg9[%parallel_loop3A_398, %parallel_loop3A_399], %parallel_loop3A_402 {strides = array<i32>} : memref<8x2048xf32, #tpu.memory_space<vmem>>, vector<1x16xf32>,
    } {sc.loop_unroll_factor = 8 : i64, sc.parallel_access}
    %multiple_of3A_357 = arith.constant 6384 : i32
    %multiple_of3A_358 = tpu.assume_multiple %multiple_of3A_357, 16 : i32
    %get3A_359 = arith.index_cast %multiple_of3A_358 : i32 to index
    %get3A_360 = tpu.vector_load %arg5[%get3A_359] {strides = array<i32>} : memref<6400xf32, #tpu.memory_space<vmem>>, vector<16xf32>,
    %get3A_361 = vector.shape_cast %get3A_360 : vector<16xf32> to vector<16xf32>
    %parallel_loop3A_362 = arith.constant 0 : i32
    %parallel_loop3A_363 = arith.constant 2048 : i32
    %parallel_loop3A_364 = arith.constant 16 : i32
    scf.for %parallel_loop3A_389 = %parallel_loop3A_362 to %parallel_loop3A_363 step %parallel_loop3A_364  : i32 {
      %parallel_loop3A_390 = tpu.assume_multiple %parallel_loop3A_389, 16 : i32
      %parallel_loop3A_391 = arith.constant 7 : i32
      %parallel_loop3A_392 = arith.index_cast %parallel_loop3A_391 : i32 to index
      %parallel_loop3A_393 = arith.index_cast %parallel_loop3A_390 : i32 to index
      %parallel_loop3A_394 = tpu.vector_load %arg7[%parallel_loop3A_392, %parallel_loop3A_393] {strides = array<i32>} : memref<8x2048xf32, #tpu.memory_space<vmem>>, vector<1x16xf32>,
      %parallel_loop3A_395 = vector.shape_cast %parallel_loop3A_394 : vector<1x16xf32> to vector<16xf32>
      %parallel_loop3A_396 = arith.addf %parallel_loop3A_395, %get3A_361 : vector<16xf32>
      %parallel_loop3A_397 = arith.constant 7 : i32
      %parallel_loop3A_398 = arith.index_cast %parallel_loop3A_397 : i32 to index
      %parallel_loop3A_399 = arith.index_cast %parallel_loop3A_390 : i32 to index
      %parallel_loop3A_400 = tpu.vector_load %arg9[%parallel_loop3A_398, %parallel_loop3A_399] {strides = array<i32>} : memref<8x2048xf32, #tpu.memory_space<vmem>>, vector<1x16xf32>,
      %parallel_loop3A_401 = vector.shape_cast %parallel_loop3A_400 : vector<1x16xf32> to vector<16xf32>
      %parallel_loop3A_402 = vector.shape_cast %parallel_loop3A_396 : vector<16xf32> to vector<1x16xf32>
      tpu.vector_store %arg9[%parallel_loop3A_398, %parallel_loop3A_399], %parallel_loop3A_402 {strides = array<i32>} : memref<8x2048xf32, #tpu.memory_space<vmem>>, vector<1x16xf32>,
    } {sc.loop_unroll_factor = 8 : i64, sc.parallel_access}
    %add3A_365 = arith.constant 49 : i32
    %add3A_366 = arith.addi %mul3A_2, %add3A_365 : i32
    %mul3A_367 = arith.constant 8 : i32
    %mul3A_368 = arith.muli %add3A_366, %mul3A_367 : i32
    %dma_start3A_369 = arith.constant 2048 : i32
    %dma_start3A_370 = tpu.memref_slice %arg4[%mul3A_368, %dma_start3A_369] : memref<12800x4096xf32, #tpu.memory_space<hbm>> -> memref<8x2048xf32, #tpu.memory_space<hbm>>
    %dma_start3A_371 = arith.constant 2048 : i32
    %dma_start3A_372 = tpu.memref_slice %arg4[%mul3A_368, %dma_start3A_371] : memref<12800x4096xf32, #tpu.memory_space<hbm>> -> memref<8x2048xf32, #tpu.memory_space<hbm>>
    tpu.enqueue_dma source(%arg9 : memref<8x2048xf32, #tpu.memory_space<vmem>>) target(%dma_start3A_372 : memref<8x2048xf32, #tpu.memory_space<hbm>>) target_semaphore(%arg13 : memref<!tpu.dma_semaphore, #tpu.memory_space<semaphore_mem>>)
    %add3A_373 = arith.constant 49 : i32
    %add3A_374 = arith.addi %mul3A_2, %add3A_373 : i32
    %mul3A_375 = arith.constant 8 : i32
    %mul3A_376 = arith.muli %add3A_374, %mul3A_375 : i32
    %dma_wait3A_377 = arith.constant 0 : i32
    %dma_wait3A_378 = tpu.memref_slice %arg4[%mul3A_376, %dma_wait3A_377] : memref<12800x4096xf32, #tpu.memory_space<hbm>> -> memref<8x2048xf32, #tpu.memory_space<hbm>>
    %dma_wait3A_379 = arith.constant 0 : i32
    %dma_wait3A_380 = tpu.memref_slice %arg4[%mul3A_376, %dma_wait3A_379] : memref<12800x4096xf32, #tpu.memory_space<hbm>> -> memref<8x2048xf32, #tpu.memory_space<hbm>>
    tpu.wait_dma2 semaphore(%arg12 : memref<!tpu.dma_semaphore, #tpu.memory_space<semaphore_mem>>) src(%arg8 : memref<8x2048xf32, #tpu.memory_space<vmem>>) dst(%dma_wait3A_380 : memref<8x2048xf32, #tpu.memory_space<hbm>>)
    %add3A_381 = arith.constant 49 : i32
    %add3A_382 = arith.addi %mul3A_2, %add3A_381 : i32
    %mul3A_383 = arith.constant 8 : i32
    %mul3A_384 = arith.muli %add3A_382, %mul3A_383 : i32
    %dma_wait3A_385 = arith.constant 2048 : i32
    %dma_wait3A_386 = tpu.memref_slice %arg4[%mul3A_384, %dma_wait3A_385] : memref<12800x4096xf32, #tpu.memory_space<hbm>> -> memref<8x2048xf32, #tpu.memory_space<hbm>>
    %dma_wait3A_387 = arith.constant 2048 : i32
    %dma_wait3A_388 = tpu.memref_slice %arg4[%mul3A_384, %dma_wait3A_387] : memref<12800x4096xf32, #tpu.memory_space<hbm>> -> memref<8x2048xf32, #tpu.memory_space<hbm>>
    tpu.wait_dma2 semaphore(%arg13 : memref<!tpu.dma_semaphore, #tpu.memory_space<semaphore_mem>>) src(%arg9 : memref<8x2048xf32, #tpu.memory_space<vmem>>) dst(%dma_wait3A_388 : memref<8x2048xf32, #tpu.memory_space<hbm>>)
    return
  }
}

</mosaic_0001>

<sc_bundles>
// kernel: kernel.3.cloned.1.call-start
scs
__scs_entry_jumppad:
0x0: {  	(pc) =	sbr.rel $0x88, $3  }
0x1: {  	(tag) =	ssettag $0x0;
	lr =	simm.s32 $0x1  }
0x2: {  	[smem:$0x3F9F] =	sst lr;
	_ =	strace $0xD0000000  }
0x3: {  	_ = 	snop  }
0x4: {  	_ = 	snop  }
0x5: {  	_ = 	snop  }
0x6: {  	_ = 	snop  }
0x7: {  	_ = 	snop  }
__scs_overlays_trampoline_lowered:
0x8: {  	[smem:$0x3FAE] =	sst s0  }
0x9: {  	[smem:$0x3FAF] =	sst s1  }
0xa: {  	[smem:$0x3FB0] =	sst s2  }
0xb: {  	[smem:$0x3FB1] =	sst s3  }
0xc: {  	[smem:$0x3FB2] =	sst s4  }
0xd: {  	[smem:$0x3FB3] =	sst s5  }
0xe: {  	[smem:$0x3FB4] =	sst s6  }
0xf: {  	[smem:$0x3FB5] =	sst s7  }
0x10: {  	[smem:$0x3FB6] =	sst s8  }
0x11: {  	[smem:$0x3FB7] =	sst s9;
	s0 =	simm.s32 @!p0 $0x0  }
0x12: {  	s1 =	sld [smem:$0x3F9D];
	s0 =	simm.s32 @p0 $0x1  }
0x13: {  	[smem:$0x3FB8] =	sst s0;
	s0 =	simm.s32 @!p1 $0x0  }
0x14: {  	s2 =	sld [smem:$0x3F9C];
	s0 =	simm.s32 @p1 $0x1  }
0x15: {  	[smem:$0x3FB9] =	sst s0;
	s0 =	simm.s32 @!p2 $0x0  }
0x16: {  	s3 =	sld [smem:$0x3FDB];
	s0 =	simm.s32 @p2 $0x1  }
0x17: {  	s4 =	simm.s32 $0x1BF5;
	[smem:$0x3FBB] =	sst s0  }
0x18: {  	s0 =	sld [smem:$0x3F9E];
	_ =	swait.ge [sflag:s4], $0x0  }
0x19: {  	s7 =	sld [smem:$0x3F9F]  }
0x1a: {  	s8 =	sadd.s32 $0xFFFFE003, lr  }
0x1b: {  	s9 =	sadd.s32 $0xFFFFFEF7, lr;
	s5 =	simm.s32 $0xFFFFFFFF;
	p2 =	slt.u32 s8, $0xFFFFF086  }
0x1c: {  	p1 =	slt.u32 s9, $0xF7A;
	s5 =	simm.s32 @!p2 $0x0  }
0x1d: {  	s5 =	simm.s32 @p1 $0x1;
	p0 =	seq.s32 s7, s2  }
0x1e: {  	s7 =	smul.u32 @!p0 $0xF7A, s2;
	p2 =	seq.s32 @!p0 s5, $0x0  }
0x1f: {  	s9 =	smul.u32 $0xF7A, s1;
	s8 =	simm.s32 @!p0 $0x1BF5;
	p2 =	por !p2, p0  }
0x20: {  	[sflag:s8] =	ssyncset.s32 @!p0 $0xFFFFF086;
	s6 =	sadd.s32 @!p0 s3, s7;
	s7 =	simm.s32 @!p0 $0x108  }
0x21: {  	s3 =	sadd.s32 s3, s9;
	s6 =	sadd.s32 @!p0 $0x88, s6;
	s7 =	simm.s32 @p2 $0x1082  }
0x22: {  	[simem:s7], [sflag:s8] =	dma.local @!p0 [hbm:s6], $0xF7A  }
0x23: {  	s9 =	sor.u32 $0xD0000000, s2;
	s6 =	simm.s32 $0x108;
	_ =	swait.ge @!p0 [sflag:s8], $0x0  }
0x24: {  	s3 =	sadd.s32 $0x88, s3;
	s6 =	simm.s32 @!p1 $0x1082;
	[sflag:s4] =	ssyncset.s32 $0xFFFFF086  }
0x25: {  	[simem:s6], [sflag:s4] =	dma.local [hbm:s3], $0xF7A  }
0x26: {  	[smem:$0x3F9F] =	sst s1;
	(tag) =	ssettag s2;
	_ =	strace s9  }
0x27: {  	s1 =	sld [smem:$0x3FAF]  }
0x28: {  	s2 =	sld [smem:$0x3FB0]  }
0x29: {  	s4 =	sld [smem:$0x3FB2]  }
0x2a: {  	p0 =	seq.s32 s5, $0x0;
	s5 =	sld [smem:$0x3FB3]  }
0x2b: {  	s6 =	sld [smem:$0x3FB4]  }
0x2c: {  	s7 =	sld [smem:$0x3FB5]  }
0x2d: {  	s3 =	simm.s32 $0x108;
	s8 =	sld [smem:$0x3FB6]  }
0x2e: {  	s3 =	simm.s32 @!p0 $0x1082;
	s9 =	sld [smem:$0x3FB7]  }
0x2f: {  	lr =	sadd.s32 s0, s3;
	s0 =	sld [smem:$0x3FAE]  }
0x30: {  	s3 =	sld [smem:$0x3FB1]  }
0x31: {  	[smem:$0x3FBA] =	sst s10  }
0x32: {  	s10 =	sld [smem:$0x3FB8];
	_ =	sdelay $0x3  }
0x33: {  	p0 =	seq.s32 s10, $0x1;
	s10 =	sld [smem:$0x3FBA];
	_ =	sdelay $0x3  }
0x34: {  	[smem:$0x3FBA] =	sst s10  }
0x35: {  	s10 =	sld [smem:$0x3FB9];
	_ =	sdelay $0x3  }
0x36: {  	p1 =	seq.s32 s10, $0x1;
	s10 =	sld [smem:$0x3FBA];
	_ =	sdelay $0x3  }
0x37: {  	[smem:$0x3FBA] =	sst s10  }
0x38: {  	s10 =	sld [smem:$0x3FBB]  }
0x39: {  	_ = 	snop;
	(pc) =	sbr.ind lr, $3  }
0x3a: {  	_ = 	snop  }
0x3b: {  	_ = 	snop  }
0x3c: {  	p2 =	seq.s32 s10, $0x1;
	s10 =	sld [smem:$0x3FBA]  }
0x3d: {  	_ =	shalt  }
0x3e: {  	_ =	shalt  }
0x3f: {  	_ =	shalt  }
0x40: {  	_ =	shalt  }
0x41: {  	_ =	shalt  }
0x42: {  	_ =	shalt  }
0x43: {  	_ =	shalt  }
0x44: {  	_ =	shalt  }
0x45: {  	_ =	shalt  }
0x46: {  	_ =	shalt  }
0x47: {  	_ =	shalt  }
0x48: {  	_ =	shalt  }
0x49: {  	_ =	shalt  }
0x4a: {  	_ =	shalt  }
0x4b: {  	_ =	shalt  }
0x4c: {  	_ =	shalt  }
0x4d: {  	_ =	shalt  }
0x4e: {  	_ =	shalt  }
0x4f: {  	_ =	shalt  }
0x50: {  	_ =	shalt  }
0x51: {  	_ =	shalt  }
0x52: {  	_ =	shalt  }
0x53: {  	_ =	shalt  }
0x54: {  	_ =	shalt  }
0x55: {  	_ =	shalt  }
0x56: {  	_ =	shalt  }
0x57: {  	_ =	shalt  }
0x58: {  	_ =	shalt  }
0x59: {  	_ =	shalt  }
0x5a: {  	_ =	shalt  }
0x5b: {  	_ =	shalt  }
0x5c: {  	_ =	shalt  }
0x5d: {  	_ =	shalt  }
0x5e: {  	_ =	shalt  }
0x5f: {  	_ =	shalt  }
0x60: {  	_ =	shalt  }
0x61: {  	_ =	shalt  }
0x62: {  	_ =	shalt  }
0x63: {  	_ =	shalt  }
0x64: {  	_ =	shalt  }
0x65: {  	_ =	shalt  }
0x66: {  	_ =	shalt  }
0x67: {  	_ =	shalt  }
0x68: {  	_ =	shalt  }
0x69: {  	_ =	shalt  }
0x6a: {  	_ =	shalt  }
0x6b: {  	_ =	shalt  }
0x6c: {  	_ =	shalt  }
0x6d: {  	_ =	shalt  }
0x6e: {  	_ =	shalt  }
0x6f: {  	_ =	shalt  }
0x70: {  	_ =	shalt  }
0x71: {  	_ =	shalt  }
0x72: {  	_ =	shalt  }
0x73: {  	_ =	shalt  }
0x74: {  	_ =	shalt  }
0x75: {  	_ =	shalt  }
0x76: {  	_ =	shalt  }
0x77: {  	_ =	shalt  }
0x78: {  	_ =	shalt  }
0x79: {  	_ =	shalt  }
0x7a: {  	_ =	shalt  }
0x7b: {  	_ =	shalt  }
0x7c: {  	_ =	shalt  }
0x7d: {  	_ =	shalt  }
0x7e: {  	_ =	shalt  }
0x7f: {  	_ =	shalt  }
0x80: {  	_ =	shalt  }
0x81: {  	_ =	shalt  }
0x82: {  	_ =	shalt  }
0x83: {  	_ =	shalt  }
0x84: {  	_ =	shalt  }
0x85: {  	_ =	shalt  }
0x86: {  	_ =	shalt  }
0x87: {  	_ =	shalt  }
.Lfunc_end0:
.L_simem_size_0:
called_computation_lowered:
.L_overlay_start_0:
0x88: {  	s2 =	sld [smem:$0x3FD9]  }
0x89: {  	s3 =	sld [smem:$0x3FFE];
	_ =	sdelay $0x1  }
0x8a: {  	s1 =	srdreg.scid  }
0x8b: {  	s0 =	sand.u32 $0x1, s1  }
0x8c: {  	s17 =	sshll.u32 s0, $0xA;
	s2 =	sadd.s32 s3, s2  }
0x8d: {  	s2 =	sadd.s32 s2, s17  }
0x8e: {  	[smem:$0x3FC6] =	sst s2  }
0x8f: {  	_ = 	snop  }
0x90: {  	s2 =	sld [smem:$0x3FC9]  }
0x91: {  	s18 =	sld [smem:$0x3FD0];
	(tm) =	ssettm $0x1  }
0x92: {  	s4 =	sld [smem:$0x3FFB];
	_ =	sdelay $0x3  }
0x93: {  	_ =	strace s4  }
0x94: {  	s4 =	sld [smem:$0x3FFC];
	_ =	sdelay $0x3  }
0x95: {  	_ =	strace s4  }
0x96: {  	s4 =	sld [smem:$0x3FFD];
	_ =	sdelay $0x3  }
0x97: {  	_ =	strace s4  }
0x98: {  	_ =	strace $0x8FFFFFFF  }
0x99: {  	s19 =	sld [smem:$0x3FDB];
	_ =	sdelay $0x1  }
0x9a: {  	s5 =	simm.s32 $_scs_section_size  }
0x9b: {  	s6 =	simm.s32 $_size__tile_overlayer_lowered;
	s7 =	simm.s32 $_tile_overlayer_lowered  }
0x9c: {  	s22 =	simm.s32 $0x1BFF;
	s21 =	sshll.u32 s7, $0x1;
	s4 =	sadd.s32 s5, s19  }
0x9d: {  	s8 =	simm.s32 $0x0;
	s20 =	sshll.u32 s6, $0x1;
	s6 =	sadd.s32 s21, s4  }
0x9e: {  	[timem:s8], [sflag:s22] =	dma.local [hbm:s6], s20  }
0x9f: {  	_ =	swait.ge [sflag:s22], s20  }
0xa0: {  	s5 =	ssub.s32 $0x0, s20;
	[sflag:s22] =	ssyncset.done $0x0  }
0xa1: {  	[sflag:s22] =	ssyncadd.s32 s5;
	_ =	sdelay $0x1  }
0xa2: {  	s23 =	simm.s32 $0x1B8B  }
0xa3: {  	_ =	swait.ge [sflag:s23], $0x1  }
0xa4: {  	[sflag:s23] =	ssyncset.done $0x0  }
0xa5: {  	s25 =	simm.s32 $0x1B8E;
	s24 =	sld [smem:$0x3FFE];
	[sflag:s23] =	ssyncadd.s32 $0xFFFFFFFF  }
0xa6: {  	s26 =	simm.s32 $execute0_lowered;
	[smem:$0x3FD2] =	sst s25  }
0xa7: {  	s6 =	sshll.u32 s26, $0x1;
	_ =	strace $0x80000046;
	[dreg:$0x1] =	wrdreg $0xFFFFFFFF  }
0xa8: {  	s28 =	simm.s32 $_size_execute0_lowered;
	s4 =	sadd.s32 s4, s6;
	[dreg:$0x0] =	wrdreg $0x0  }
0xa9: {  	s6 =	sshll.u32 s28, $0x1;
	[dreg:$0x2] =	wrdreg s4  }
0xaa: {  	[dreg:$0x3] =	wrdreg s6  }
0xab: {  	[dreg:$0x4] =	wrdreg $0xC0  }
0xac: {  	_ =	task [dreg:s8], $0x5FFFF  }
0xad: {  	[dreg:$0x1] =	wrdreg $0xFFFFFFFF  }
0xae: {  	[dreg:$0x0] =	wrdreg $0x60  }
0xaf: {  	[dreg:$0x2] =	wrdreg s2  }
0xb0: {  	[dreg:$0x3] =	wrdreg s24  }
0xb1: {  	[dreg:$0x4] =	wrdreg s18  }
0xb2: {  	[dreg:$0x5] =	wrdreg $0x9  }
0xb3: {  	_ =	task.clear_ibuf [dreg:s8], $0x6FFFF;
	_ =	strace $0x90000046  }
0xb4: {  	s29 =	simm.s32 $0x9;
	_ =	strace $0x80000048  }
0xb5: {  	_ =	swait.ge [sflag:s29], $0x1  }
0xb6: {  	[sflag:s29] =	ssyncadd.s32 $0xFFFFFFFF  }
0xb7: {  	_ =	strace $0x90000048  }
0xb8: {  	_ =	sfence  }
0xb9: {  	s30 =	sld [smem:$0x0];
	_ =	sdelay $0x2  }
0xba: {  	s31 =	sshll.u32 s1, $0xD;
	s1 =	sshrl.u32 s1, $0x2  }
0xbb: {  	s3 =	sand.u32 $0x4000, s31;
	s1 =	sadd.s32 s1, s30  }
0xbc: {  	s0 =	sor.u32 s3, s0;
	s1 =	sshll.u32 s1, $0x11  }
0xbd: {  	s0 =	sor.u32 s1, s0  }
0xbe: {  	s0 =	sadd.s32 $0x8F2B, s0  }
0xbf: {  	[sflag:s0] =	ssyncadd.remote.s32 $0x1  }
0xc0: {  	_ =	sfence.sel $0xFFFF  }
0xc1: {  	[dreg:$0x0] =	wrdreg $0xFFFFFFFF;
	(pc) =	sbr.abs _section_cstart, $3  }
0xc2: {  	[dreg:$0x1] =	wrdreg $0xFFFFFFFF  }
0xc3: {  	_ =	task.clear_ibuf [dreg:s8], $0x2FFFF;
	_ =	strace $0x9FFFFFFF  }
0xc4: {  	(tm) =	ssettm $0x7FFFFFFF  }
0xc5: {  	_ =	shalt  }
tec
execute0_lowered:
.L_overlay_start_1:
0x0: {  	(tag) =	ssettag $0x1  }
0x1: {  	s1 =	rddreg [dreg:$0x0];
	s0 =	srdreg.scid  }
0x2: {  	s3 =	stileid.u32;
	s2 =	rddreg [dreg:$0x1];
	s18 =	simm.s32 $0x5  }
0x3: {  	s19 =	simm.s32 $0x1900;
	s20 =	simm.s32 $0x5900;
	s21 =	simm.s32 $0x1  }
0x4: {  	s22 =	simm.s32 $0x9900;
	s23 =	simm.s32 $0x2;
	s24 =	simm.s32 $0xD900  }
0x5: {  	s25 =	simm.s32 $0x3;
	s26 =	simm.s32 $0x4;
	s28 =	simm.s32 $0x0  }
0x6: {  	s0 =	sand.u32 $0x1, s0;
	s4 =	sshll.u32 s3, $0x1;
	s3 =	rddreg [dreg:$0x2]  }
0x7: {  	s14 =	sadd.s32 $0x800, s1;
	s5 =	sor.u32 s0, s4;
	s4 =	simm.s32 $0x0  }
0x8: {  	s0 =	ssub.s32 $0x2, s0;
	s13 =	sadd.s32 $0x800, s3;
	s6 =	smul.u32 $0x320, s5  }
0x9: {  	[smem:$0x7FF] =	sst s4;
	s7 =	smul.u32 $0x190000, s5;
	s8 =	sshrl.u32 s0, $0x1  }
0xa: {  	s5 =	smul.u32 $0x32, s5;
	_ =	strace $0x80000047;
	s0 =	ssub.s32 s0, s8  }
0xb: {  	s2 =	sadd.s32 s6, s2;
	s29 =	sshrl.u32 s7, $0x3;
	s17 =	smax.u32 s0, $0x1  }
0xc: {  	s2 =	sadd.s32 $0x400, s2;
	s30 =	sor.u32 $0x800, s29;
	s7 =	sadd.s32 s1, s29  }
0xd: {  	s9 =	sadd.s32 s3, s29;
	[dreg:$0x4] =	wrdreg s2;
	s31 =	sadd.s32 s1, s30  }
0xe: {  	s10 =	sadd.s32 $0x1000, s7;
	s11 =	sadd.s32 s3, s30;
	s12 =	sadd.s32 $0x1800, s7  }
0xf: {  	s15 =	sadd.s32 $0x31000, s9;
	s16 =	sadd.s32 $0x31800, s9;
	[dreg:$0x5] =	wrdreg s31  }
.LBB2_1:
0x10: {  	s0 =	rddreg [dreg:$0x4]  }
0x11: {  	[tilespmem:s4], [sflag:$0x5] =	stream.linear.gather [hbm4b:s0+s4], $0x1900, $0x38;
	[tilespmem:$0x11900] =	vst v63  }
0x12: {  	_ =	swait.ge [sflag:s18], $0x1900  }
0x13: {  	[sflag:s18] =	ssyncset.done $0x0  }
0x14: {  	[sflag:s18] =	ssyncadd.s32 $0xFFFFE700  }
0x15: {  	[tilespmem:s19], [sflag:$0x1] =	stream.linear.gather [hbm4b:s7+s4], $0x4000, $0x38;
	[tilespmem:$0x11900] =	vst v63  }
0x16: {  	s31 =	rddreg [dreg:$0x5]  }
0x17: {  	[tilespmem:s20], [sflag:$0x2] =	stream.linear.gather [hbm4b:s31+s4], $0x4000, $0x38;
	[tilespmem:$0x11900] =	vst v63  }
0x18: {  	_ =	swait.ge [sflag:s21], $0x4000  }
0x19: {  	[sflag:s21] =	ssyncset.done $0x0  }
0x1a: {  	[sflag:s21] =	ssyncadd.s32 $0xFFFFC000  }
0x1b: {  	s6 =	simm.s32 $0x1940;
	v0 =	vld [tilespmem:$0x0]  }
0x1c: {  	v3 =	vld [tilespmem:s6+$0x30]  }
0x1d: {  	v5 =	vld [tilespmem:s6+$0xFFFFFFD0]  }
0x1e: {  	v7 =	vld [tilespmem:s6+$0xFFFFFFE0]  }
0x1f: {  	v4 =	vld [tilespmem:s6+$0xFFFFFFF0]  }
0x20: {  	v2 =	vld [tilespmem:s6+$0x0]  }
0x21: {  	v1 =	vld [tilespmem:s6+$0x10];
	v8 =	vadd.f32 v3, v0  }
0x22: {  	s2 =	simm.s32 $0x9940;
	v3 =	vld [tilespmem:s6+$0x20];
	v6 =	vadd.f32 v5, v0  }
0x23: {  	s0 =	simm.s32 $0x0;
	v5 =	vld [tilespmem:s6+$0xFFFFFFC0];
	v7 =	vadd.f32 v7, v0;
	s6 =	simm.s32 $0x1D40;
	[tilespmem:s2+$0x30] =	vst v8  }
.LBB2_2:
0x24: {  	v8 =	vld [tilespmem:s6+$0x30];
	s0 =	sadd.s32 $0x80, s0;
	[tilespmem:s2+$0xFFFFFFD0] =	vst v6;
	v4 =	vadd.f32 v4, v0  }
0x25: {  	v6 =	vld [tilespmem:s6+$0xFFFFFFD0];
	p0 =	slt.u32 s0, $0x780;
	[tilespmem:s2+$0xFFFFFFE0] =	vst v7;
	v2 =	vadd.f32 v2, v0  }
0x26: {  	v7 =	vld [tilespmem:s6+$0xFFFFFFE0];
	[tilespmem:s2+$0xFFFFFFF0] =	vst v4;
	v1 =	vadd.f32 v1, v0  }
.Ltmp0:
0x27: {  	v4 =	vld [tilespmem:s6+$0xFFFFFFF0];
	[tilespmem:s2+$0x0] =	vst v2;
	v3 =	vadd.f32 v3, v0;
	(pc) =	sbr.rel @p0 .LBB2_2-.Ltmp0, $4  }
0x28: {  	v2 =	vld [tilespmem:s6+$0x0];
	v5 =	vadd.f32 v5, v0;
	[tilespmem:s2+$0x10] =	vst v1  }
0x29: {  	v1 =	vld [tilespmem:s6+$0x10];
	v8 =	vadd.f32 v8, v0;
	[tilespmem:s2+$0x20] =	vst v3  }
0x2a: {  	v6 =	vadd.f32 v6, v0;
	v3 =	vld [tilespmem:s6+$0x20];
	[tilespmem:s2+$0xFFFFFFC0] =	vst v5;
	s2 =	sadd.s32 $0x400, s2  }
0x2b: {  	v5 =	vld [tilespmem:s6+$0xFFFFFFC0];
	v7 =	vadd.f32 v7, v0;
	[tilespmem:s2+$0x30] =	vst v8;
	s6 =	sadd.s32 $0x400, s6  }
0x2c: {  	[tilespmem:s2+$0xFFFFFFD0] =	vst v6;
	v4 =	vadd.f32 v4, v0  }
0x2d: {  	[tilespmem:s2+$0xFFFFFFE0] =	vst v7;
	v2 =	vadd.f32 v2, v0  }
0x2e: {  	[tilespmem:s2+$0xFFFFFFF0] =	vst v4;
	v1 =	vadd.f32 v1, v0  }
0x2f: {  	[tilespmem:s2+$0x0] =	vst v2;
	v2 =	vadd.f32 v3, v0  }
0x30: {  	v0 =	vadd.f32 v5, v0;
	[tilespmem:s2+$0x10] =	vst v1  }
0x31: {  	[tilespmem:s2+$0x20] =	vst v2  }
0x32: {  	[tilespmem:s2+$0xFFFFFFC0] =	vst v0  }
0x33: {  	s6 =	simm.s32 $0x19F0;
	v0 =	vld [tilespmem:$0x10]  }
0x34: {  	v3 =	vld [tilespmem:s6+$0x0]  }
0x35: {  	v5 =	vld [tilespmem:s6+$0xFFFFFFA0]  }
0x36: {  	v7 =	vld [tilespmem:s6+$0xFFFFFFB0]  }
0x37: {  	v4 =	vld [tilespmem:s6+$0xFFFFFFC0]  }
0x38: {  	v2 =	vld [tilespmem:s6+$0xFFFFFFD0]  }
0x39: {  	v1 =	vld [tilespmem:s6+$0xFFFFFFE0];
	v8 =	vadd.f32 v3, v0  }
0x3a: {  	s2 =	simm.s32 $0x99F0;
	v3 =	vld [tilespmem:s6+$0xFFFFFFF0];
	v6 =	vadd.f32 v5, v0  }
0x3b: {  	s0 =	simm.s32 $0x0;
	v5 =	vld [tilespmem:s6+$0xFFFFFF90];
	v7 =	vadd.f32 v7, v0;
	s6 =	simm.s32 $0x1DF0;
	[tilespmem:s2+$0x0] =	vst v8  }
.LBB2_4:
0x3c: {  	v8 =	vld [tilespmem:s6+$0x0];
	s0 =	sadd.s32 $0x80, s0;
	[tilespmem:s2+$0xFFFFFFA0] =	vst v6;
	v4 =	vadd.f32 v4, v0  }
0x3d: {  	v6 =	vld [tilespmem:s6+$0xFFFFFFA0];
	p0 =	slt.u32 s0, $0x780;
	[tilespmem:s2+$0xFFFFFFB0] =	vst v7;
	v2 =	vadd.f32 v2, v0  }
0x3e: {  	v7 =	vld [tilespmem:s6+$0xFFFFFFB0];
	[tilespmem:s2+$0xFFFFFFC0] =	vst v4;
	v1 =	vadd.f32 v1, v0  }
.Ltmp1:
0x3f: {  	v4 =	vld [tilespmem:s6+$0xFFFFFFC0];
	[tilespmem:s2+$0xFFFFFFD0] =	vst v2;
	v3 =	vadd.f32 v3, v0;
	(pc) =	sbr.rel @p0 .LBB2_4-.Ltmp1, $4  }
0x40: {  	v2 =	vld [tilespmem:s6+$0xFFFFFFD0];
	v5 =	vadd.f32 v5, v0;
	[tilespmem:s2+$0xFFFFFFE0] =	vst v1  }
0x41: {  	v1 =	vld [tilespmem:s6+$0xFFFFFFE0];
	v8 =	vadd.f32 v8, v0;
	[tilespmem:s2+$0xFFFFFFF0] =	vst v3  }
0x42: {  	v6 =	vadd.f32 v6, v0;
	v3 =	vld [tilespmem:s6+$0xFFFFFFF0];
	[tilespmem:s2+$0xFFFFFF90] =	vst v5;
	s2 =	sadd.s32 $0x400, s2  }
0x43: {  	v5 =	vld [tilespmem:s6+$0xFFFFFF90];
	v7 =	vadd.f32 v7, v0;
	[tilespmem:s2+$0x0] =	vst v8;
	s6 =	sadd.s32 $0x400, s6  }
0x44: {  	[tilespmem:s2+$0xFFFFFFA0] =	vst v6;
	v4 =	vadd.f32 v4, v0  }
0x45: {  	[tilespmem:s2+$0xFFFFFFB0] =	vst v7;
	v2 =	vadd.f32 v2, v0  }
0x46: {  	[tilespmem:s2+$0xFFFFFFC0] =	vst v4;
	v1 =	vadd.f32 v1, v0  }
0x47: {  	[tilespmem:s2+$0xFFFFFFD0] =	vst v2;
	v2 =	vadd.f32 v3, v0  }
0x48: {  	v0 =	vadd.f32 v5, v0;
	[tilespmem:s2+$0xFFFFFFE0] =	vst v1  }
0x49: {  	[tilespmem:s2+$0xFFFFFFF0] =	vst v2  }
0x4a: {  	[tilespmem:s2+$0xFFFFFF90] =	vst v0  }
0x4b: {  	s6 =	simm.s32 $0x1A70;
	v0 =	vld [tilespmem:$0x20]  }
0x4c: {  	v3 =	vld [tilespmem:s6+$0x0]  }
0x4d: {  	v5 =	vld [tilespmem:s6+$0xFFFFFFA0]  }
0x4e: {  	v7 =	vld [tilespmem:s6+$0xFFFFFFB0]  }
0x4f: {  	v4 =	vld [tilespmem:s6+$0xFFFFFFC0]  }
0x50: {  	v2 =	vld [tilespmem:s6+$0xFFFFFFD0]  }
0x51: {  	v1 =	vld [tilespmem:s6+$0xFFFFFFE0];
	v8 =	vadd.f32 v3, v0  }
0x52: {  	s2 =	simm.s32 $0x9A70;
	v3 =	vld [tilespmem:s6+$0xFFFFFFF0];
	v6 =	vadd.f32 v5, v0  }
0x53: {  	s0 =	simm.s32 $0x0;
	v5 =	vld [tilespmem:s6+$0xFFFFFF90];
	v7 =	vadd.f32 v7, v0;
	s6 =	simm.s32 $0x1E70;
	[tilespmem:s2+$0x0] =	vst v8  }
.LBB2_6:
0x54: {  	v8 =	vld [tilespmem:s6+$0x0];
	s0 =	sadd.s32 $0x80, s0;
	[tilespmem:s2+$0xFFFFFFA0] =	vst v6;
	v4 =	vadd.f32 v4, v0  }
0x55: {  	v6 =	vld [tilespmem:s6+$0xFFFFFFA0];
	p0 =	slt.u32 s0, $0x780;
	[tilespmem:s2+$0xFFFFFFB0] =	vst v7;
	v2 =	vadd.f32 v2, v0  }
0x56: {  	v7 =	vld [tilespmem:s6+$0xFFFFFFB0];
	[tilespmem:s2+$0xFFFFFFC0] =	vst v4;
	v1 =	vadd.f32 v1, v0  }
.Ltmp2:
0x57: {  	v4 =	vld [tilespmem:s6+$0xFFFFFFC0];
	[tilespmem:s2+$0xFFFFFFD0] =	vst v2;
	v3 =	vadd.f32 v3, v0;
	(pc) =	sbr.rel @p0 .LBB2_6-.Ltmp2, $4  }
0x58: {  	v2 =	vld [tilespmem:s6+$0xFFFFFFD0];
	v5 =	vadd.f32 v5, v0;
	[tilespmem:s2+$0xFFFFFFE0] =	vst v1  }
0x59: {  	v1 =	vld [tilespmem:s6+$0xFFFFFFE0];
	v8 =	vadd.f32 v8, v0;
	[tilespmem:s2+$0xFFFFFFF0] =	vst v3  }
0x5a: {  	v6 =	vadd.f32 v6, v0;
	v3 =	vld [tilespmem:s6+$0xFFFFFFF0];
	[tilespmem:s2+$0xFFFFFF90] =	vst v5;
	s2 =	sadd.s32 $0x400, s2  }
0x5b: {  	v5 =	vld [tilespmem:s6+$0xFFFFFF90];
	v7 =	vadd.f32 v7, v0;
	[tilespmem:s2+$0x0] =	vst v8;
	s6 =	sadd.s32 $0x400, s6  }
0x5c: {  	[tilespmem:s2+$0xFFFFFFA0] =	vst v6;
	v4 =	vadd.f32 v4, v0  }
0x5d: {  	[tilespmem:s2+$0xFFFFFFB0] =	vst v7;
	v2 =	vadd.f32 v2, v0  }
0x5e: {  	[tilespmem:s2+$0xFFFFFFC0] =	vst v4;
	v1 =	vadd.f32 v1, v0  }
0x5f: {  	[tilespmem:s2+$0xFFFFFFD0] =	vst v2;
	v2 =	vadd.f32 v3, v0  }
0x60: {  	v0 =	vadd.f32 v5, v0;
	[tilespmem:s2+$0xFFFFFFE0] =	vst v1  }
0x61: {  	[tilespmem:s2+$0xFFFFFFF0] =	vst v2  }
0x62: {  	[tilespmem:s2+$0xFFFFFF90] =	vst v0  }
0x63: {  	s6 =	simm.s32 $0x1AF0;
	v0 =	vld [tilespmem:$0x30]  }
0x64: {  	v3 =	vld [tilespmem:s6+$0x0]  }
0x65: {  	v5 =	vld [tilespmem:s6+$0xFFFFFFA0]  }
0x66: {  	v7 =	vld [tilespmem:s6+$0xFFFFFFB0]  }
0x67: {  	v4 =	vld [tilespmem:s6+$0xFFFFFFC0]  }
0x68: {  	v2 =	vld [tilespmem:s6+$0xFFFFFFD0]  }
0x69: {  	v1 =	vld [tilespmem:s6+$0xFFFFFFE0];
	v8 =	vadd.f32 v3, v0  }
0x6a: {  	s2 =	simm.s32 $0x9AF0;
	v3 =	vld [tilespmem:s6+$0xFFFFFFF0];
	v6 =	vadd.f32 v5, v0  }
0x6b: {  	s0 =	simm.s32 $0x0;
	v5 =	vld [tilespmem:s6+$0xFFFFFF90];
	v7 =	vadd.f32 v7, v0;
	s6 =	simm.s32 $0x1EF0;
	[tilespmem:s2+$0x0] =	vst v8  }
.LBB2_8:
0x6c: {  	v8 =	vld [tilespmem:s6+$0x0];
	s0 =	sadd.s32 $0x80, s0;
	[tilespmem:s2+$0xFFFFFFA0] =	vst v6;
	v4 =	vadd.f32 v4, v0  }
0x6d: {  	v6 =	vld [tilespmem:s6+$0xFFFFFFA0];
	p0 =	slt.u32 s0, $0x780;
	[tilespmem:s2+$0xFFFFFFB0] =	vst v7;
	v2 =	vadd.f32 v2, v0  }
0x6e: {  	v7 =	vld [tilespmem:s6+$0xFFFFFFB0];
	[tilespmem:s2+$0xFFFFFFC0] =	vst v4;
	v1 =	vadd.f32 v1, v0  }
.Ltmp3:
0x6f: {  	v4 =	vld [tilespmem:s6+$0xFFFFFFC0];
	[tilespmem:s2+$0xFFFFFFD0] =	vst v2;
	v3 =	vadd.f32 v3, v0;
	(pc) =	sbr.rel @p0 .LBB2_8-.Ltmp3, $4  }
0x70: {  	v2 =	vld [tilespmem:s6+$0xFFFFFFD0];
	v5 =	vadd.f32 v5, v0;
	[tilespmem:s2+$0xFFFFFFE0] =	vst v1  }
0x71: {  	v1 =	vld [tilespmem:s6+$0xFFFFFFE0];
	v8 =	vadd.f32 v8, v0;
	[tilespmem:s2+$0xFFFFFFF0] =	vst v3  }
0x72: {  	v6 =	vadd.f32 v6, v0;
	v3 =	vld [tilespmem:s6+$0xFFFFFFF0];
	[tilespmem:s2+$0xFFFFFF90] =	vst v5;
	s2 =	sadd.s32 $0x400, s2  }
0x73: {  	v5 =	vld [tilespmem:s6+$0xFFFFFF90];
	v7 =	vadd.f32 v7, v0;
	[tilespmem:s2+$0x0] =	vst v8;
	s6 =	sadd.s32 $0x400, s6  }
0x74: {  	[tilespmem:s2+$0xFFFFFFA0] =	vst v6;
	v4 =	vadd.f32 v4, v0  }
0x75: {  	[tilespmem:s2+$0xFFFFFFB0] =	vst v7;
	v2 =	vadd.f32 v2, v0  }
0x76: {  	[tilespmem:s2+$0xFFFFFFC0] =	vst v4;
	v1 =	vadd.f32 v1, v0  }
0x77: {  	[tilespmem:s2+$0xFFFFFFD0] =	vst v2;
	v2 =	vadd.f32 v3, v0  }
0x78: {  	v0 =	vadd.f32 v5, v0;
	[tilespmem:s2+$0xFFFFFFE0] =	vst v1  }
0x79: {  	[tilespmem:s2+$0xFFFFFFF0] =	vst v2  }
0x7a: {  	[tilespmem:s2+$0xFFFFFF90] =	vst v0  }
0x7b: {  	s6 =	simm.s32 $0x1B70;
	v0 =	vld [tilespmem:$0x40]  }
0x7c: {  	v3 =	vld [tilespmem:s6+$0x0]  }
0x7d: {  	v5 =	vld [tilespmem:s6+$0xFFFFFFA0]  }
0x7e: {  	v7 =	vld [tilespmem:s6+$0xFFFFFFB0]  }
0x7f: {  	v4 =	vld [tilespmem:s6+$0xFFFFFFC0]  }
0x80: {  	v2 =	vld [tilespmem:s6+$0xFFFFFFD0]  }
0x81: {  	v1 =	vld [tilespmem:s6+$0xFFFFFFE0];
	v8 =	vadd.f32 v3, v0  }
0x82: {  	s2 =	simm.s32 $0x9B70;
	v3 =	vld [tilespmem:s6+$0xFFFFFFF0];
	v6 =	vadd.f32 v5, v0  }
0x83: {  	s0 =	simm.s32 $0x0;
	v5 =	vld [tilespmem:s6+$0xFFFFFF90];
	v7 =	vadd.f32 v7, v0;
	s6 =	simm.s32 $0x1F70;
	[tilespmem:s2+$0x0] =	vst v8  }
.LBB2_10:
0x84: {  	v8 =	vld [tilespmem:s6+$0x0];
	s0 =	sadd.s32 $0x80, s0;
	[tilespmem:s2+$0xFFFFFFA0] =	vst v6;
	v4 =	vadd.f32 v4, v0  }
0x85: {  	v6 =	vld [tilespmem:s6+$0xFFFFFFA0];
	p0 =	slt.u32 s0, $0x780;
	[tilespmem:s2+$0xFFFFFFB0] =	vst v7;
	v2 =	vadd.f32 v2, v0  }
0x86: {  	v7 =	vld [tilespmem:s6+$0xFFFFFFB0];
	[tilespmem:s2+$0xFFFFFFC0] =	vst v4;
	v1 =	vadd.f32 v1, v0  }
.Ltmp4:
0x87: {  	v4 =	vld [tilespmem:s6+$0xFFFFFFC0];
	[tilespmem:s2+$0xFFFFFFD0] =	vst v2;
	v3 =	vadd.f32 v3, v0;
	(pc) =	sbr.rel @p0 .LBB2_10-.Ltmp4, $4  }
0x88: {  	v2 =	vld [tilespmem:s6+$0xFFFFFFD0];
	v5 =	vadd.f32 v5, v0;
	[tilespmem:s2+$0xFFFFFFE0] =	vst v1  }
0x89: {  	v1 =	vld [tilespmem:s6+$0xFFFFFFE0];
	v8 =	vadd.f32 v8, v0;
	[tilespmem:s2+$0xFFFFFFF0] =	vst v3  }
0x8a: {  	v6 =	vadd.f32 v6, v0;
	v3 =	vld [tilespmem:s6+$0xFFFFFFF0];
	[tilespmem:s2+$0xFFFFFF90] =	vst v5;
	s2 =	sadd.s32 $0x400, s2  }
0x8b: {  	v5 =	vld [tilespmem:s6+$0xFFFFFF90];
	v7 =	vadd.f32 v7, v0;
	[tilespmem:s2+$0x0] =	vst v8;
	s6 =	sadd.s32 $0x400, s6  }
0x8c: {  	[tilespmem:s2+$0xFFFFFFA0] =	vst v6;
	v4 =	vadd.f32 v4, v0  }
0x8d: {  	[tilespmem:s2+$0xFFFFFFB0] =	vst v7;
	v2 =	vadd.f32 v2, v0  }
0x8e: {  	[tilespmem:s2+$0xFFFFFFC0] =	vst v4;
	v1 =	vadd.f32 v1, v0  }
0x8f: {  	[tilespmem:s2+$0xFFFFFFD0] =	vst v2;
	v2 =	vadd.f32 v3, v0  }
0x90: {  	v0 =	vadd.f32 v5, v0;
	[tilespmem:s2+$0xFFFFFFE0] =	vst v1  }
0x91: {  	[tilespmem:s2+$0xFFFFFFF0] =	vst v2  }
0x92: {  	[tilespmem:s2+$0xFFFFFF90] =	vst v0  }
0x93: {  	s6 =	simm.s32 $0x1BF0;
	v0 =	vld [tilespmem:$0x50]  }
0x94: {  	v3 =	vld [tilespmem:s6+$0x0]  }
0x95: {  	v5 =	vld [tilespmem:s6+$0xFFFFFFA0]  }
0x96: {  	v7 =	vld [tilespmem:s6+$0xFFFFFFB0]  }
0x97: {  	v4 =	vld [tilespmem:s6+$0xFFFFFFC0]  }
0x98: {  	v2 =	vld [tilespmem:s6+$0xFFFFFFD0]  }
0x99: {  	v1 =	vld [tilespmem:s6+$0xFFFFFFE0];
	v8 =	vadd.f32 v3, v0  }
0x9a: {  	s2 =	simm.s32 $0x9BF0;
	v3 =	vld [tilespmem:s6+$0xFFFFFFF0];
	v6 =	vadd.f32 v5, v0  }
0x9b: {  	s0 =	simm.s32 $0x0;
	v5 =	vld [tilespmem:s6+$0xFFFFFF90];
	v7 =	vadd.f32 v7, v0;
	s6 =	simm.s32 $0x1FF0;
	[tilespmem:s2+$0x0] =	vst v8  }
.LBB2_12:
0x9c: {  	v8 =	vld [tilespmem:s6+$0x0];
	s0 =	sadd.s32 $0x80, s0;
	[tilespmem:s2+$0xFFFFFFA0] =	vst v6;
	v4 =	vadd.f32 v4, v0  }
0x9d: {  	v6 =	vld [tilespmem:s6+$0xFFFFFFA0];
	p0 =	slt.u32 s0, $0x780;
	[tilespmem:s2+$0xFFFFFFB0] =	vst v7;
	v2 =	vadd.f32 v2, v0  }
0x9e: {  	v7 =	vld [tilespmem:s6+$0xFFFFFFB0];
	[tilespmem:s2+$0xFFFFFFC0] =	vst v4;
	v1 =	vadd.f32 v1, v0  }
.Ltmp5:
0x9f: {  	v4 =	vld [tilespmem:s6+$0xFFFFFFC0];
	[tilespmem:s2+$0xFFFFFFD0] =	vst v2;
	v3 =	vadd.f32 v3, v0;
	(pc) =	sbr.rel @p0 .LBB2_12-.Ltmp5, $4  }
0xa0: {  	v2 =	vld [tilespmem:s6+$0xFFFFFFD0];
	v5 =	vadd.f32 v5, v0;
	[tilespmem:s2+$0xFFFFFFE0] =	vst v1  }
0xa1: {  	v1 =	vld [tilespmem:s6+$0xFFFFFFE0];
	v8 =	vadd.f32 v8, v0;
	[tilespmem:s2+$0xFFFFFFF0] =	vst v3  }
0xa2: {  	v6 =	vadd.f32 v6, v0;
	v3 =	vld [tilespmem:s6+$0xFFFFFFF0];
	[tilespmem:s2+$0xFFFFFF90] =	vst v5;
	s2 =	sadd.s32 $0x400, s2  }
0xa3: {  	v5 =	vld [tilespmem:s6+$0xFFFFFF90];
	v7 =	vadd.f32 v7, v0;
	[tilespmem:s2+$0x0] =	vst v8;
	s6 =	sadd.s32 $0x400, s6  }
0xa4: {  	[tilespmem:s2+$0xFFFFFFA0] =	vst v6;
	v4 =	vadd.f32 v4, v0  }
0xa5: {  	[tilespmem:s2+$0xFFFFFFB0] =	vst v7;
	v2 =	vadd.f32 v2, v0  }
0xa6: {  	[tilespmem:s2+$0xFFFFFFC0] =	vst v4;
	v1 =	vadd.f32 v1, v0  }
0xa7: {  	[tilespmem:s2+$0xFFFFFFD0] =	vst v2;
	v2 =	vadd.f32 v3, v0  }
0xa8: {  	v0 =	vadd.f32 v5, v0;
	[tilespmem:s2+$0xFFFFFFE0] =	vst v1  }
0xa9: {  	[tilespmem:s2+$0xFFFFFFF0] =	vst v2  }
0xaa: {  	[tilespmem:s2+$0xFFFFFF90] =	vst v0  }
0xab: {  	s6 =	simm.s32 $0x1C70;
	v0 =	vld [tilespmem:$0x60]  }
0xac: {  	v3 =	vld [tilespmem:s6+$0x0]  }
0xad: {  	v5 =	vld [tilespmem:s6+$0xFFFFFFA0]  }
0xae: {  	v7 =	vld [tilespmem:s6+$0xFFFFFFB0]  }
0xaf: {  	v4 =	vld [tilespmem:s6+$0xFFFFFFC0]  }
0xb0: {  	v2 =	vld [tilespmem:s6+$0xFFFFFFD0]  }
0xb1: {  	v1 =	vld [tilespmem:s6+$0xFFFFFFE0];
	v8 =	vadd.f32 v3, v0  }
0xb2: {  	s2 =	simm.s32 $0x9C70;
	v3 =	vld [tilespmem:s6+$0xFFFFFFF0];
	v6 =	vadd.f32 v5, v0  }
0xb3: {  	s0 =	simm.s32 $0x0;
	v5 =	vld [tilespmem:s6+$0xFFFFFF90];
	v7 =	vadd.f32 v7, v0;
	s6 =	simm.s32 $0x2070;
	[tilespmem:s2+$0x0] =	vst v8  }
.LBB2_14:
0xb4: {  	v8 =	vld [tilespmem:s6+$0x0];
	s0 =	sadd.s32 $0x80, s0;
	[tilespmem:s2+$0xFFFFFFA0] =	vst v6;
	v4 =	vadd.f32 v4, v0  }
0xb5: {  	v6 =	vld [tilespmem:s6+$0xFFFFFFA0];
	p0 =	slt.u32 s0, $0x780;
	[tilespmem:s2+$0xFFFFFFB0] =	vst v7;
	v2 =	vadd.f32 v2, v0  }
0xb6: {  	v7 =	vld [tilespmem:s6+$0xFFFFFFB0];
	[tilespmem:s2+$0xFFFFFFC0] =	vst v4;
	v1 =	vadd.f32 v1, v0  }
.Ltmp6:
0xb7: {  	v4 =	vld [tilespmem:s6+$0xFFFFFFC0];
	[tilespmem:s2+$0xFFFFFFD0] =	vst v2;
	v3 =	vadd.f32 v3, v0;
	(pc) =	sbr.rel @p0 .LBB2_14-.Ltmp6, $4  }
0xb8: {  	v2 =	vld [tilespmem:s6+$0xFFFFFFD0];
	v5 =	vadd.f32 v5, v0;
	[tilespmem:s2+$0xFFFFFFE0] =	vst v1  }
0xb9: {  	v1 =	vld [tilespmem:s6+$0xFFFFFFE0];
	v8 =	vadd.f32 v8, v0;
	[tilespmem:s2+$0xFFFFFFF0] =	vst v3  }
0xba: {  	v6 =	vadd.f32 v6, v0;
	v3 =	vld [tilespmem:s6+$0xFFFFFFF0];
	[tilespmem:s2+$0xFFFFFF90] =	vst v5;
	s2 =	sadd.s32 $0x400, s2  }
0xbb: {  	v5 =	vld [tilespmem:s6+$0xFFFFFF90];
	v7 =	vadd.f32 v7, v0;
	[tilespmem:s2+$0x0] =	vst v8;
	s6 =	sadd.s32 $0x400, s6  }
0xbc: {  	[tilespmem:s2+$0xFFFFFFA0] =	vst v6;
	v4 =	vadd.f32 v4, v0  }
0xbd: {  	[tilespmem:s2+$0xFFFFFFB0] =	vst v7;
	v2 =	vadd.f32 v2, v0  }
0xbe: {  	[tilespmem:s2+$0xFFFFFFC0] =	vst v4;
	v1 =	vadd.f32 v1, v0  }
0xbf: {  	[tilespmem:s2+$0xFFFFFFD0] =	vst v2;
	v2 =	vadd.f32 v3, v0  }
0xc0: {  	v0 =	vadd.f32 v5, v0;
	[tilespmem:s2+$0xFFFFFFE0] =	vst v1  }
0xc1: {  	[tilespmem:s2+$0xFFFFFFF0] =	vst v2  }
0xc2: {  	[tilespmem:s2+$0xFFFFFF90] =	vst v0  }
0xc3: {  	s6 =	simm.s32 $0x1CF0;
	v0 =	vld [tilespmem:$0x70]  }
0xc4: {  	v3 =	vld [tilespmem:s6+$0x0]  }
0xc5: {  	v5 =	vld [tilespmem:s6+$0xFFFFFFA0]  }
0xc6: {  	v7 =	vld [tilespmem:s6+$0xFFFFFFB0]  }
0xc7: {  	v4 =	vld [tilespmem:s6+$0xFFFFFFC0]  }
0xc8: {  	v2 =	vld [tilespmem:s6+$0xFFFFFFD0]  }
0xc9: {  	v1 =	vld [tilespmem:s6+$0xFFFFFFE0];
	v8 =	vadd.f32 v3, v0  }
0xca: {  	s2 =	simm.s32 $0x9CF0;
	v3 =	vld [tilespmem:s6+$0xFFFFFFF0];
	v6 =	vadd.f32 v5, v0  }
0xcb: {  	s0 =	simm.s32 $0x0;
	v5 =	vld [tilespmem:s6+$0xFFFFFF90];
	v7 =	vadd.f32 v7, v0;
	s6 =	simm.s32 $0x20F0;
	[tilespmem:s2+$0x0] =	vst v8  }
.LBB2_16:
0xcc: {  	v8 =	vld [tilespmem:s6+$0x0];
	s0 =	sadd.s32 $0x80, s0;
	[tilespmem:s2+$0xFFFFFFA0] =	vst v6;
	v4 =	vadd.f32 v4, v0  }
0xcd: {  	v6 =	vld [tilespmem:s6+$0xFFFFFFA0];
	p0 =	slt.u32 s0, $0x780;
	[tilespmem:s2+$0xFFFFFFB0] =	vst v7;
	v2 =	vadd.f32 v2, v0  }
0xce: {  	v7 =	vld [tilespmem:s6+$0xFFFFFFB0];
	[tilespmem:s2+$0xFFFFFFC0] =	vst v4;
	v1 =	vadd.f32 v1, v0  }
.Ltmp7:
0xcf: {  	v4 =	vld [tilespmem:s6+$0xFFFFFFC0];
	[tilespmem:s2+$0xFFFFFFD0] =	vst v2;
	v3 =	vadd.f32 v3, v0;
	(pc) =	sbr.rel @p0 .LBB2_16-.Ltmp7, $4  }
0xd0: {  	v2 =	vld [tilespmem:s6+$0xFFFFFFD0];
	v5 =	vadd.f32 v5, v0;
	[tilespmem:s2+$0xFFFFFFE0] =	vst v1  }
0xd1: {  	v1 =	vld [tilespmem:s6+$0xFFFFFFE0];
	v8 =	vadd.f32 v8, v0;
	[tilespmem:s2+$0xFFFFFFF0] =	vst v3  }
0xd2: {  	v6 =	vadd.f32 v6, v0;
	v3 =	vld [tilespmem:s6+$0xFFFFFFF0];
	[tilespmem:s2+$0xFFFFFF90] =	vst v5;
	s2 =	sadd.s32 $0x400, s2  }
0xd3: {  	v5 =	vld [tilespmem:s6+$0xFFFFFF90];
	v7 =	vadd.f32 v7, v0;
	[tilespmem:s2+$0x0] =	vst v8;
	s6 =	sadd.s32 $0x400, s6  }
0xd4: {  	[tilespmem:s2+$0xFFFFFFA0] =	vst v6;
	v4 =	vadd.f32 v4, v0  }
0xd5: {  	[tilespmem:s2+$0xFFFFFFB0] =	vst v7;
	v2 =	vadd.f32 v2, v0  }
0xd6: {  	[tilespmem:s2+$0xFFFFFFC0] =	vst v4;
	v1 =	vadd.f32 v1, v0  }
0xd7: {  	[tilespmem:s2+$0xFFFFFFD0] =	vst v2;
	v2 =	vadd.f32 v3, v0  }
0xd8: {  	v0 =	vadd.f32 v5, v0;
	[tilespmem:s2+$0xFFFFFFE0] =	vst v1  }
0xd9: {  	[tilespmem:s2+$0xFFFFFFF0] =	vst v2  }
0xda: {  	[tilespmem:s2+$0xFFFFFF90] =	vst v0  }
0xdb: {  	[hbm4b:s9+s4] =	stream.linear.scatter [tilespmem:s22], [sflag:$0x3], $0x4000, $0x38;
	[tilespmem:$0x11900] =	vst v63  }
0xdc: {  	_ = 	snop  }
0xdd: {  	[tilespmem:s19], [sflag:$0x1] =	stream.linear.gather [hbm4b:s10+s4], $0x4000, $0x38;
	[tilespmem:$0x11900] =	vst v63  }
0xde: {  	_ =	swait.ge [sflag:s23], $0x4000  }
0xdf: {  	[sflag:s23] =	ssyncset.done $0x0  }
0xe0: {  	[sflag:s23] =	ssyncadd.s32 $0xFFFFC000  }
0xe1: {  	s6 =	simm.s32 $0x5940;
	v0 =	vld [tilespmem:$0x0]  }
0xe2: {  	v3 =	vld [tilespmem:s6+$0x30]  }
0xe3: {  	v5 =	vld [tilespmem:s6+$0xFFFFFFD0]  }
0xe4: {  	v7 =	vld [tilespmem:s6+$0xFFFFFFE0]  }
0xe5: {  	v4 =	vld [tilespmem:s6+$0xFFFFFFF0]  }
0xe6: {  	v2 =	vld [tilespmem:s6+$0x0]  }
0xe7: {  	v1 =	vld [tilespmem:s6+$0x10];
	v8 =	vadd.f32 v3, v0  }
0xe8: {  	s2 =	simm.s32 $0xD940;
	v3 =	vld [tilespmem:s6+$0x20];
	v6 =	vadd.f32 v5, v0  }
0xe9: {  	s0 =	simm.s32 $0x0;
	v5 =	vld [tilespmem:s6+$0xFFFFFFC0];
	v7 =	vadd.f32 v7, v0;
	s6 =	simm.s32 $0x5D40;
	[tilespmem:s2+$0x30] =	vst v8  }
.LBB2_18:
0xea: {  	v8 =	vld [tilespmem:s6+$0x30];
	s0 =	sadd.s32 $0x80, s0;
	[tilespmem:s2+$0xFFFFFFD0] =	vst v6;
	v4 =	vadd.f32 v4, v0  }
0xeb: {  	v6 =	vld [tilespmem:s6+$0xFFFFFFD0];
	p0 =	slt.u32 s0, $0x780;
	[tilespmem:s2+$0xFFFFFFE0] =	vst v7;
	v2 =	vadd.f32 v2, v0  }
0xec: {  	v7 =	vld [tilespmem:s6+$0xFFFFFFE0];
	[tilespmem:s2+$0xFFFFFFF0] =	vst v4;
	v1 =	vadd.f32 v1, v0  }
.Ltmp8:
0xed: {  	v4 =	vld [tilespmem:s6+$0xFFFFFFF0];
	[tilespmem:s2+$0x0] =	vst v2;
	v3 =	vadd.f32 v3, v0;
	(pc) =	sbr.rel @p0 .LBB2_18-.Ltmp8, $4  }
0xee: {  	v2 =	vld [tilespmem:s6+$0x0];
	v5 =	vadd.f32 v5, v0;
	[tilespmem:s2+$0x10] =	vst v1  }
0xef: {  	v1 =	vld [tilespmem:s6+$0x10];
	v8 =	vadd.f32 v8, v0;
	[tilespmem:s2+$0x20] =	vst v3  }
0xf0: {  	v6 =	vadd.f32 v6, v0;
	v3 =	vld [tilespmem:s6+$0x20];
	[tilespmem:s2+$0xFFFFFFC0] =	vst v5;
	s2 =	sadd.s32 $0x400, s2  }
0xf1: {  	v5 =	vld [tilespmem:s6+$0xFFFFFFC0];
	v7 =	vadd.f32 v7, v0;
	[tilespmem:s2+$0x30] =	vst v8;
	s6 =	sadd.s32 $0x400, s6  }
0xf2: {  	[tilespmem:s2+$0xFFFFFFD0] =	vst v6;
	v4 =	vadd.f32 v4, v0  }
0xf3: {  	[tilespmem:s2+$0xFFFFFFE0] =	vst v7;
	v2 =	vadd.f32 v2, v0  }
0xf4: {  	[tilespmem:s2+$0xFFFFFFF0] =	vst v4;
	v1 =	vadd.f32 v1, v0  }
0xf5: {  	[tilespmem:s2+$0x0] =	vst v2;
	v2 =	vadd.f32 v3, v0  }
0xf6: {  	v0 =	vadd.f32 v5, v0;
	[tilespmem:s2+$0x10] =	vst v1  }
0xf7: {  	[tilespmem:s2+$0x20] =	vst v2  }
0xf8: {  	[tilespmem:s2+$0xFFFFFFC0] =	vst v0  }
0xf9: {  	s6 =	simm.s32 $0x59F0;
	v0 =	vld [tilespmem:$0x10]  }
0xfa: {  	v3 =	vld [tilespmem:s6+$0x0]  }
0xfb: {  	v5 =	vld [tilespmem:s6+$0xFFFFFFA0]  }
0xfc: {  	v7 =	vld [tilespmem:s6+$0xFFFFFFB0]  }
0xfd: {  	v4 =	vld [tilespmem:s6+$0xFFFFFFC0]  }
0xfe: {  	v2 =	vld [tilespmem:s6+$0xFFFFFFD0]  }
0xff: {  	v1 =	vld [tilespmem:s6+$0xFFFFFFE0];
	v8 =	vadd.f32 v3, v0  }
0x100: {  	s2 =	simm.s32 $0xD9F0;
	v3 =	vld [tilespmem:s6+$0xFFFFFFF0];
	v6 =	vadd.f32 v5, v0  }
0x101: {  	s0 =	simm.s32 $0x0;
	v5 =	vld [tilespmem:s6+$0xFFFFFF90];
	v7 =	vadd.f32 v7, v0;
	s6 =	simm.s32 $0x5DF0;
	[tilespmem:s2+$0x0] =	vst v8  }
.LBB2_20:
0x102: {  	v8 =	vld [tilespmem:s6+$0x0];
	s0 =	sadd.s32 $0x80, s0;
	[tilespmem:s2+$0xFFFFFFA0] =	vst v6;
	v4 =	vadd.f32 v4, v0  }
0x103: {  	v6 =	vld [tilespmem:s6+$0xFFFFFFA0];
	p0 =	slt.u32 s0, $0x780;
	[tilespmem:s2+$0xFFFFFFB0] =	vst v7;
	v2 =	vadd.f32 v2, v0  }
0x104: {  	v7 =	vld [tilespmem:s6+$0xFFFFFFB0];
	[tilespmem:s2+$0xFFFFFFC0] =	vst v4;
	v1 =	vadd.f32 v1, v0  }
.Ltmp9:
0x105: {  	v4 =	vld [tilespmem:s6+$0xFFFFFFC0];
	[tilespmem:s2+$0xFFFFFFD0] =	vst v2;
	v3 =	vadd.f32 v3, v0;
	(pc) =	sbr.rel @p0 .LBB2_20-.Ltmp9, $4  }
0x106: {  	v2 =	vld [tilespmem:s6+$0xFFFFFFD0];
	v5 =	vadd.f32 v5, v0;
	[tilespmem:s2+$0xFFFFFFE0] =	vst v1  }
0x107: {  	v1 =	vld [tilespmem:s6+$0xFFFFFFE0];
	v8 =	vadd.f32 v8, v0;
	[tilespmem:s2+$0xFFFFFFF0] =	vst v3  }
0x108: {  	v6 =	vadd.f32 v6, v0;
	v3 =	vld [tilespmem:s6+$0xFFFFFFF0];
	[tilespmem:s2+$0xFFFFFF90] =	vst v5;
	s2 =	sadd.s32 $0x400, s2  }
0x109: {  	v5 =	vld [tilespmem:s6+$0xFFFFFF90];
	v7 =	vadd.f32 v7, v0;
	[tilespmem:s2+$0x0] =	vst v8;
	s6 =	sadd.s32 $0x400, s6  }
0x10a: {  	[tilespmem:s2+$0xFFFFFFA0] =	vst v6;
	v4 =	vadd.f32 v4, v0  }
0x10b: {  	[tilespmem:s2+$0xFFFFFFB0] =	vst v7;
	v2 =	vadd.f32 v2, v0  }
0x10c: {  	[tilespmem:s2+$0xFFFFFFC0] =	vst v4;
	v1 =	vadd.f32 v1, v0  }
0x10d: {  	[tilespmem:s2+$0xFFFFFFD0] =	vst v2;
	v2 =	vadd.f32 v3, v0  }
0x10e: {  	v0 =	vadd.f32 v5, v0;
	[tilespmem:s2+$0xFFFFFFE0] =	vst v1  }
0x10f: {  	[tilespmem:s2+$0xFFFFFFF0] =	vst v2  }
0x110: {  	[tilespmem:s2+$0xFFFFFF90] =	vst v0  }
0x111: {  	s6 =	simm.s32 $0x5A70;
	v0 =	vld [tilespmem:$0x20]  }
0x112: {  	v3 =	vld [tilespmem:s6+$0x0]  }
0x113: {  	v5 =	vld [tilespmem:s6+$0xFFFFFFA0]  }
0x114: {  	v7 =	vld [tilespmem:s6+$0xFFFFFFB0]  }
0x115: {  	v4 =	vld [tilespmem:s6+$0xFFFFFFC0]  }
0x116: {  	v2 =	vld [tilespmem:s6+$0xFFFFFFD0]  }
0x117: {  	v1 =	vld [tilespmem:s6+$0xFFFFFFE0];
	v8 =	vadd.f32 v3, v0  }
0x118: {  	s2 =	simm.s32 $0xDA70;
	v3 =	vld [tilespmem:s6+$0xFFFFFFF0];
	v6 =	vadd.f32 v5, v0  }
0x119: {  	s0 =	simm.s32 $0x0;
	v5 =	vld [tilespmem:s6+$0xFFFFFF90];
	v7 =	vadd.f32 v7, v0;
	s6 =	simm.s32 $0x5E70;
	[tilespmem:s2+$0x0] =	vst v8  }
.LBB2_22:
0x11a: {  	v8 =	vld [tilespmem:s6+$0x0];
	s0 =	sadd.s32 $0x80, s0;
	[tilespmem:s2+$0xFFFFFFA0] =	vst v6;
	v4 =	vadd.f32 v4, v0  }
0x11b: {  	v6 =	vld [tilespmem:s6+$0xFFFFFFA0];
	p0 =	slt.u32 s0, $0x780;
	[tilespmem:s2+$0xFFFFFFB0] =	vst v7;
	v2 =	vadd.f32 v2, v0  }
0x11c: {  	v7 =	vld [tilespmem:s6+$0xFFFFFFB0];
	[tilespmem:s2+$0xFFFFFFC0] =	vst v4;
	v1 =	vadd.f32 v1, v0  }
.Ltmp10:
0x11d: {  	v4 =	vld [tilespmem:s6+$0xFFFFFFC0];
	[tilespmem:s2+$0xFFFFFFD0] =	vst v2;
	v3 =	vadd.f32 v3, v0;
	(pc) =	sbr.rel @p0 .LBB2_22-.Ltmp10, $4  }
0x11e: {  	v2 =	vld [tilespmem:s6+$0xFFFFFFD0];
	v5 =	vadd.f32 v5, v0;
	[tilespmem:s2+$0xFFFFFFE0] =	vst v1  }
0x11f: {  	v1 =	vld [tilespmem:s6+$0xFFFFFFE0];
	v8 =	vadd.f32 v8, v0;
	[tilespmem:s2+$0xFFFFFFF0] =	vst v3  }
0x120: {  	v6 =	vadd.f32 v6, v0;
	v3 =	vld [tilespmem:s6+$0xFFFFFFF0];
	[tilespmem:s2+$0xFFFFFF90] =	vst v5;
	s2 =	sadd.s32 $0x400, s2  }
0x121: {  	v5 =	vld [tilespmem:s6+$0xFFFFFF90];
	v7 =	vadd.f32 v7, v0;
	[tilespmem:s2+$0x0] =	vst v8;
	s6 =	sadd.s32 $0x400, s6  }
0x122: {  	[tilespmem:s2+$0xFFFFFFA0] =	vst v6;
	v4 =	vadd.f32 v4, v0  }
0x123: {  	[tilespmem:s2+$0xFFFFFFB0] =	vst v7;
	v2 =	vadd.f32 v2, v0  }
0x124: {  	[tilespmem:s2+$0xFFFFFFC0] =	vst v4;
	v1 =	vadd.f32 v1, v0  }
0x125: {  	[tilespmem:s2+$0xFFFFFFD0] =	vst v2;
	v2 =	vadd.f32 v3, v0  }
0x126: {  	v0 =	vadd.f32 v5, v0;
	[tilespmem:s2+$0xFFFFFFE0] =	vst v1  }
0x127: {  	[tilespmem:s2+$0xFFFFFFF0] =	vst v2  }
0x128: {  	[tilespmem:s2+$0xFFFFFF90] =	vst v0  }
0x129: {  	s6 =	simm.s32 $0x5AF0;
	v0 =	vld [tilespmem:$0x30]  }
0x12a: {  	v3 =	vld [tilespmem:s6+$0x0]  }
0x12b: {  	v5 =	vld [tilespmem:s6+$0xFFFFFFA0]  }
0x12c: {  	v7 =	vld [tilespmem:s6+$0xFFFFFFB0]  }
0x12d: {  	v4 =	vld [tilespmem:s6+$0xFFFFFFC0]  }
0x12e: {  	v2 =	vld [tilespmem:s6+$0xFFFFFFD0]  }
0x12f: {  	v1 =	vld [tilespmem:s6+$0xFFFFFFE0];
	v8 =	vadd.f32 v3, v0  }
0x130: {  	s2 =	simm.s32 $0xDAF0;
	v3 =	vld [tilespmem:s6+$0xFFFFFFF0];
	v6 =	vadd.f32 v5, v0  }
0x131: {  	s0 =	simm.s32 $0x0;
	v5 =	vld [tilespmem:s6+$0xFFFFFF90];
	v7 =	vadd.f32 v7, v0;
	s6 =	simm.s32 $0x5EF0;
	[tilespmem:s2+$0x0] =	vst v8  }
.LBB2_24:
0x132: {  	v8 =	vld [tilespmem:s6+$0x0];
	s0 =	sadd.s32 $0x80, s0;
	[tilespmem:s2+$0xFFFFFFA0] =	vst v6;
	v4 =	vadd.f32 v4, v0  }
0x133: {  	v6 =	vld [tilespmem:s6+$0xFFFFFFA0];
	p0 =	slt.u32 s0, $0x780;
	[tilespmem:s2+$0xFFFFFFB0] =	vst v7;
	v2 =	vadd.f32 v2, v0  }
0x134: {  	v7 =	vld [tilespmem:s6+$0xFFFFFFB0];
	[tilespmem:s2+$0xFFFFFFC0] =	vst v4;
	v1 =	vadd.f32 v1, v0  }
.Ltmp11:
0x135: {  	v4 =	vld [tilespmem:s6+$0xFFFFFFC0];
	[tilespmem:s2+$0xFFFFFFD0] =	vst v2;
	v3 =	vadd.f32 v3, v0;
	(pc) =	sbr.rel @p0 .LBB2_24-.Ltmp11, $4  }
0x136: {  	v2 =	vld [tilespmem:s6+$0xFFFFFFD0];
	v5 =	vadd.f32 v5, v0;
	[tilespmem:s2+$0xFFFFFFE0] =	vst v1  }
0x137: {  	v1 =	vld [tilespmem:s6+$0xFFFFFFE0];
	v8 =	vadd.f32 v8, v0;
	[tilespmem:s2+$0xFFFFFFF0] =	vst v3  }
0x138: {  	v6 =	vadd.f32 v6, v0;
	v3 =	vld [tilespmem:s6+$0xFFFFFFF0];
	[tilespmem:s2+$0xFFFFFF90] =	vst v5;
	s2 =	sadd.s32 $0x400, s2  }
0x139: {  	v5 =	vld [tilespmem:s6+$0xFFFFFF90];
	v7 =	vadd.f32 v7, v0;
	[tilespmem:s2+$0x0] =	vst v8;
	s6 =	sadd.s32 $0x400, s6  }
0x13a: {  	[tilespmem:s2+$0xFFFFFFA0] =	vst v6;
	v4 =	vadd.f32 v4, v0  }
0x13b: {  	[tilespmem:s2+$0xFFFFFFB0] =	vst v7;
	v2 =	vadd.f32 v2, v0  }
0x13c: {  	[tilespmem:s2+$0xFFFFFFC0] =	vst v4;
	v1 =	vadd.f32 v1, v0  }
0x13d: {  	[tilespmem:s2+$0xFFFFFFD0] =	vst v2;
	v2 =	vadd.f32 v3, v0  }
0x13e: {  	v0 =	vadd.f32 v5, v0;
	[tilespmem:s2+$0xFFFFFFE0] =	vst v1  }
0x13f: {  	[tilespmem:s2+$0xFFFFFFF0] =	vst v2  }
0x140: {  	[tilespmem:s2+$0xFFFFFF90] =	vst v0  }
0x141: {  	s6 =	simm.s32 $0x5B70;
	v0 =	vld [tilespmem:$0x40]  }
0x142: {  	v3 =	vld [tilespmem:s6+$0x0]  }
0x143: {  	v5 =	vld [tilespmem:s6+$0xFFFFFFA0]  }
0x144: {  	v7 =	vld [tilespmem:s6+$0xFFFFFFB0]  }
0x145: {  	v4 =	vld [tilespmem:s6+$0xFFFFFFC0]  }
0x146: {  	v2 =	vld [tilespmem:s6+$0xFFFFFFD0]  }
0x147: {  	v1 =	vld [tilespmem:s6+$0xFFFFFFE0];
	v8 =	vadd.f32 v3, v0  }
0x148: {  	s2 =	simm.s32 $0xDB70;
	v3 =	vld [tilespmem:s6+$0xFFFFFFF0];
	v6 =	vadd.f32 v5, v0  }
0x149: {  	s0 =	simm.s32 $0x0;
	v5 =	vld [tilespmem:s6+$0xFFFFFF90];
	v7 =	vadd.f32 v7, v0;
	s6 =	simm.s32 $0x5F70;
	[tilespmem:s2+$0x0] =	vst v8  }
.LBB2_26:
0x14a: {  	v8 =	vld [tilespmem:s6+$0x0];
	s0 =	sadd.s32 $0x80, s0;
	[tilespmem:s2+$0xFFFFFFA0] =	vst v6;
	v4 =	vadd.f32 v4, v0  }
0x14b: {  	v6 =	vld [tilespmem:s6+$0xFFFFFFA0];
	p0 =	slt.u32 s0, $0x780;
	[tilespmem:s2+$0xFFFFFFB0] =	vst v7;
	v2 =	vadd.f32 v2, v0  }
0x14c: {  	v7 =	vld [tilespmem:s6+$0xFFFFFFB0];
	[tilespmem:s2+$0xFFFFFFC0] =	vst v4;
	v1 =	vadd.f32 v1, v0  }
.Ltmp12:
0x14d: {  	v4 =	vld [tilespmem:s6+$0xFFFFFFC0];
	[tilespmem:s2+$0xFFFFFFD0] =	vst v2;
	v3 =	vadd.f32 v3, v0;
	(pc) =	sbr.rel @p0 .LBB2_26-.Ltmp12, $4  }
0x14e: {  	v2 =	vld [tilespmem:s6+$0xFFFFFFD0];
	v5 =	vadd.f32 v5, v0;
	[tilespmem:s2+$0xFFFFFFE0] =	vst v1  }
0x14f: {  	v1 =	vld [tilespmem:s6+$0xFFFFFFE0];
	v8 =	vadd.f32 v8, v0;
	[tilespmem:s2+$0xFFFFFFF0] =	vst v3  }
0x150: {  	v6 =	vadd.f32 v6, v0;
	v3 =	vld [tilespmem:s6+$0xFFFFFFF0];
	[tilespmem:s2+$0xFFFFFF90] =	vst v5;
	s2 =	sadd.s32 $0x400, s2  }
0x151: {  	v5 =	vld [tilespmem:s6+$0xFFFFFF90];
	v7 =	vadd.f32 v7, v0;
	[tilespmem:s2+$0x0] =	vst v8;
	s6 =	sadd.s32 $0x400, s6  }
0x152: {  	[tilespmem:s2+$0xFFFFFFA0] =	vst v6;
	v4 =	vadd.f32 v4, v0  }
0x153: {  	[tilespmem:s2+$0xFFFFFFB0] =	vst v7;
	v2 =	vadd.f32 v2, v0  }
0x154: {  	[tilespmem:s2+$0xFFFFFFC0] =	vst v4;
	v1 =	vadd.f32 v1, v0  }
0x155: {  	[tilespmem:s2+$0xFFFFFFD0] =	vst v2;
	v2 =	vadd.f32 v3, v0  }
0x156: {  	v0 =	vadd.f32 v5, v0;
	[tilespmem:s2+$0xFFFFFFE0] =	vst v1  }
0x157: {  	[tilespmem:s2+$0xFFFFFFF0] =	vst v2  }
0x158: {  	[tilespmem:s2+$0xFFFFFF90] =	vst v0  }
0x159: {  	s6 =	simm.s32 $0x5BF0;
	v0 =	vld [tilespmem:$0x50]  }
0x15a: {  	v3 =	vld [tilespmem:s6+$0x0]  }
0x15b: {  	v5 =	vld [tilespmem:s6+$0xFFFFFFA0]  }
0x15c: {  	v7 =	vld [tilespmem:s6+$0xFFFFFFB0]  }
0x15d: {  	v4 =	vld [tilespmem:s6+$0xFFFFFFC0]  }
0x15e: {  	v2 =	vld [tilespmem:s6+$0xFFFFFFD0]  }
0x15f: {  	v1 =	vld [tilespmem:s6+$0xFFFFFFE0];
	v8 =	vadd.f32 v3, v0  }
0x160: {  	s2 =	simm.s32 $0xDBF0;
	v3 =	vld [tilespmem:s6+$0xFFFFFFF0];
	v6 =	vadd.f32 v5, v0  }
0x161: {  	s0 =	simm.s32 $0x0;
	v5 =	vld [tilespmem:s6+$0xFFFFFF90];
	v7 =	vadd.f32 v7, v0;
	s6 =	simm.s32 $0x5FF0;
	[tilespmem:s2+$0x0] =	vst v8  }
.LBB2_28:
0x162: {  	v8 =	vld [tilespmem:s6+$0x0];
	s0 =	sadd.s32 $0x80, s0;
	[tilespmem:s2+$0xFFFFFFA0] =	vst v6;
	v4 =	vadd.f32 v4, v0  }
0x163: {  	v6 =	vld [tilespmem:s6+$0xFFFFFFA0];
	p0 =	slt.u32 s0, $0x780;
	[tilespmem:s2+$0xFFFFFFB0] =	vst v7;
	v2 =	vadd.f32 v2, v0  }
0x164: {  	v7 =	vld [tilespmem:s6+$0xFFFFFFB0];
	[tilespmem:s2+$0xFFFFFFC0] =	vst v4;
	v1 =	vadd.f32 v1, v0  }
.Ltmp13:
0x165: {  	v4 =	vld [tilespmem:s6+$0xFFFFFFC0];
	[tilespmem:s2+$0xFFFFFFD0] =	vst v2;
	v3 =	vadd.f32 v3, v0;
	(pc) =	sbr.rel @p0 .LBB2_28-.Ltmp13, $4  }
0x166: {  	v2 =	vld [tilespmem:s6+$0xFFFFFFD0];
	v5 =	vadd.f32 v5, v0;
	[tilespmem:s2+$0xFFFFFFE0] =	vst v1  }
0x167: {  	v1 =	vld [tilespmem:s6+$0xFFFFFFE0];
	v8 =	vadd.f32 v8, v0;
	[tilespmem:s2+$0xFFFFFFF0] =	vst v3  }
0x168: {  	v6 =	vadd.f32 v6, v0;
	v3 =	vld [tilespmem:s6+$0xFFFFFFF0];
	[tilespmem:s2+$0xFFFFFF90] =	vst v5;
	s2 =	sadd.s32 $0x400, s2  }
0x169: {  	v5 =	vld [tilespmem:s6+$0xFFFFFF90];
	v7 =	vadd.f32 v7, v0;
	[tilespmem:s2+$0x0] =	vst v8;
	s6 =	sadd.s32 $0x400, s6  }
0x16a: {  	[tilespmem:s2+$0xFFFFFFA0] =	vst v6;
	v4 =	vadd.f32 v4, v0  }
0x16b: {  	[tilespmem:s2+$0xFFFFFFB0] =	vst v7;
	v2 =	vadd.f32 v2, v0  }
0x16c: {  	[tilespmem:s2+$0xFFFFFFC0] =	vst v4;
	v1 =	vadd.f32 v1, v0  }
0x16d: {  	[tilespmem:s2+$0xFFFFFFD0] =	vst v2;
	v2 =	vadd.f32 v3, v0  }
0x16e: {  	v0 =	vadd.f32 v5, v0;
	[tilespmem:s2+$0xFFFFFFE0] =	vst v1  }
0x16f: {  	[tilespmem:s2+$0xFFFFFFF0] =	vst v2  }
0x170: {  	[tilespmem:s2+$0xFFFFFF90] =	vst v0  }
0x171: {  	s6 =	simm.s32 $0x5C70;
	v0 =	vld [tilespmem:$0x60]  }
0x172: {  	v3 =	vld [tilespmem:s6+$0x0]  }
0x173: {  	v5 =	vld [tilespmem:s6+$0xFFFFFFA0]  }
0x174: {  	v7 =	vld [tilespmem:s6+$0xFFFFFFB0]  }
0x175: {  	v4 =	vld [tilespmem:s6+$0xFFFFFFC0]  }
0x176: {  	v2 =	vld [tilespmem:s6+$0xFFFFFFD0]  }
0x177: {  	v1 =	vld [tilespmem:s6+$0xFFFFFFE0];
	v8 =	vadd.f32 v3, v0  }
0x178: {  	s2 =	simm.s32 $0xDC70;
	v3 =	vld [tilespmem:s6+$0xFFFFFFF0];
	v6 =	vadd.f32 v5, v0  }
0x179: {  	s0 =	simm.s32 $0x0;
	v5 =	vld [tilespmem:s6+$0xFFFFFF90];
	v7 =	vadd.f32 v7, v0;
	s6 =	simm.s32 $0x6070;
	[tilespmem:s2+$0x0] =	vst v8  }
.LBB2_30:
0x17a: {  	v8 =	vld [tilespmem:s6+$0x0];
	s0 =	sadd.s32 $0x80, s0;
	[tilespmem:s2+$0xFFFFFFA0] =	vst v6;
	v4 =	vadd.f32 v4, v0  }
0x17b: {  	v6 =	vld [tilespmem:s6+$0xFFFFFFA0];
	p0 =	slt.u32 s0, $0x780;
	[tilespmem:s2+$0xFFFFFFB0] =	vst v7;
	v2 =	vadd.f32 v2, v0  }
0x17c: {  	v7 =	vld [tilespmem:s6+$0xFFFFFFB0];
	[tilespmem:s2+$0xFFFFFFC0] =	vst v4;
	v1 =	vadd.f32 v1, v0  }
.Ltmp14:
0x17d: {  	v4 =	vld [tilespmem:s6+$0xFFFFFFC0];
	[tilespmem:s2+$0xFFFFFFD0] =	vst v2;
	v3 =	vadd.f32 v3, v0;
	(pc) =	sbr.rel @p0 .LBB2_30-.Ltmp14, $4  }
0x17e: {  	v2 =	vld [tilespmem:s6+$0xFFFFFFD0];
	v5 =	vadd.f32 v5, v0;
	[tilespmem:s2+$0xFFFFFFE0] =	vst v1  }
0x17f: {  	v1 =	vld [tilespmem:s6+$0xFFFFFFE0];
	v8 =	vadd.f32 v8, v0;
	[tilespmem:s2+$0xFFFFFFF0] =	vst v3  }
0x180: {  	v6 =	vadd.f32 v6, v0;
	v3 =	vld [tilespmem:s6+$0xFFFFFFF0];
	[tilespmem:s2+$0xFFFFFF90] =	vst v5;
	s2 =	sadd.s32 $0x400, s2  }
0x181: {  	v5 =	vld [tilespmem:s6+$0xFFFFFF90];
	v7 =	vadd.f32 v7, v0;
	[tilespmem:s2+$0x0] =	vst v8;
	s6 =	sadd.s32 $0x400, s6  }
0x182: {  	[tilespmem:s2+$0xFFFFFFA0] =	vst v6;
	v4 =	vadd.f32 v4, v0  }
0x183: {  	[tilespmem:s2+$0xFFFFFFB0] =	vst v7;
	v2 =	vadd.f32 v2, v0  }
0x184: {  	[tilespmem:s2+$0xFFFFFFC0] =	vst v4;
	v1 =	vadd.f32 v1, v0  }
0x185: {  	[tilespmem:s2+$0xFFFFFFD0] =	vst v2;
	v2 =	vadd.f32 v3, v0  }
0x186: {  	v0 =	vadd.f32 v5, v0;
	[tilespmem:s2+$0xFFFFFFE0] =	vst v1  }
0x187: {  	[tilespmem:s2+$0xFFFFFFF0] =	vst v2  }
0x188: {  	[tilespmem:s2+$0xFFFFFF90] =	vst v0  }
0x189: {  	s6 =	simm.s32 $0x5CF0;
	v0 =	vld [tilespmem:$0x70]  }
0x18a: {  	v3 =	vld [tilespmem:s6+$0x0]  }
0x18b: {  	v5 =	vld [tilespmem:s6+$0xFFFFFFA0]  }
0x18c: {  	v7 =	vld [tilespmem:s6+$0xFFFFFFB0]  }
0x18d: {  	v4 =	vld [tilespmem:s6+$0xFFFFFFC0]  }
0x18e: {  	v2 =	vld [tilespmem:s6+$0xFFFFFFD0]  }
0x18f: {  	v1 =	vld [tilespmem:s6+$0xFFFFFFE0];
	v8 =	vadd.f32 v3, v0  }
0x190: {  	s2 =	simm.s32 $0xDCF0;
	v3 =	vld [tilespmem:s6+$0xFFFFFFF0];
	v6 =	vadd.f32 v5, v0  }
0x191: {  	s0 =	simm.s32 $0x0;
	v5 =	vld [tilespmem:s6+$0xFFFFFF90];
	v7 =	vadd.f32 v7, v0;
	s6 =	simm.s32 $0x60F0;
	[tilespmem:s2+$0x0] =	vst v8  }
.LBB2_32:
0x192: {  	v8 =	vld [tilespmem:s6+$0x0];
	s0 =	sadd.s32 $0x80, s0;
	[tilespmem:s2+$0xFFFFFFA0] =	vst v6;
	v4 =	vadd.f32 v4, v0  }
0x193: {  	v6 =	vld [tilespmem:s6+$0xFFFFFFA0];
	p0 =	slt.u32 s0, $0x780;
	[tilespmem:s2+$0xFFFFFFB0] =	vst v7;
	v2 =	vadd.f32 v2, v0  }
0x194: {  	v7 =	vld [tilespmem:s6+$0xFFFFFFB0];
	[tilespmem:s2+$0xFFFFFFC0] =	vst v4;
	v1 =	vadd.f32 v1, v0  }
.Ltmp15:
0x195: {  	v4 =	vld [tilespmem:s6+$0xFFFFFFC0];
	[tilespmem:s2+$0xFFFFFFD0] =	vst v2;
	v3 =	vadd.f32 v3, v0;
	(pc) =	sbr.rel @p0 .LBB2_32-.Ltmp15, $4  }
0x196: {  	v2 =	vld [tilespmem:s6+$0xFFFFFFD0];
	v5 =	vadd.f32 v5, v0;
	[tilespmem:s2+$0xFFFFFFE0] =	vst v1  }
0x197: {  	v1 =	vld [tilespmem:s6+$0xFFFFFFE0];
	v8 =	vadd.f32 v8, v0;
	[tilespmem:s2+$0xFFFFFFF0] =	vst v3  }
0x198: {  	v6 =	vadd.f32 v6, v0;
	v3 =	vld [tilespmem:s6+$0xFFFFFFF0];
	[tilespmem:s2+$0xFFFFFF90] =	vst v5;
	s2 =	sadd.s32 $0x400, s2  }
0x199: {  	v5 =	vld [tilespmem:s6+$0xFFFFFF90];
	v7 =	vadd.f32 v7, v0;
	[tilespmem:s2+$0x0] =	vst v8;
	s6 =	sadd.s32 $0x400, s6  }
0x19a: {  	[tilespmem:s2+$0xFFFFFFA0] =	vst v6;
	v4 =	vadd.f32 v4, v0  }
0x19b: {  	[tilespmem:s2+$0xFFFFFFB0] =	vst v7;
	v2 =	vadd.f32 v2, v0  }
0x19c: {  	[tilespmem:s2+$0xFFFFFFC0] =	vst v4;
	v1 =	vadd.f32 v1, v0  }
0x19d: {  	[tilespmem:s2+$0xFFFFFFD0] =	vst v2;
	v62 =	vadd.f32 v3, v0  }
0x19e: {  	v63 =	vadd.f32 v5, v0;
	[tilespmem:s2+$0xFFFFFFE0] =	vst v1  }
0x19f: {  	[tilespmem:s2+$0xFFFFFFF0] =	vst v62  }
0x1a0: {  	[tilespmem:s2+$0xFFFFFF90] =	vst v63  }
0x1a1: {  	[hbm4b:s11+s4] =	stream.linear.scatter [tilespmem:s24], [sflag:$0x4], $0x4000, $0x38;
	[tilespmem:$0x11900] =	vst v63  }
0x1a2: {  	s29 =	simm.s32 $0x1  }
0x1a3: {  	[tilespmem:s20], [sflag:$0x2] =	stream.linear.gather [hbm4b:s12+s4], $0x4000, $0x38;
	[tilespmem:$0x11900] =	vst v63  }
.LBB2_34:
0x1a4: {  	_ =	swait.ge [sflag:s21], $0x4000  }
0x1a5: {  	[sflag:s21] =	ssyncset.done $0x0  }
0x1a6: {  	[sflag:s21] =	ssyncadd.s32 $0xFFFFC000  }
0x1a7: {  	_ =	swait.ge [sflag:s25], $0x4000  }
0x1a8: {  	s0 =	sshll.u32 s29, $0x7;
	[sflag:s25] =	ssyncset.done $0x0  }
0x1a9: {  	s30 =	sand.u32 $0x3FFFFF80, s0;
	[sflag:s25] =	ssyncadd.s32 $0xFFFFC000  }
0x1aa: {  	s6 =	simm.s32 $0x1940;
	v0 =	vld [tilespmem:s30+$0x0]  }
0x1ab: {  	v3 =	vld [tilespmem:s6+$0x30]  }
0x1ac: {  	v5 =	vld [tilespmem:s6+$0xFFFFFFD0]  }
0x1ad: {  	v7 =	vld [tilespmem:s6+$0xFFFFFFE0]  }
0x1ae: {  	v4 =	vld [tilespmem:s6+$0xFFFFFFF0]  }
0x1af: {  	v2 =	vld [tilespmem:s6+$0x0]  }
0x1b0: {  	v1 =	vld [tilespmem:s6+$0x10];
	v8 =	vadd.f32 v3, v0  }
0x1b1: {  	s2 =	simm.s32 $0x9940;
	v3 =	vld [tilespmem:s6+$0x20];
	v6 =	vadd.f32 v5, v0  }
0x1b2: {  	s0 =	simm.s32 $0x0;
	v5 =	vld [tilespmem:s6+$0xFFFFFFC0];
	v7 =	vadd.f32 v7, v0;
	s6 =	simm.s32 $0x1D40;
	[tilespmem:s2+$0x30] =	vst v8  }
.LBB2_35:
0x1b3: {  	v8 =	vld [tilespmem:s6+$0x30];
	s0 =	sadd.s32 $0x80, s0;
	[tilespmem:s2+$0xFFFFFFD0] =	vst v6;
	v4 =	vadd.f32 v4, v0  }
0x1b4: {  	v6 =	vld [tilespmem:s6+$0xFFFFFFD0];
	p0 =	slt.u32 s0, $0x780;
	[tilespmem:s2+$0xFFFFFFE0] =	vst v7;
	v2 =	vadd.f32 v2, v0  }
0x1b5: {  	v7 =	vld [tilespmem:s6+$0xFFFFFFE0];
	[tilespmem:s2+$0xFFFFFFF0] =	vst v4;
	v1 =	vadd.f32 v1, v0  }
.Ltmp16:
0x1b6: {  	v4 =	vld [tilespmem:s6+$0xFFFFFFF0];
	[tilespmem:s2+$0x0] =	vst v2;
	v3 =	vadd.f32 v3, v0;
	(pc) =	sbr.rel @p0 .LBB2_35-.Ltmp16, $4  }
0x1b7: {  	v2 =	vld [tilespmem:s6+$0x0];
	v5 =	vadd.f32 v5, v0;
	[tilespmem:s2+$0x10] =	vst v1  }
0x1b8: {  	v1 =	vld [tilespmem:s6+$0x10];
	v8 =	vadd.f32 v8, v0;
	[tilespmem:s2+$0x20] =	vst v3  }
0x1b9: {  	v6 =	vadd.f32 v6, v0;
	v3 =	vld [tilespmem:s6+$0x20];
	[tilespmem:s2+$0xFFFFFFC0] =	vst v5;
	s2 =	sadd.s32 $0x400, s2  }
0x1ba: {  	v5 =	vld [tilespmem:s6+$0xFFFFFFC0];
	v7 =	vadd.f32 v7, v0;
	[tilespmem:s2+$0x30] =	vst v8;
	s6 =	sadd.s32 $0x400, s6  }
0x1bb: {  	[tilespmem:s2+$0xFFFFFFD0] =	vst v6;
	v4 =	vadd.f32 v4, v0  }
0x1bc: {  	[tilespmem:s2+$0xFFFFFFE0] =	vst v7;
	v2 =	vadd.f32 v2, v0  }
0x1bd: {  	[tilespmem:s2+$0xFFFFFFF0] =	vst v4;
	v1 =	vadd.f32 v1, v0  }
0x1be: {  	[tilespmem:s2+$0x0] =	vst v2;
	v2 =	vadd.f32 v3, v0  }
0x1bf: {  	v0 =	vadd.f32 v5, v0;
	[tilespmem:s2+$0x10] =	vst v1  }
0x1c0: {  	[tilespmem:s2+$0x20] =	vst v2  }
0x1c1: {  	[tilespmem:s2+$0xFFFFFFC0] =	vst v0  }
0x1c2: {  	s6 =	simm.s32 $0x19F0;
	v0 =	vld [tilespmem:s30+$0x10]  }
0x1c3: {  	v3 =	vld [tilespmem:s6+$0x0]  }
0x1c4: {  	v5 =	vld [tilespmem:s6+$0xFFFFFFA0]  }
0x1c5: {  	v7 =	vld [tilespmem:s6+$0xFFFFFFB0]  }
0x1c6: {  	v4 =	vld [tilespmem:s6+$0xFFFFFFC0]  }
0x1c7: {  	v2 =	vld [tilespmem:s6+$0xFFFFFFD0]  }
0x1c8: {  	v1 =	vld [tilespmem:s6+$0xFFFFFFE0];
	v8 =	vadd.f32 v3, v0  }
0x1c9: {  	s2 =	simm.s32 $0x99F0;
	v3 =	vld [tilespmem:s6+$0xFFFFFFF0];
	v6 =	vadd.f32 v5, v0  }
0x1ca: {  	s0 =	simm.s32 $0x0;
	v5 =	vld [tilespmem:s6+$0xFFFFFF90];
	v7 =	vadd.f32 v7, v0;
	s6 =	simm.s32 $0x1DF0;
	[tilespmem:s2+$0x0] =	vst v8  }
.LBB2_37:
0x1cb: {  	v8 =	vld [tilespmem:s6+$0x0];
	s0 =	sadd.s32 $0x80, s0;
	[tilespmem:s2+$0xFFFFFFA0] =	vst v6;
	v4 =	vadd.f32 v4, v0  }
0x1cc: {  	v6 =	vld [tilespmem:s6+$0xFFFFFFA0];
	p0 =	slt.u32 s0, $0x780;
	[tilespmem:s2+$0xFFFFFFB0] =	vst v7;
	v2 =	vadd.f32 v2, v0  }
0x1cd: {  	v7 =	vld [tilespmem:s6+$0xFFFFFFB0];
	[tilespmem:s2+$0xFFFFFFC0] =	vst v4;
	v1 =	vadd.f32 v1, v0  }
.Ltmp17:
0x1ce: {  	v4 =	vld [tilespmem:s6+$0xFFFFFFC0];
	[tilespmem:s2+$0xFFFFFFD0] =	vst v2;
	v3 =	vadd.f32 v3, v0;
	(pc) =	sbr.rel @p0 .LBB2_37-.Ltmp17, $4  }
0x1cf: {  	v2 =	vld [tilespmem:s6+$0xFFFFFFD0];
	v5 =	vadd.f32 v5, v0;
	[tilespmem:s2+$0xFFFFFFE0] =	vst v1  }
0x1d0: {  	v1 =	vld [tilespmem:s6+$0xFFFFFFE0];
	v8 =	vadd.f32 v8, v0;
	[tilespmem:s2+$0xFFFFFFF0] =	vst v3  }
0x1d1: {  	v6 =	vadd.f32 v6, v0;
	v3 =	vld [tilespmem:s6+$0xFFFFFFF0];
	[tilespmem:s2+$0xFFFFFF90] =	vst v5;
	s2 =	sadd.s32 $0x400, s2  }
0x1d2: {  	v5 =	vld [tilespmem:s6+$0xFFFFFF90];
	v7 =	vadd.f32 v7, v0;
	[tilespmem:s2+$0x0] =	vst v8;
	s6 =	sadd.s32 $0x400, s6  }
0x1d3: {  	[tilespmem:s2+$0xFFFFFFA0] =	vst v6;
	v4 =	vadd.f32 v4, v0  }
0x1d4: {  	[tilespmem:s2+$0xFFFFFFB0] =	vst v7;
	v2 =	vadd.f32 v2, v0  }
0x1d5: {  	[tilespmem:s2+$0xFFFFFFC0] =	vst v4;
	v1 =	vadd.f32 v1, v0  }
0x1d6: {  	[tilespmem:s2+$0xFFFFFFD0] =	vst v2;
	v2 =	vadd.f32 v3, v0  }
0x1d7: {  	v0 =	vadd.f32 v5, v0;
	[tilespmem:s2+$0xFFFFFFE0] =	vst v1  }
0x1d8: {  	[tilespmem:s2+$0xFFFFFFF0] =	vst v2  }
0x1d9: {  	[tilespmem:s2+$0xFFFFFF90] =	vst v0  }
0x1da: {  	s6 =	simm.s32 $0x1A70;
	v0 =	vld [tilespmem:s30+$0x20]  }
0x1db: {  	v3 =	vld [tilespmem:s6+$0x0]  }
0x1dc: {  	v5 =	vld [tilespmem:s6+$0xFFFFFFA0]  }
0x1dd: {  	v7 =	vld [tilespmem:s6+$0xFFFFFFB0]  }
0x1de: {  	v4 =	vld [tilespmem:s6+$0xFFFFFFC0]  }
0x1df: {  	v2 =	vld [tilespmem:s6+$0xFFFFFFD0]  }
0x1e0: {  	v1 =	vld [tilespmem:s6+$0xFFFFFFE0];
	v8 =	vadd.f32 v3, v0  }
0x1e1: {  	s2 =	simm.s32 $0x9A70;
	v3 =	vld [tilespmem:s6+$0xFFFFFFF0];
	v6 =	vadd.f32 v5, v0  }
0x1e2: {  	s0 =	simm.s32 $0x0;
	v5 =	vld [tilespmem:s6+$0xFFFFFF90];
	v7 =	vadd.f32 v7, v0;
	s6 =	simm.s32 $0x1E70;
	[tilespmem:s2+$0x0] =	vst v8  }
.LBB2_39:
0x1e3: {  	v8 =	vld [tilespmem:s6+$0x0];
	s0 =	sadd.s32 $0x80, s0;
	[tilespmem:s2+$0xFFFFFFA0] =	vst v6;
	v4 =	vadd.f32 v4, v0  }
0x1e4: {  	v6 =	vld [tilespmem:s6+$0xFFFFFFA0];
	p0 =	slt.u32 s0, $0x780;
	[tilespmem:s2+$0xFFFFFFB0] =	vst v7;
	v2 =	vadd.f32 v2, v0  }
0x1e5: {  	v7 =	vld [tilespmem:s6+$0xFFFFFFB0];
	[tilespmem:s2+$0xFFFFFFC0] =	vst v4;
	v1 =	vadd.f32 v1, v0  }
.Ltmp18:
0x1e6: {  	v4 =	vld [tilespmem:s6+$0xFFFFFFC0];
	[tilespmem:s2+$0xFFFFFFD0] =	vst v2;
	v3 =	vadd.f32 v3, v0;
	(pc) =	sbr.rel @p0 .LBB2_39-.Ltmp18, $4  }
0x1e7: {  	v2 =	vld [tilespmem:s6+$0xFFFFFFD0];
	v5 =	vadd.f32 v5, v0;
	[tilespmem:s2+$0xFFFFFFE0] =	vst v1  }
0x1e8: {  	v1 =	vld [tilespmem:s6+$0xFFFFFFE0];
	v8 =	vadd.f32 v8, v0;
	[tilespmem:s2+$0xFFFFFFF0] =	vst v3  }
0x1e9: {  	v6 =	vadd.f32 v6, v0;
	v3 =	vld [tilespmem:s6+$0xFFFFFFF0];
	[tilespmem:s2+$0xFFFFFF90] =	vst v5;
	s2 =	sadd.s32 $0x400, s2  }
0x1ea: {  	v5 =	vld [tilespmem:s6+$0xFFFFFF90];
	v7 =	vadd.f32 v7, v0;
	[tilespmem:s2+$0x0] =	vst v8;
	s6 =	sadd.s32 $0x400, s6  }
0x1eb: {  	[tilespmem:s2+$0xFFFFFFA0] =	vst v6;
	v4 =	vadd.f32 v4, v0  }
0x1ec: {  	[tilespmem:s2+$0xFFFFFFB0] =	vst v7;
	v2 =	vadd.f32 v2, v0  }
0x1ed: {  	[tilespmem:s2+$0xFFFFFFC0] =	vst v4;
	v1 =	vadd.f32 v1, v0  }
0x1ee: {  	[tilespmem:s2+$0xFFFFFFD0] =	vst v2;
	v2 =	vadd.f32 v3, v0  }
0x1ef: {  	v0 =	vadd.f32 v5, v0;
	[tilespmem:s2+$0xFFFFFFE0] =	vst v1  }
0x1f0: {  	[tilespmem:s2+$0xFFFFFFF0] =	vst v2  }
0x1f1: {  	[tilespmem:s2+$0xFFFFFF90] =	vst v0  }
0x1f2: {  	s6 =	simm.s32 $0x1AF0;
	v0 =	vld [tilespmem:s30+$0x30]  }
0x1f3: {  	v3 =	vld [tilespmem:s6+$0x0]  }
0x1f4: {  	v5 =	vld [tilespmem:s6+$0xFFFFFFA0]  }
0x1f5: {  	v7 =	vld [tilespmem:s6+$0xFFFFFFB0]  }
0x1f6: {  	v4 =	vld [tilespmem:s6+$0xFFFFFFC0]  }
0x1f7: {  	v2 =	vld [tilespmem:s6+$0xFFFFFFD0]  }
0x1f8: {  	v1 =	vld [tilespmem:s6+$0xFFFFFFE0];
	v8 =	vadd.f32 v3, v0  }
0x1f9: {  	s2 =	simm.s32 $0x9AF0;
	v3 =	vld [tilespmem:s6+$0xFFFFFFF0];
	v6 =	vadd.f32 v5, v0  }
0x1fa: {  	s0 =	simm.s32 $0x0;
	v5 =	vld [tilespmem:s6+$0xFFFFFF90];
	v7 =	vadd.f32 v7, v0;
	s6 =	simm.s32 $0x1EF0;
	[tilespmem:s2+$0x0] =	vst v8  }
.LBB2_41:
0x1fb: {  	v8 =	vld [tilespmem:s6+$0x0];
	s0 =	sadd.s32 $0x80, s0;
	[tilespmem:s2+$0xFFFFFFA0] =	vst v6;
	v4 =	vadd.f32 v4, v0  }
0x1fc: {  	v6 =	vld [tilespmem:s6+$0xFFFFFFA0];
	p0 =	slt.u32 s0, $0x780;
	[tilespmem:s2+$0xFFFFFFB0] =	vst v7;
	v2 =	vadd.f32 v2, v0  }
0x1fd: {  	v7 =	vld [tilespmem:s6+$0xFFFFFFB0];
	[tilespmem:s2+$0xFFFFFFC0] =	vst v4;
	v1 =	vadd.f32 v1, v0  }
.Ltmp19:
0x1fe: {  	v4 =	vld [tilespmem:s6+$0xFFFFFFC0];
	[tilespmem:s2+$0xFFFFFFD0] =	vst v2;
	v3 =	vadd.f32 v3, v0;
	(pc) =	sbr.rel @p0 .LBB2_41-.Ltmp19, $4  }
0x1ff: {  	v2 =	vld [tilespmem:s6+$0xFFFFFFD0];
	v5 =	vadd.f32 v5, v0;
	[tilespmem:s2+$0xFFFFFFE0] =	vst v1  }
0x200: {  	v1 =	vld [tilespmem:s6+$0xFFFFFFE0];
	v8 =	vadd.f32 v8, v0;
	[tilespmem:s2+$0xFFFFFFF0] =	vst v3  }
0x201: {  	v6 =	vadd.f32 v6, v0;
	v3 =	vld [tilespmem:s6+$0xFFFFFFF0];
	[tilespmem:s2+$0xFFFFFF90] =	vst v5;
	s2 =	sadd.s32 $0x400, s2  }
0x202: {  	v5 =	vld [tilespmem:s6+$0xFFFFFF90];
	v7 =	vadd.f32 v7, v0;
	[tilespmem:s2+$0x0] =	vst v8;
	s6 =	sadd.s32 $0x400, s6  }
0x203: {  	[tilespmem:s2+$0xFFFFFFA0] =	vst v6;
	v4 =	vadd.f32 v4, v0  }
0x204: {  	[tilespmem:s2+$0xFFFFFFB0] =	vst v7;
	v2 =	vadd.f32 v2, v0  }
0x205: {  	[tilespmem:s2+$0xFFFFFFC0] =	vst v4;
	v1 =	vadd.f32 v1, v0  }
0x206: {  	[tilespmem:s2+$0xFFFFFFD0] =	vst v2;
	v2 =	vadd.f32 v3, v0  }
0x207: {  	v0 =	vadd.f32 v5, v0;
	[tilespmem:s2+$0xFFFFFFE0] =	vst v1  }
0x208: {  	[tilespmem:s2+$0xFFFFFFF0] =	vst v2  }
0x209: {  	[tilespmem:s2+$0xFFFFFF90] =	vst v0  }
0x20a: {  	s6 =	simm.s32 $0x1B70;
	v0 =	vld [tilespmem:s30+$0x40]  }
0x20b: {  	v3 =	vld [tilespmem:s6+$0x0]  }
0x20c: {  	v5 =	vld [tilespmem:s6+$0xFFFFFFA0]  }
0x20d: {  	v7 =	vld [tilespmem:s6+$0xFFFFFFB0]  }
0x20e: {  	v4 =	vld [tilespmem:s6+$0xFFFFFFC0]  }
0x20f: {  	v2 =	vld [tilespmem:s6+$0xFFFFFFD0]  }
0x210: {  	v1 =	vld [tilespmem:s6+$0xFFFFFFE0];
	v8 =	vadd.f32 v3, v0  }
0x211: {  	s2 =	simm.s32 $0x9B70;
	v3 =	vld [tilespmem:s6+$0xFFFFFFF0];
	v6 =	vadd.f32 v5, v0  }
0x212: {  	s0 =	simm.s32 $0x0;
	v5 =	vld [tilespmem:s6+$0xFFFFFF90];
	v7 =	vadd.f32 v7, v0;
	s6 =	simm.s32 $0x1F70;
	[tilespmem:s2+$0x0] =	vst v8  }
.LBB2_43:
0x213: {  	v8 =	vld [tilespmem:s6+$0x0];
	s0 =	sadd.s32 $0x80, s0;
	[tilespmem:s2+$0xFFFFFFA0] =	vst v6;
	v4 =	vadd.f32 v4, v0  }
0x214: {  	v6 =	vld [tilespmem:s6+$0xFFFFFFA0];
	p0 =	slt.u32 s0, $0x780;
	[tilespmem:s2+$0xFFFFFFB0] =	vst v7;
	v2 =	vadd.f32 v2, v0  }
0x215: {  	v7 =	vld [tilespmem:s6+$0xFFFFFFB0];
	[tilespmem:s2+$0xFFFFFFC0] =	vst v4;
	v1 =	vadd.f32 v1, v0  }
.Ltmp20:
0x216: {  	v4 =	vld [tilespmem:s6+$0xFFFFFFC0];
	[tilespmem:s2+$0xFFFFFFD0] =	vst v2;
	v3 =	vadd.f32 v3, v0;
	(pc) =	sbr.rel @p0 .LBB2_43-.Ltmp20, $4  }
0x217: {  	v2 =	vld [tilespmem:s6+$0xFFFFFFD0];
	v5 =	vadd.f32 v5, v0;
	[tilespmem:s2+$0xFFFFFFE0] =	vst v1  }
0x218: {  	v1 =	vld [tilespmem:s6+$0xFFFFFFE0];
	v8 =	vadd.f32 v8, v0;
	[tilespmem:s2+$0xFFFFFFF0] =	vst v3  }
0x219: {  	v6 =	vadd.f32 v6, v0;
	v3 =	vld [tilespmem:s6+$0xFFFFFFF0];
	[tilespmem:s2+$0xFFFFFF90] =	vst v5;
	s2 =	sadd.s32 $0x400, s2  }
0x21a: {  	v5 =	vld [tilespmem:s6+$0xFFFFFF90];
	v7 =	vadd.f32 v7, v0;
	[tilespmem:s2+$0x0] =	vst v8;
	s6 =	sadd.s32 $0x400, s6  }
0x21b: {  	[tilespmem:s2+$0xFFFFFFA0] =	vst v6;
	v4 =	vadd.f32 v4, v0  }
0x21c: {  	[tilespmem:s2+$0xFFFFFFB0] =	vst v7;
	v2 =	vadd.f32 v2, v0  }
0x21d: {  	[tilespmem:s2+$0xFFFFFFC0] =	vst v4;
	v1 =	vadd.f32 v1, v0  }
0x21e: {  	[tilespmem:s2+$0xFFFFFFD0] =	vst v2;
	v2 =	vadd.f32 v3, v0  }
0x21f: {  	v0 =	vadd.f32 v5, v0;
	[tilespmem:s2+$0xFFFFFFE0] =	vst v1  }
0x220: {  	[tilespmem:s2+$0xFFFFFFF0] =	vst v2  }
0x221: {  	[tilespmem:s2+$0xFFFFFF90] =	vst v0  }
0x222: {  	s6 =	simm.s32 $0x1BF0;
	v0 =	vld [tilespmem:s30+$0x50]  }
0x223: {  	v3 =	vld [tilespmem:s6+$0x0]  }
0x224: {  	v5 =	vld [tilespmem:s6+$0xFFFFFFA0]  }
0x225: {  	v7 =	vld [tilespmem:s6+$0xFFFFFFB0]  }
0x226: {  	v4 =	vld [tilespmem:s6+$0xFFFFFFC0]  }
0x227: {  	v2 =	vld [tilespmem:s6+$0xFFFFFFD0]  }
0x228: {  	v1 =	vld [tilespmem:s6+$0xFFFFFFE0];
	v8 =	vadd.f32 v3, v0  }
0x229: {  	s2 =	simm.s32 $0x9BF0;
	v3 =	vld [tilespmem:s6+$0xFFFFFFF0];
	v6 =	vadd.f32 v5, v0  }
0x22a: {  	s0 =	simm.s32 $0x0;
	v5 =	vld [tilespmem:s6+$0xFFFFFF90];
	v7 =	vadd.f32 v7, v0;
	s6 =	simm.s32 $0x1FF0;
	[tilespmem:s2+$0x0] =	vst v8  }
.LBB2_45:
0x22b: {  	v8 =	vld [tilespmem:s6+$0x0];
	s0 =	sadd.s32 $0x80, s0;
	[tilespmem:s2+$0xFFFFFFA0] =	vst v6;
	v4 =	vadd.f32 v4, v0  }
0x22c: {  	v6 =	vld [tilespmem:s6+$0xFFFFFFA0];
	p0 =	slt.u32 s0, $0x780;
	[tilespmem:s2+$0xFFFFFFB0] =	vst v7;
	v2 =	vadd.f32 v2, v0  }
0x22d: {  	v7 =	vld [tilespmem:s6+$0xFFFFFFB0];
	[tilespmem:s2+$0xFFFFFFC0] =	vst v4;
	v1 =	vadd.f32 v1, v0  }
.Ltmp21:
0x22e: {  	v4 =	vld [tilespmem:s6+$0xFFFFFFC0];
	[tilespmem:s2+$0xFFFFFFD0] =	vst v2;
	v3 =	vadd.f32 v3, v0;
	(pc) =	sbr.rel @p0 .LBB2_45-.Ltmp21, $4  }
0x22f: {  	v2 =	vld [tilespmem:s6+$0xFFFFFFD0];
	v5 =	vadd.f32 v5, v0;
	[tilespmem:s2+$0xFFFFFFE0] =	vst v1  }
0x230: {  	v1 =	vld [tilespmem:s6+$0xFFFFFFE0];
	v8 =	vadd.f32 v8, v0;
	[tilespmem:s2+$0xFFFFFFF0] =	vst v3  }
0x231: {  	v6 =	vadd.f32 v6, v0;
	v3 =	vld [tilespmem:s6+$0xFFFFFFF0];
	[tilespmem:s2+$0xFFFFFF90] =	vst v5;
	s2 =	sadd.s32 $0x400, s2  }
0x232: {  	v5 =	vld [tilespmem:s6+$0xFFFFFF90];
	v7 =	vadd.f32 v7, v0;
	[tilespmem:s2+$0x0] =	vst v8;
	s6 =	sadd.s32 $0x400, s6  }
0x233: {  	[tilespmem:s2+$0xFFFFFFA0] =	vst v6;
	v4 =	vadd.f32 v4, v0  }
0x234: {  	[tilespmem:s2+$0xFFFFFFB0] =	vst v7;
	v2 =	vadd.f32 v2, v0  }
0x235: {  	[tilespmem:s2+$0xFFFFFFC0] =	vst v4;
	v1 =	vadd.f32 v1, v0  }
0x236: {  	[tilespmem:s2+$0xFFFFFFD0] =	vst v2;
	v2 =	vadd.f32 v3, v0  }
0x237: {  	v0 =	vadd.f32 v5, v0;
	[tilespmem:s2+$0xFFFFFFE0] =	vst v1  }
0x238: {  	[tilespmem:s2+$0xFFFFFFF0] =	vst v2  }
0x239: {  	[tilespmem:s2+$0xFFFFFF90] =	vst v0  }
0x23a: {  	s6 =	simm.s32 $0x1C70;
	v0 =	vld [tilespmem:s30+$0x60]  }
0x23b: {  	v3 =	vld [tilespmem:s6+$0x0]  }
0x23c: {  	v5 =	vld [tilespmem:s6+$0xFFFFFFA0]  }
0x23d: {  	v7 =	vld [tilespmem:s6+$0xFFFFFFB0]  }
0x23e: {  	v4 =	vld [tilespmem:s6+$0xFFFFFFC0]  }
0x23f: {  	v2 =	vld [tilespmem:s6+$0xFFFFFFD0]  }
0x240: {  	v1 =	vld [tilespmem:s6+$0xFFFFFFE0];
	v8 =	vadd.f32 v3, v0  }
0x241: {  	s2 =	simm.s32 $0x9C70;
	v3 =	vld [tilespmem:s6+$0xFFFFFFF0];
	v6 =	vadd.f32 v5, v0  }
0x242: {  	s0 =	simm.s32 $0x0;
	v5 =	vld [tilespmem:s6+$0xFFFFFF90];
	v7 =	vadd.f32 v7, v0;
	s6 =	simm.s32 $0x2070;
	[tilespmem:s2+$0x0] =	vst v8  }
.LBB2_47:
0x243: {  	v8 =	vld [tilespmem:s6+$0x0];
	s0 =	sadd.s32 $0x80, s0;
	[tilespmem:s2+$0xFFFFFFA0] =	vst v6;
	v4 =	vadd.f32 v4, v0  }
0x244: {  	v6 =	vld [tilespmem:s6+$0xFFFFFFA0];
	p0 =	slt.u32 s0, $0x780;
	[tilespmem:s2+$0xFFFFFFB0] =	vst v7;
	v2 =	vadd.f32 v2, v0  }
0x245: {  	v7 =	vld [tilespmem:s6+$0xFFFFFFB0];
	[tilespmem:s2+$0xFFFFFFC0] =	vst v4;
	v1 =	vadd.f32 v1, v0  }
.Ltmp22:
0x246: {  	v4 =	vld [tilespmem:s6+$0xFFFFFFC0];
	[tilespmem:s2+$0xFFFFFFD0] =	vst v2;
	v3 =	vadd.f32 v3, v0;
	(pc) =	sbr.rel @p0 .LBB2_47-.Ltmp22, $4  }
0x247: {  	v2 =	vld [tilespmem:s6+$0xFFFFFFD0];
	v5 =	vadd.f32 v5, v0;
	[tilespmem:s2+$0xFFFFFFE0] =	vst v1  }
0x248: {  	v1 =	vld [tilespmem:s6+$0xFFFFFFE0];
	v8 =	vadd.f32 v8, v0;
	[tilespmem:s2+$0xFFFFFFF0] =	vst v3  }
0x249: {  	v6 =	vadd.f32 v6, v0;
	v3 =	vld [tilespmem:s6+$0xFFFFFFF0];
	[tilespmem:s2+$0xFFFFFF90] =	vst v5;
	s2 =	sadd.s32 $0x400, s2  }
0x24a: {  	v5 =	vld [tilespmem:s6+$0xFFFFFF90];
	v7 =	vadd.f32 v7, v0;
	[tilespmem:s2+$0x0] =	vst v8;
	s6 =	sadd.s32 $0x400, s6  }
0x24b: {  	[tilespmem:s2+$0xFFFFFFA0] =	vst v6;
	v4 =	vadd.f32 v4, v0  }
0x24c: {  	[tilespmem:s2+$0xFFFFFFB0] =	vst v7;
	v2 =	vadd.f32 v2, v0  }
0x24d: {  	[tilespmem:s2+$0xFFFFFFC0] =	vst v4;
	v1 =	vadd.f32 v1, v0  }
0x24e: {  	[tilespmem:s2+$0xFFFFFFD0] =	vst v2;
	v2 =	vadd.f32 v3, v0  }
0x24f: {  	v0 =	vadd.f32 v5, v0;
	[tilespmem:s2+$0xFFFFFFE0] =	vst v1  }
0x250: {  	[tilespmem:s2+$0xFFFFFFF0] =	vst v2  }
0x251: {  	[tilespmem:s2+$0xFFFFFF90] =	vst v0  }
0x252: {  	s6 =	simm.s32 $0x1CF0;
	v0 =	vld [tilespmem:s30+$0x70]  }
0x253: {  	v3 =	vld [tilespmem:s6+$0x0]  }
0x254: {  	v5 =	vld [tilespmem:s6+$0xFFFFFFA0]  }
0x255: {  	v7 =	vld [tilespmem:s6+$0xFFFFFFB0]  }
0x256: {  	v4 =	vld [tilespmem:s6+$0xFFFFFFC0]  }
0x257: {  	v2 =	vld [tilespmem:s6+$0xFFFFFFD0]  }
0x258: {  	v1 =	vld [tilespmem:s6+$0xFFFFFFE0];
	v8 =	vadd.f32 v3, v0  }
0x259: {  	s2 =	simm.s32 $0x9CF0;
	v3 =	vld [tilespmem:s6+$0xFFFFFFF0];
	v6 =	vadd.f32 v5, v0  }
0x25a: {  	s0 =	simm.s32 $0x0;
	v5 =	vld [tilespmem:s6+$0xFFFFFF90];
	v7 =	vadd.f32 v7, v0;
	s6 =	simm.s32 $0x20F0;
	[tilespmem:s2+$0x0] =	vst v8  }
.LBB2_49:
0x25b: {  	v8 =	vld [tilespmem:s6+$0x0];
	s0 =	sadd.s32 $0x80, s0;
	[tilespmem:s2+$0xFFFFFFA0] =	vst v6;
	v4 =	vadd.f32 v4, v0  }
0x25c: {  	v6 =	vld [tilespmem:s6+$0xFFFFFFA0];
	p0 =	slt.u32 s0, $0x780;
	[tilespmem:s2+$0xFFFFFFB0] =	vst v7;
	v2 =	vadd.f32 v2, v0  }
0x25d: {  	v7 =	vld [tilespmem:s6+$0xFFFFFFB0];
	[tilespmem:s2+$0xFFFFFFC0] =	vst v4;
	v1 =	vadd.f32 v1, v0  }
.Ltmp23:
0x25e: {  	v4 =	vld [tilespmem:s6+$0xFFFFFFC0];
	[tilespmem:s2+$0xFFFFFFD0] =	vst v2;
	v3 =	vadd.f32 v3, v0;
	(pc) =	sbr.rel @p0 .LBB2_49-.Ltmp23, $4  }
0x25f: {  	v2 =	vld [tilespmem:s6+$0xFFFFFFD0];
	v5 =	vadd.f32 v5, v0;
	[tilespmem:s2+$0xFFFFFFE0] =	vst v1  }
0x260: {  	v1 =	vld [tilespmem:s6+$0xFFFFFFE0];
	v8 =	vadd.f32 v8, v0;
	[tilespmem:s2+$0xFFFFFFF0] =	vst v3  }
0x261: {  	v6 =	vadd.f32 v6, v0;
	v3 =	vld [tilespmem:s6+$0xFFFFFFF0];
	[tilespmem:s2+$0xFFFFFF90] =	vst v5;
	s2 =	sadd.s32 $0x400, s2  }
0x262: {  	v5 =	vld [tilespmem:s6+$0xFFFFFF90];
	v7 =	vadd.f32 v7, v0;
	[tilespmem:s2+$0x0] =	vst v8;
	s6 =	sadd.s32 $0x400, s6  }
0x263: {  	[tilespmem:s2+$0xFFFFFFA0] =	vst v6;
	v4 =	vadd.f32 v4, v0  }
0x264: {  	[tilespmem:s2+$0xFFFFFFB0] =	vst v7;
	v2 =	vadd.f32 v2, v0  }
0x265: {  	[tilespmem:s2+$0xFFFFFFC0] =	vst v4;
	v1 =	vadd.f32 v1, v0  }
0x266: {  	s0 =	sadd.s32 s5, s29;
	[tilespmem:s2+$0xFFFFFFD0] =	vst v2;
	v2 =	vadd.f32 v3, v0  }
0x267: {  	s0 =	sshll.u32 s0, $0xC;
	v0 =	vadd.f32 v5, v0;
	[tilespmem:s2+$0xFFFFFFE0] =	vst v1  }
0x268: {  	s29 =	sadd.s32 $0x1, s29;
	s31 =	sand.u32 $0x1FFFF000, s0;
	[tilespmem:s2+$0xFFFFFFF0] =	vst v2  }
0x269: {  	s8 =	sadd.s32 s5, s29;
	s0 =	sadd.s32 s3, s31;
	[tilespmem:s2+$0xFFFFFF90] =	vst v0  }
0x26a: {  	[hbm4b:s0+s4] =	stream.linear.scatter [tilespmem:s22], [sflag:$0x3], $0x4000, $0x38;
	[tilespmem:$0x11900] =	vst v63  }
0x26b: {  	s0 =	sshll.u32 s8, $0xC  }
0x26c: {  	s2 =	sand.u32 $0x1FFFF000, s0  }
0x26d: {  	s0 =	sadd.s32 s1, s2  }
0x26e: {  	[tilespmem:s19], [sflag:$0x1] =	stream.linear.gather [hbm4b:s0+s4], $0x4000, $0x38;
	[tilespmem:$0x11900] =	vst v63  }
0x26f: {  	_ =	swait.ge [sflag:s23], $0x4000  }
0x270: {  	[sflag:s23] =	ssyncset.done $0x0  }
0x271: {  	[sflag:s23] =	ssyncadd.s32 $0xFFFFC000  }
0x272: {  	_ =	swait.ge [sflag:s26], $0x4000  }
0x273: {  	[sflag:s26] =	ssyncset.done $0x0  }
0x274: {  	[sflag:s26] =	ssyncadd.s32 $0xFFFFC000  }
0x275: {  	s8 =	simm.s32 $0x5940;
	v0 =	vld [tilespmem:s30+$0x0]  }
0x276: {  	v3 =	vld [tilespmem:s8+$0x30]  }
0x277: {  	v5 =	vld [tilespmem:s8+$0xFFFFFFD0]  }
0x278: {  	v7 =	vld [tilespmem:s8+$0xFFFFFFE0]  }
0x279: {  	v4 =	vld [tilespmem:s8+$0xFFFFFFF0]  }
0x27a: {  	v2 =	vld [tilespmem:s8+$0x0]  }
0x27b: {  	v1 =	vld [tilespmem:s8+$0x10];
	v8 =	vadd.f32 v3, v0  }
0x27c: {  	s0 =	simm.s32 $0xD940;
	v3 =	vld [tilespmem:s8+$0x20];
	v6 =	vadd.f32 v5, v0  }
0x27d: {  	s6 =	simm.s32 $0x0;
	v5 =	vld [tilespmem:s8+$0xFFFFFFC0];
	v7 =	vadd.f32 v7, v0;
	s8 =	simm.s32 $0x5D40;
	[tilespmem:s0+$0x30] =	vst v8  }
.LBB2_51:
0x27e: {  	v8 =	vld [tilespmem:s8+$0x30];
	s6 =	sadd.s32 $0x80, s6;
	[tilespmem:s0+$0xFFFFFFD0] =	vst v6;
	v4 =	vadd.f32 v4, v0  }
0x27f: {  	v6 =	vld [tilespmem:s8+$0xFFFFFFD0];
	p0 =	slt.u32 s6, $0x780;
	[tilespmem:s0+$0xFFFFFFE0] =	vst v7;
	v2 =	vadd.f32 v2, v0  }
0x280: {  	v7 =	vld [tilespmem:s8+$0xFFFFFFE0];
	[tilespmem:s0+$0xFFFFFFF0] =	vst v4;
	v1 =	vadd.f32 v1, v0  }
.Ltmp24:
0x281: {  	v4 =	vld [tilespmem:s8+$0xFFFFFFF0];
	[tilespmem:s0+$0x0] =	vst v2;
	v3 =	vadd.f32 v3, v0;
	(pc) =	sbr.rel @p0 .LBB2_51-.Ltmp24, $4  }
0x282: {  	v2 =	vld [tilespmem:s8+$0x0];
	v5 =	vadd.f32 v5, v0;
	[tilespmem:s0+$0x10] =	vst v1  }
0x283: {  	v1 =	vld [tilespmem:s8+$0x10];
	v8 =	vadd.f32 v8, v0;
	[tilespmem:s0+$0x20] =	vst v3  }
0x284: {  	v6 =	vadd.f32 v6, v0;
	v3 =	vld [tilespmem:s8+$0x20];
	[tilespmem:s0+$0xFFFFFFC0] =	vst v5;
	s0 =	sadd.s32 $0x400, s0  }
0x285: {  	v5 =	vld [tilespmem:s8+$0xFFFFFFC0];
	v7 =	vadd.f32 v7, v0;
	[tilespmem:s0+$0x30] =	vst v8;
	s8 =	sadd.s32 $0x400, s8  }
0x286: {  	[tilespmem:s0+$0xFFFFFFD0] =	vst v6;
	v4 =	vadd.f32 v4, v0  }
0x287: {  	[tilespmem:s0+$0xFFFFFFE0] =	vst v7;
	v2 =	vadd.f32 v2, v0  }
0x288: {  	[tilespmem:s0+$0xFFFFFFF0] =	vst v4;
	v1 =	vadd.f32 v1, v0  }
0x289: {  	[tilespmem:s0+$0x0] =	vst v2;
	v2 =	vadd.f32 v3, v0  }
0x28a: {  	v0 =	vadd.f32 v5, v0;
	[tilespmem:s0+$0x10] =	vst v1  }
0x28b: {  	[tilespmem:s0+$0x20] =	vst v2  }
0x28c: {  	[tilespmem:s0+$0xFFFFFFC0] =	vst v0  }
0x28d: {  	s8 =	simm.s32 $0x59F0;
	v0 =	vld [tilespmem:s30+$0x10]  }
0x28e: {  	v3 =	vld [tilespmem:s8+$0x0]  }
0x28f: {  	v5 =	vld [tilespmem:s8+$0xFFFFFFA0]  }
0x290: {  	v7 =	vld [tilespmem:s8+$0xFFFFFFB0]  }
0x291: {  	v4 =	vld [tilespmem:s8+$0xFFFFFFC0]  }
0x292: {  	v2 =	vld [tilespmem:s8+$0xFFFFFFD0]  }
0x293: {  	v1 =	vld [tilespmem:s8+$0xFFFFFFE0];
	v8 =	vadd.f32 v3, v0  }
0x294: {  	s0 =	simm.s32 $0xD9F0;
	v3 =	vld [tilespmem:s8+$0xFFFFFFF0];
	v6 =	vadd.f32 v5, v0  }
0x295: {  	s6 =	simm.s32 $0x0;
	v5 =	vld [tilespmem:s8+$0xFFFFFF90];
	v7 =	vadd.f32 v7, v0;
	s8 =	simm.s32 $0x5DF0;
	[tilespmem:s0+$0x0] =	vst v8  }
.LBB2_53:
0x296: {  	v8 =	vld [tilespmem:s8+$0x0];
	s6 =	sadd.s32 $0x80, s6;
	[tilespmem:s0+$0xFFFFFFA0] =	vst v6;
	v4 =	vadd.f32 v4, v0  }
0x297: {  	v6 =	vld [tilespmem:s8+$0xFFFFFFA0];
	p0 =	slt.u32 s6, $0x780;
	[tilespmem:s0+$0xFFFFFFB0] =	vst v7;
	v2 =	vadd.f32 v2, v0  }
0x298: {  	v7 =	vld [tilespmem:s8+$0xFFFFFFB0];
	[tilespmem:s0+$0xFFFFFFC0] =	vst v4;
	v1 =	vadd.f32 v1, v0  }
.Ltmp25:
0x299: {  	v4 =	vld [tilespmem:s8+$0xFFFFFFC0];
	[tilespmem:s0+$0xFFFFFFD0] =	vst v2;
	v3 =	vadd.f32 v3, v0;
	(pc) =	sbr.rel @p0 .LBB2_53-.Ltmp25, $4  }
0x29a: {  	v2 =	vld [tilespmem:s8+$0xFFFFFFD0];
	v5 =	vadd.f32 v5, v0;
	[tilespmem:s0+$0xFFFFFFE0] =	vst v1  }
0x29b: {  	v1 =	vld [tilespmem:s8+$0xFFFFFFE0];
	v8 =	vadd.f32 v8, v0;
	[tilespmem:s0+$0xFFFFFFF0] =	vst v3  }
0x29c: {  	v6 =	vadd.f32 v6, v0;
	v3 =	vld [tilespmem:s8+$0xFFFFFFF0];
	[tilespmem:s0+$0xFFFFFF90] =	vst v5;
	s0 =	sadd.s32 $0x400, s0  }
0x29d: {  	v5 =	vld [tilespmem:s8+$0xFFFFFF90];
	v7 =	vadd.f32 v7, v0;
	[tilespmem:s0+$0x0] =	vst v8;
	s8 =	sadd.s32 $0x400, s8  }
0x29e: {  	[tilespmem:s0+$0xFFFFFFA0] =	vst v6;
	v4 =	vadd.f32 v4, v0  }
0x29f: {  	[tilespmem:s0+$0xFFFFFFB0] =	vst v7;
	v2 =	vadd.f32 v2, v0  }
0x2a0: {  	[tilespmem:s0+$0xFFFFFFC0] =	vst v4;
	v1 =	vadd.f32 v1, v0  }
0x2a1: {  	[tilespmem:s0+$0xFFFFFFD0] =	vst v2;
	v2 =	vadd.f32 v3, v0  }
0x2a2: {  	v0 =	vadd.f32 v5, v0;
	[tilespmem:s0+$0xFFFFFFE0] =	vst v1  }
0x2a3: {  	[tilespmem:s0+$0xFFFFFFF0] =	vst v2  }
0x2a4: {  	[tilespmem:s0+$0xFFFFFF90] =	vst v0  }
0x2a5: {  	s8 =	simm.s32 $0x5A70;
	v0 =	vld [tilespmem:s30+$0x20]  }
0x2a6: {  	v3 =	vld [tilespmem:s8+$0x0]  }
0x2a7: {  	v5 =	vld [tilespmem:s8+$0xFFFFFFA0]  }
0x2a8: {  	v7 =	vld [tilespmem:s8+$0xFFFFFFB0]  }
0x2a9: {  	v4 =	vld [tilespmem:s8+$0xFFFFFFC0]  }
0x2aa: {  	v2 =	vld [tilespmem:s8+$0xFFFFFFD0]  }
0x2ab: {  	v1 =	vld [tilespmem:s8+$0xFFFFFFE0];
	v8 =	vadd.f32 v3, v0  }
0x2ac: {  	s0 =	simm.s32 $0xDA70;
	v3 =	vld [tilespmem:s8+$0xFFFFFFF0];
	v6 =	vadd.f32 v5, v0  }
0x2ad: {  	s6 =	simm.s32 $0x0;
	v5 =	vld [tilespmem:s8+$0xFFFFFF90];
	v7 =	vadd.f32 v7, v0;
	s8 =	simm.s32 $0x5E70;
	[tilespmem:s0+$0x0] =	vst v8  }
.LBB2_55:
0x2ae: {  	v8 =	vld [tilespmem:s8+$0x0];
	s6 =	sadd.s32 $0x80, s6;
	[tilespmem:s0+$0xFFFFFFA0] =	vst v6;
	v4 =	vadd.f32 v4, v0  }
0x2af: {  	v6 =	vld [tilespmem:s8+$0xFFFFFFA0];
	p0 =	slt.u32 s6, $0x780;
	[tilespmem:s0+$0xFFFFFFB0] =	vst v7;
	v2 =	vadd.f32 v2, v0  }
0x2b0: {  	v7 =	vld [tilespmem:s8+$0xFFFFFFB0];
	[tilespmem:s0+$0xFFFFFFC0] =	vst v4;
	v1 =	vadd.f32 v1, v0  }
.Ltmp26:
0x2b1: {  	v4 =	vld [tilespmem:s8+$0xFFFFFFC0];
	[tilespmem:s0+$0xFFFFFFD0] =	vst v2;
	v3 =	vadd.f32 v3, v0;
	(pc) =	sbr.rel @p0 .LBB2_55-.Ltmp26, $4  }
0x2b2: {  	v2 =	vld [tilespmem:s8+$0xFFFFFFD0];
	v5 =	vadd.f32 v5, v0;
	[tilespmem:s0+$0xFFFFFFE0] =	vst v1  }
0x2b3: {  	v1 =	vld [tilespmem:s8+$0xFFFFFFE0];
	v8 =	vadd.f32 v8, v0;
	[tilespmem:s0+$0xFFFFFFF0] =	vst v3  }
0x2b4: {  	v6 =	vadd.f32 v6, v0;
	v3 =	vld [tilespmem:s8+$0xFFFFFFF0];
	[tilespmem:s0+$0xFFFFFF90] =	vst v5;
	s0 =	sadd.s32 $0x400, s0  }
0x2b5: {  	v5 =	vld [tilespmem:s8+$0xFFFFFF90];
	v7 =	vadd.f32 v7, v0;
	[tilespmem:s0+$0x0] =	vst v8;
	s8 =	sadd.s32 $0x400, s8  }
0x2b6: {  	[tilespmem:s0+$0xFFFFFFA0] =	vst v6;
	v4 =	vadd.f32 v4, v0  }
0x2b7: {  	[tilespmem:s0+$0xFFFFFFB0] =	vst v7;
	v2 =	vadd.f32 v2, v0  }
0x2b8: {  	[tilespmem:s0+$0xFFFFFFC0] =	vst v4;
	v1 =	vadd.f32 v1, v0  }
0x2b9: {  	[tilespmem:s0+$0xFFFFFFD0] =	vst v2;
	v2 =	vadd.f32 v3, v0  }
0x2ba: {  	v0 =	vadd.f32 v5, v0;
	[tilespmem:s0+$0xFFFFFFE0] =	vst v1  }
0x2bb: {  	[tilespmem:s0+$0xFFFFFFF0] =	vst v2  }
0x2bc: {  	[tilespmem:s0+$0xFFFFFF90] =	vst v0  }
0x2bd: {  	s8 =	simm.s32 $0x5AF0;
	v0 =	vld [tilespmem:s30+$0x30]  }
0x2be: {  	v3 =	vld [tilespmem:s8+$0x0]  }
0x2bf: {  	v5 =	vld [tilespmem:s8+$0xFFFFFFA0]  }
0x2c0: {  	v7 =	vld [tilespmem:s8+$0xFFFFFFB0]  }
0x2c1: {  	v4 =	vld [tilespmem:s8+$0xFFFFFFC0]  }
0x2c2: {  	v2 =	vld [tilespmem:s8+$0xFFFFFFD0]  }
0x2c3: {  	v1 =	vld [tilespmem:s8+$0xFFFFFFE0];
	v8 =	vadd.f32 v3, v0  }
0x2c4: {  	s0 =	simm.s32 $0xDAF0;
	v3 =	vld [tilespmem:s8+$0xFFFFFFF0];
	v6 =	vadd.f32 v5, v0  }
0x2c5: {  	s6 =	simm.s32 $0x0;
	v5 =	vld [tilespmem:s8+$0xFFFFFF90];
	v7 =	vadd.f32 v7, v0;
	s8 =	simm.s32 $0x5EF0;
	[tilespmem:s0+$0x0] =	vst v8  }
.LBB2_57:
0x2c6: {  	v8 =	vld [tilespmem:s8+$0x0];
	s6 =	sadd.s32 $0x80, s6;
	[tilespmem:s0+$0xFFFFFFA0] =	vst v6;
	v4 =	vadd.f32 v4, v0  }
0x2c7: {  	v6 =	vld [tilespmem:s8+$0xFFFFFFA0];
	p0 =	slt.u32 s6, $0x780;
	[tilespmem:s0+$0xFFFFFFB0] =	vst v7;
	v2 =	vadd.f32 v2, v0  }
0x2c8: {  	v7 =	vld [tilespmem:s8+$0xFFFFFFB0];
	[tilespmem:s0+$0xFFFFFFC0] =	vst v4;
	v1 =	vadd.f32 v1, v0  }
.Ltmp27:
0x2c9: {  	v4 =	vld [tilespmem:s8+$0xFFFFFFC0];
	[tilespmem:s0+$0xFFFFFFD0] =	vst v2;
	v3 =	vadd.f32 v3, v0;
	(pc) =	sbr.rel @p0 .LBB2_57-.Ltmp27, $4  }
0x2ca: {  	v2 =	vld [tilespmem:s8+$0xFFFFFFD0];
	v5 =	vadd.f32 v5, v0;
	[tilespmem:s0+$0xFFFFFFE0] =	vst v1  }
0x2cb: {  	v1 =	vld [tilespmem:s8+$0xFFFFFFE0];
	v8 =	vadd.f32 v8, v0;
	[tilespmem:s0+$0xFFFFFFF0] =	vst v3  }
0x2cc: {  	v6 =	vadd.f32 v6, v0;
	v3 =	vld [tilespmem:s8+$0xFFFFFFF0];
	[tilespmem:s0+$0xFFFFFF90] =	vst v5;
	s0 =	sadd.s32 $0x400, s0  }
0x2cd: {  	v5 =	vld [tilespmem:s8+$0xFFFFFF90];
	v7 =	vadd.f32 v7, v0;
	[tilespmem:s0+$0x0] =	vst v8;
	s8 =	sadd.s32 $0x400, s8  }
0x2ce: {  	[tilespmem:s0+$0xFFFFFFA0] =	vst v6;
	v4 =	vadd.f32 v4, v0  }
0x2cf: {  	[tilespmem:s0+$0xFFFFFFB0] =	vst v7;
	v2 =	vadd.f32 v2, v0  }
0x2d0: {  	[tilespmem:s0+$0xFFFFFFC0] =	vst v4;
	v1 =	vadd.f32 v1, v0  }
0x2d1: {  	[tilespmem:s0+$0xFFFFFFD0] =	vst v2;
	v2 =	vadd.f32 v3, v0  }
0x2d2: {  	v0 =	vadd.f32 v5, v0;
	[tilespmem:s0+$0xFFFFFFE0] =	vst v1  }
0x2d3: {  	[tilespmem:s0+$0xFFFFFFF0] =	vst v2  }
0x2d4: {  	[tilespmem:s0+$0xFFFFFF90] =	vst v0  }
0x2d5: {  	s8 =	simm.s32 $0x5B70;
	v0 =	vld [tilespmem:s30+$0x40]  }
0x2d6: {  	v3 =	vld [tilespmem:s8+$0x0]  }
0x2d7: {  	v5 =	vld [tilespmem:s8+$0xFFFFFFA0]  }
0x2d8: {  	v7 =	vld [tilespmem:s8+$0xFFFFFFB0]  }
0x2d9: {  	v4 =	vld [tilespmem:s8+$0xFFFFFFC0]  }
0x2da: {  	v2 =	vld [tilespmem:s8+$0xFFFFFFD0]  }
0x2db: {  	v1 =	vld [tilespmem:s8+$0xFFFFFFE0];
	v8 =	vadd.f32 v3, v0  }
0x2dc: {  	s0 =	simm.s32 $0xDB70;
	v3 =	vld [tilespmem:s8+$0xFFFFFFF0];
	v6 =	vadd.f32 v5, v0  }
0x2dd: {  	s6 =	simm.s32 $0x0;
	v5 =	vld [tilespmem:s8+$0xFFFFFF90];
	v7 =	vadd.f32 v7, v0;
	s8 =	simm.s32 $0x5F70;
	[tilespmem:s0+$0x0] =	vst v8  }
.LBB2_59:
0x2de: {  	v8 =	vld [tilespmem:s8+$0x0];
	s6 =	sadd.s32 $0x80, s6;
	[tilespmem:s0+$0xFFFFFFA0] =	vst v6;
	v4 =	vadd.f32 v4, v0  }
0x2df: {  	v6 =	vld [tilespmem:s8+$0xFFFFFFA0];
	p0 =	slt.u32 s6, $0x780;
	[tilespmem:s0+$0xFFFFFFB0] =	vst v7;
	v2 =	vadd.f32 v2, v0  }
0x2e0: {  	v7 =	vld [tilespmem:s8+$0xFFFFFFB0];
	[tilespmem:s0+$0xFFFFFFC0] =	vst v4;
	v1 =	vadd.f32 v1, v0  }
.Ltmp28:
0x2e1: {  	v4 =	vld [tilespmem:s8+$0xFFFFFFC0];
	[tilespmem:s0+$0xFFFFFFD0] =	vst v2;
	v3 =	vadd.f32 v3, v0;
	(pc) =	sbr.rel @p0 .LBB2_59-.Ltmp28, $4  }
0x2e2: {  	v2 =	vld [tilespmem:s8+$0xFFFFFFD0];
	v5 =	vadd.f32 v5, v0;
	[tilespmem:s0+$0xFFFFFFE0] =	vst v1  }
0x2e3: {  	v1 =	vld [tilespmem:s8+$0xFFFFFFE0];
	v8 =	vadd.f32 v8, v0;
	[tilespmem:s0+$0xFFFFFFF0] =	vst v3  }
0x2e4: {  	v6 =	vadd.f32 v6, v0;
	v3 =	vld [tilespmem:s8+$0xFFFFFFF0];
	[tilespmem:s0+$0xFFFFFF90] =	vst v5;
	s0 =	sadd.s32 $0x400, s0  }
0x2e5: {  	v5 =	vld [tilespmem:s8+$0xFFFFFF90];
	v7 =	vadd.f32 v7, v0;
	[tilespmem:s0+$0x0] =	vst v8;
	s8 =	sadd.s32 $0x400, s8  }
0x2e6: {  	[tilespmem:s0+$0xFFFFFFA0] =	vst v6;
	v4 =	vadd.f32 v4, v0  }
0x2e7: {  	[tilespmem:s0+$0xFFFFFFB0] =	vst v7;
	v2 =	vadd.f32 v2, v0  }
0x2e8: {  	[tilespmem:s0+$0xFFFFFFC0] =	vst v4;
	v1 =	vadd.f32 v1, v0  }
0x2e9: {  	[tilespmem:s0+$0xFFFFFFD0] =	vst v2;
	v2 =	vadd.f32 v3, v0  }
0x2ea: {  	v0 =	vadd.f32 v5, v0;
	[tilespmem:s0+$0xFFFFFFE0] =	vst v1  }
0x2eb: {  	[tilespmem:s0+$0xFFFFFFF0] =	vst v2  }
0x2ec: {  	[tilespmem:s0+$0xFFFFFF90] =	vst v0  }
0x2ed: {  	s8 =	simm.s32 $0x5BF0;
	v0 =	vld [tilespmem:s30+$0x50]  }
0x2ee: {  	v3 =	vld [tilespmem:s8+$0x0]  }
0x2ef: {  	v5 =	vld [tilespmem:s8+$0xFFFFFFA0]  }
0x2f0: {  	v7 =	vld [tilespmem:s8+$0xFFFFFFB0]  }
0x2f1: {  	v4 =	vld [tilespmem:s8+$0xFFFFFFC0]  }
0x2f2: {  	v2 =	vld [tilespmem:s8+$0xFFFFFFD0]  }
0x2f3: {  	v1 =	vld [tilespmem:s8+$0xFFFFFFE0];
	v8 =	vadd.f32 v3, v0  }
0x2f4: {  	s0 =	simm.s32 $0xDBF0;
	v3 =	vld [tilespmem:s8+$0xFFFFFFF0];
	v6 =	vadd.f32 v5, v0  }
0x2f5: {  	s6 =	simm.s32 $0x0;
	v5 =	vld [tilespmem:s8+$0xFFFFFF90];
	v7 =	vadd.f32 v7, v0;
	s8 =	simm.s32 $0x5FF0;
	[tilespmem:s0+$0x0] =	vst v8  }
.LBB2_61:
0x2f6: {  	v8 =	vld [tilespmem:s8+$0x0];
	s6 =	sadd.s32 $0x80, s6;
	[tilespmem:s0+$0xFFFFFFA0] =	vst v6;
	v4 =	vadd.f32 v4, v0  }
0x2f7: {  	v6 =	vld [tilespmem:s8+$0xFFFFFFA0];
	p0 =	slt.u32 s6, $0x780;
	[tilespmem:s0+$0xFFFFFFB0] =	vst v7;
	v2 =	vadd.f32 v2, v0  }
0x2f8: {  	v7 =	vld [tilespmem:s8+$0xFFFFFFB0];
	[tilespmem:s0+$0xFFFFFFC0] =	vst v4;
	v1 =	vadd.f32 v1, v0  }
.Ltmp29:
0x2f9: {  	v4 =	vld [tilespmem:s8+$0xFFFFFFC0];
	[tilespmem:s0+$0xFFFFFFD0] =	vst v2;
	v3 =	vadd.f32 v3, v0;
	(pc) =	sbr.rel @p0 .LBB2_61-.Ltmp29, $4  }
0x2fa: {  	v2 =	vld [tilespmem:s8+$0xFFFFFFD0];
	v5 =	vadd.f32 v5, v0;
	[tilespmem:s0+$0xFFFFFFE0] =	vst v1  }
0x2fb: {  	v1 =	vld [tilespmem:s8+$0xFFFFFFE0];
	v8 =	vadd.f32 v8, v0;
	[tilespmem:s0+$0xFFFFFFF0] =	vst v3  }
0x2fc: {  	v6 =	vadd.f32 v6, v0;
	v3 =	vld [tilespmem:s8+$0xFFFFFFF0];
	[tilespmem:s0+$0xFFFFFF90] =	vst v5;
	s0 =	sadd.s32 $0x400, s0  }
0x2fd: {  	v5 =	vld [tilespmem:s8+$0xFFFFFF90];
	v7 =	vadd.f32 v7, v0;
	[tilespmem:s0+$0x0] =	vst v8;
	s8 =	sadd.s32 $0x400, s8  }
0x2fe: {  	[tilespmem:s0+$0xFFFFFFA0] =	vst v6;
	v4 =	vadd.f32 v4, v0  }
0x2ff: {  	[tilespmem:s0+$0xFFFFFFB0] =	vst v7;
	v2 =	vadd.f32 v2, v0  }
0x300: {  	[tilespmem:s0+$0xFFFFFFC0] =	vst v4;
	v1 =	vadd.f32 v1, v0  }
0x301: {  	[tilespmem:s0+$0xFFFFFFD0] =	vst v2;
	v2 =	vadd.f32 v3, v0  }
0x302: {  	v0 =	vadd.f32 v5, v0;
	[tilespmem:s0+$0xFFFFFFE0] =	vst v1  }
0x303: {  	[tilespmem:s0+$0xFFFFFFF0] =	vst v2  }
0x304: {  	[tilespmem:s0+$0xFFFFFF90] =	vst v0  }
0x305: {  	s8 =	simm.s32 $0x5C70;
	v0 =	vld [tilespmem:s30+$0x60]  }
0x306: {  	v3 =	vld [tilespmem:s8+$0x0]  }
0x307: {  	v5 =	vld [tilespmem:s8+$0xFFFFFFA0]  }
0x308: {  	v7 =	vld [tilespmem:s8+$0xFFFFFFB0]  }
0x309: {  	v4 =	vld [tilespmem:s8+$0xFFFFFFC0]  }
0x30a: {  	v2 =	vld [tilespmem:s8+$0xFFFFFFD0]  }
0x30b: {  	v1 =	vld [tilespmem:s8+$0xFFFFFFE0];
	v8 =	vadd.f32 v3, v0  }
0x30c: {  	s0 =	simm.s32 $0xDC70;
	v3 =	vld [tilespmem:s8+$0xFFFFFFF0];
	v6 =	vadd.f32 v5, v0  }
0x30d: {  	s6 =	simm.s32 $0x0;
	v5 =	vld [tilespmem:s8+$0xFFFFFF90];
	v7 =	vadd.f32 v7, v0;
	s8 =	simm.s32 $0x6070;
	[tilespmem:s0+$0x0] =	vst v8  }
.LBB2_63:
0x30e: {  	v8 =	vld [tilespmem:s8+$0x0];
	s6 =	sadd.s32 $0x80, s6;
	[tilespmem:s0+$0xFFFFFFA0] =	vst v6;
	v4 =	vadd.f32 v4, v0  }
0x30f: {  	v6 =	vld [tilespmem:s8+$0xFFFFFFA0];
	p0 =	slt.u32 s6, $0x780;
	[tilespmem:s0+$0xFFFFFFB0] =	vst v7;
	v2 =	vadd.f32 v2, v0  }
0x310: {  	v7 =	vld [tilespmem:s8+$0xFFFFFFB0];
	[tilespmem:s0+$0xFFFFFFC0] =	vst v4;
	v1 =	vadd.f32 v1, v0  }
.Ltmp30:
0x311: {  	v4 =	vld [tilespmem:s8+$0xFFFFFFC0];
	[tilespmem:s0+$0xFFFFFFD0] =	vst v2;
	v3 =	vadd.f32 v3, v0;
	(pc) =	sbr.rel @p0 .LBB2_63-.Ltmp30, $4  }
0x312: {  	v2 =	vld [tilespmem:s8+$0xFFFFFFD0];
	v5 =	vadd.f32 v5, v0;
	[tilespmem:s0+$0xFFFFFFE0] =	vst v1  }
0x313: {  	v1 =	vld [tilespmem:s8+$0xFFFFFFE0];
	v8 =	vadd.f32 v8, v0;
	[tilespmem:s0+$0xFFFFFFF0] =	vst v3  }
0x314: {  	v6 =	vadd.f32 v6, v0;
	v3 =	vld [tilespmem:s8+$0xFFFFFFF0];
	[tilespmem:s0+$0xFFFFFF90] =	vst v5;
	s0 =	sadd.s32 $0x400, s0  }
0x315: {  	v5 =	vld [tilespmem:s8+$0xFFFFFF90];
	v7 =	vadd.f32 v7, v0;
	[tilespmem:s0+$0x0] =	vst v8;
	s8 =	sadd.s32 $0x400, s8  }
0x316: {  	[tilespmem:s0+$0xFFFFFFA0] =	vst v6;
	v4 =	vadd.f32 v4, v0  }
0x317: {  	[tilespmem:s0+$0xFFFFFFB0] =	vst v7;
	v2 =	vadd.f32 v2, v0  }
0x318: {  	[tilespmem:s0+$0xFFFFFFC0] =	vst v4;
	v1 =	vadd.f32 v1, v0  }
0x319: {  	[tilespmem:s0+$0xFFFFFFD0] =	vst v2;
	v2 =	vadd.f32 v3, v0  }
0x31a: {  	v0 =	vadd.f32 v5, v0;
	[tilespmem:s0+$0xFFFFFFE0] =	vst v1  }
0x31b: {  	[tilespmem:s0+$0xFFFFFFF0] =	vst v2  }
0x31c: {  	[tilespmem:s0+$0xFFFFFF90] =	vst v0  }
0x31d: {  	s8 =	simm.s32 $0x5CF0;
	v0 =	vld [tilespmem:s30+$0x70]  }
0x31e: {  	v3 =	vld [tilespmem:s8+$0x0]  }
0x31f: {  	v5 =	vld [tilespmem:s8+$0xFFFFFFA0]  }
0x320: {  	v7 =	vld [tilespmem:s8+$0xFFFFFFB0]  }
0x321: {  	v4 =	vld [tilespmem:s8+$0xFFFFFFC0]  }
0x322: {  	v2 =	vld [tilespmem:s8+$0xFFFFFFD0]  }
0x323: {  	v1 =	vld [tilespmem:s8+$0xFFFFFFE0];
	v8 =	vadd.f32 v3, v0  }
0x324: {  	s0 =	simm.s32 $0xDCF0;
	v3 =	vld [tilespmem:s8+$0xFFFFFFF0];
	v6 =	vadd.f32 v5, v0  }
0x325: {  	s6 =	simm.s32 $0x0;
	v5 =	vld [tilespmem:s8+$0xFFFFFF90];
	v7 =	vadd.f32 v7, v0;
	s8 =	simm.s32 $0x60F0;
	[tilespmem:s0+$0x0] =	vst v8  }
.LBB2_65:
0x326: {  	v8 =	vld [tilespmem:s8+$0x0];
	s6 =	sadd.s32 $0x80, s6;
	[tilespmem:s0+$0xFFFFFFA0] =	vst v6;
	v4 =	vadd.f32 v4, v0  }
0x327: {  	v6 =	vld [tilespmem:s8+$0xFFFFFFA0];
	p0 =	slt.u32 s6, $0x780;
	[tilespmem:s0+$0xFFFFFFB0] =	vst v7;
	v2 =	vadd.f32 v2, v0  }
0x328: {  	v7 =	vld [tilespmem:s8+$0xFFFFFFB0];
	[tilespmem:s0+$0xFFFFFFC0] =	vst v4;
	v1 =	vadd.f32 v1, v0  }
.Ltmp31:
0x329: {  	v4 =	vld [tilespmem:s8+$0xFFFFFFC0];
	[tilespmem:s0+$0xFFFFFFD0] =	vst v2;
	v3 =	vadd.f32 v3, v0;
	(pc) =	sbr.rel @p0 .LBB2_65-.Ltmp31, $4  }
0x32a: {  	v2 =	vld [tilespmem:s8+$0xFFFFFFD0];
	v5 =	vadd.f32 v5, v0;
	[tilespmem:s0+$0xFFFFFFE0] =	vst v1  }
0x32b: {  	v1 =	vld [tilespmem:s8+$0xFFFFFFE0];
	v8 =	vadd.f32 v8, v0;
	[tilespmem:s0+$0xFFFFFFF0] =	vst v3  }
0x32c: {  	v6 =	vadd.f32 v6, v0;
	v3 =	vld [tilespmem:s8+$0xFFFFFFF0];
	[tilespmem:s0+$0xFFFFFF90] =	vst v5;
	s0 =	sadd.s32 $0x400, s0  }
0x32d: {  	v5 =	vld [tilespmem:s8+$0xFFFFFF90];
	v7 =	vadd.f32 v7, v0;
	[tilespmem:s0+$0x0] =	vst v8;
	s8 =	sadd.s32 $0x400, s8  }
0x32e: {  	[tilespmem:s0+$0xFFFFFFA0] =	vst v6;
	v4 =	vadd.f32 v4, v0  }
0x32f: {  	[tilespmem:s0+$0xFFFFFFB0] =	vst v7;
	v2 =	vadd.f32 v2, v0  }
0x330: {  	[tilespmem:s0+$0xFFFFFFC0] =	vst v4;
	v1 =	vadd.f32 v1, v0  }
0x331: {  	[tilespmem:s0+$0xFFFFFFD0] =	vst v2;
	v62 =	vadd.f32 v3, v0  }
0x332: {  	p0 =	sne.s32 s29, $0x31;
	v63 =	vadd.f32 v5, v0;
	[tilespmem:s0+$0xFFFFFFE0] =	vst v1  }
.Ltmp32:
0x333: {  	[tilespmem:s0+$0xFFFFFFF0] =	vst v62;
	(pc) =	sbr.rel @p0 .LBB2_34-.Ltmp32, $4  }
0x334: {  	s30 =	sadd.s32 s31, s13;
	[tilespmem:s0+$0xFFFFFF90] =	vst v63  }
0x335: {  	[hbm4b:s30+s4] =	stream.linear.scatter [tilespmem:s24], [sflag:$0x4], $0x4000, $0x38;
	[tilespmem:$0x11900] =	vst v63  }
0x336: {  	s31 =	sadd.s32 s2, s14  }
0x337: {  	[tilespmem:s20], [sflag:$0x2] =	stream.linear.gather [hbm4b:s31+s4], $0x4000, $0x38;
	[tilespmem:$0x11900] =	vst v63  }
0x338: {  	_ =	swait.ge [sflag:s21], $0x4000  }
0x339: {  	[sflag:s21] =	ssyncset.done $0x0  }
0x33a: {  	[sflag:s21] =	ssyncadd.s32 $0xFFFFC000  }
0x33b: {  	_ =	swait.ge [sflag:s25], $0x4000  }
0x33c: {  	[sflag:s25] =	ssyncset.done $0x0  }
0x33d: {  	[sflag:s25] =	ssyncadd.s32 $0xFFFFC000  }
0x33e: {  	s6 =	simm.s32 $0x1940;
	v0 =	vld [tilespmem:$0x1880]  }
0x33f: {  	v3 =	vld [tilespmem:s6+$0x30]  }
0x340: {  	v5 =	vld [tilespmem:s6+$0xFFFFFFD0]  }
0x341: {  	v7 =	vld [tilespmem:s6+$0xFFFFFFE0]  }
0x342: {  	v4 =	vld [tilespmem:s6+$0xFFFFFFF0]  }
0x343: {  	v2 =	vld [tilespmem:s6+$0x0]  }
0x344: {  	v1 =	vld [tilespmem:s6+$0x10];
	v8 =	vadd.f32 v3, v0  }
0x345: {  	s0 =	simm.s32 $0x9940;
	v3 =	vld [tilespmem:s6+$0x20];
	v6 =	vadd.f32 v5, v0  }
0x346: {  	s2 =	simm.s32 $0x0;
	v5 =	vld [tilespmem:s6+$0xFFFFFFC0];
	v7 =	vadd.f32 v7, v0;
	s6 =	simm.s32 $0x1D40;
	[tilespmem:s0+$0x30] =	vst v8  }
.LBB2_68:
0x347: {  	v8 =	vld [tilespmem:s6+$0x30];
	s2 =	sadd.s32 $0x80, s2;
	[tilespmem:s0+$0xFFFFFFD0] =	vst v6;
	v4 =	vadd.f32 v4, v0  }
0x348: {  	v6 =	vld [tilespmem:s6+$0xFFFFFFD0];
	p0 =	slt.u32 s2, $0x780;
	[tilespmem:s0+$0xFFFFFFE0] =	vst v7;
	v2 =	vadd.f32 v2, v0  }
0x349: {  	v7 =	vld [tilespmem:s6+$0xFFFFFFE0];
	[tilespmem:s0+$0xFFFFFFF0] =	vst v4;
	v1 =	vadd.f32 v1, v0  }
.Ltmp33:
0x34a: {  	v4 =	vld [tilespmem:s6+$0xFFFFFFF0];
	[tilespmem:s0+$0x0] =	vst v2;
	v3 =	vadd.f32 v3, v0;
	(pc) =	sbr.rel @p0 .LBB2_68-.Ltmp33, $4  }
0x34b: {  	v2 =	vld [tilespmem:s6+$0x0];
	v5 =	vadd.f32 v5, v0;
	[tilespmem:s0+$0x10] =	vst v1  }
0x34c: {  	v1 =	vld [tilespmem:s6+$0x10];
	v8 =	vadd.f32 v8, v0;
	[tilespmem:s0+$0x20] =	vst v3  }
0x34d: {  	v6 =	vadd.f32 v6, v0;
	v3 =	vld [tilespmem:s6+$0x20];
	[tilespmem:s0+$0xFFFFFFC0] =	vst v5;
	s0 =	sadd.s32 $0x400, s0  }
0x34e: {  	v5 =	vld [tilespmem:s6+$0xFFFFFFC0];
	v7 =	vadd.f32 v7, v0;
	[tilespmem:s0+$0x30] =	vst v8;
	s6 =	sadd.s32 $0x400, s6  }
0x34f: {  	[tilespmem:s0+$0xFFFFFFD0] =	vst v6;
	v4 =	vadd.f32 v4, v0  }
0x350: {  	[tilespmem:s0+$0xFFFFFFE0] =	vst v7;
	v2 =	vadd.f32 v2, v0  }
0x351: {  	[tilespmem:s0+$0xFFFFFFF0] =	vst v4;
	v1 =	vadd.f32 v1, v0  }
0x352: {  	[tilespmem:s0+$0x0] =	vst v2;
	v2 =	vadd.f32 v3, v0  }
0x353: {  	v0 =	vadd.f32 v5, v0;
	[tilespmem:s0+$0x10] =	vst v1  }
0x354: {  	[tilespmem:s0+$0x20] =	vst v2  }
0x355: {  	[tilespmem:s0+$0xFFFFFFC0] =	vst v0  }
0x356: {  	s6 =	simm.s32 $0x19F0;
	v0 =	vld [tilespmem:$0x1890]  }
0x357: {  	v3 =	vld [tilespmem:s6+$0x0]  }
0x358: {  	v5 =	vld [tilespmem:s6+$0xFFFFFFA0]  }
0x359: {  	v7 =	vld [tilespmem:s6+$0xFFFFFFB0]  }
0x35a: {  	v4 =	vld [tilespmem:s6+$0xFFFFFFC0]  }
0x35b: {  	v2 =	vld [tilespmem:s6+$0xFFFFFFD0]  }
0x35c: {  	v1 =	vld [tilespmem:s6+$0xFFFFFFE0];
	v8 =	vadd.f32 v3, v0  }
0x35d: {  	s0 =	simm.s32 $0x99F0;
	v3 =	vld [tilespmem:s6+$0xFFFFFFF0];
	v6 =	vadd.f32 v5, v0  }
0x35e: {  	s2 =	simm.s32 $0x0;
	v5 =	vld [tilespmem:s6+$0xFFFFFF90];
	v7 =	vadd.f32 v7, v0;
	s6 =	simm.s32 $0x1DF0;
	[tilespmem:s0+$0x0] =	vst v8  }
.LBB2_70:
0x35f: {  	v8 =	vld [tilespmem:s6+$0x0];
	s2 =	sadd.s32 $0x80, s2;
	[tilespmem:s0+$0xFFFFFFA0] =	vst v6;
	v4 =	vadd.f32 v4, v0  }
0x360: {  	v6 =	vld [tilespmem:s6+$0xFFFFFFA0];
	p0 =	slt.u32 s2, $0x780;
	[tilespmem:s0+$0xFFFFFFB0] =	vst v7;
	v2 =	vadd.f32 v2, v0  }
0x361: {  	v7 =	vld [tilespmem:s6+$0xFFFFFFB0];
	[tilespmem:s0+$0xFFFFFFC0] =	vst v4;
	v1 =	vadd.f32 v1, v0  }
.Ltmp34:
0x362: {  	v4 =	vld [tilespmem:s6+$0xFFFFFFC0];
	[tilespmem:s0+$0xFFFFFFD0] =	vst v2;
	v3 =	vadd.f32 v3, v0;
	(pc) =	sbr.rel @p0 .LBB2_70-.Ltmp34, $4  }
0x363: {  	v2 =	vld [tilespmem:s6+$0xFFFFFFD0];
	v5 =	vadd.f32 v5, v0;
	[tilespmem:s0+$0xFFFFFFE0] =	vst v1  }
0x364: {  	v1 =	vld [tilespmem:s6+$0xFFFFFFE0];
	v8 =	vadd.f32 v8, v0;
	[tilespmem:s0+$0xFFFFFFF0] =	vst v3  }
0x365: {  	v6 =	vadd.f32 v6, v0;
	v3 =	vld [tilespmem:s6+$0xFFFFFFF0];
	[tilespmem:s0+$0xFFFFFF90] =	vst v5;
	s0 =	sadd.s32 $0x400, s0  }
0x366: {  	v5 =	vld [tilespmem:s6+$0xFFFFFF90];
	v7 =	vadd.f32 v7, v0;
	[tilespmem:s0+$0x0] =	vst v8;
	s6 =	sadd.s32 $0x400, s6  }
0x367: {  	[tilespmem:s0+$0xFFFFFFA0] =	vst v6;
	v4 =	vadd.f32 v4, v0  }
0x368: {  	[tilespmem:s0+$0xFFFFFFB0] =	vst v7;
	v2 =	vadd.f32 v2, v0  }
0x369: {  	[tilespmem:s0+$0xFFFFFFC0] =	vst v4;
	v1 =	vadd.f32 v1, v0  }
0x36a: {  	[tilespmem:s0+$0xFFFFFFD0] =	vst v2;
	v2 =	vadd.f32 v3, v0  }
0x36b: {  	v0 =	vadd.f32 v5, v0;
	[tilespmem:s0+$0xFFFFFFE0] =	vst v1  }
0x36c: {  	[tilespmem:s0+$0xFFFFFFF0] =	vst v2  }
0x36d: {  	[tilespmem:s0+$0xFFFFFF90] =	vst v0  }
0x36e: {  	s6 =	simm.s32 $0x1A70;
	v0 =	vld [tilespmem:$0x18A0]  }
0x36f: {  	v3 =	vld [tilespmem:s6+$0x0]  }
0x370: {  	v5 =	vld [tilespmem:s6+$0xFFFFFFA0]  }
0x371: {  	v7 =	vld [tilespmem:s6+$0xFFFFFFB0]  }
0x372: {  	v4 =	vld [tilespmem:s6+$0xFFFFFFC0]  }
0x373: {  	v2 =	vld [tilespmem:s6+$0xFFFFFFD0]  }
0x374: {  	v1 =	vld [tilespmem:s6+$0xFFFFFFE0];
	v8 =	vadd.f32 v3, v0  }
0x375: {  	s0 =	simm.s32 $0x9A70;
	v3 =	vld [tilespmem:s6+$0xFFFFFFF0];
	v6 =	vadd.f32 v5, v0  }
0x376: {  	s2 =	simm.s32 $0x0;
	v5 =	vld [tilespmem:s6+$0xFFFFFF90];
	v7 =	vadd.f32 v7, v0;
	s6 =	simm.s32 $0x1E70;
	[tilespmem:s0+$0x0] =	vst v8  }
.LBB2_72:
0x377: {  	v8 =	vld [tilespmem:s6+$0x0];
	s2 =	sadd.s32 $0x80, s2;
	[tilespmem:s0+$0xFFFFFFA0] =	vst v6;
	v4 =	vadd.f32 v4, v0  }
0x378: {  	v6 =	vld [tilespmem:s6+$0xFFFFFFA0];
	p0 =	slt.u32 s2, $0x780;
	[tilespmem:s0+$0xFFFFFFB0] =	vst v7;
	v2 =	vadd.f32 v2, v0  }
0x379: {  	v7 =	vld [tilespmem:s6+$0xFFFFFFB0];
	[tilespmem:s0+$0xFFFFFFC0] =	vst v4;
	v1 =	vadd.f32 v1, v0  }
.Ltmp35:
0x37a: {  	v4 =	vld [tilespmem:s6+$0xFFFFFFC0];
	[tilespmem:s0+$0xFFFFFFD0] =	vst v2;
	v3 =	vadd.f32 v3, v0;
	(pc) =	sbr.rel @p0 .LBB2_72-.Ltmp35, $4  }
0x37b: {  	v2 =	vld [tilespmem:s6+$0xFFFFFFD0];
	v5 =	vadd.f32 v5, v0;
	[tilespmem:s0+$0xFFFFFFE0] =	vst v1  }
0x37c: {  	v1 =	vld [tilespmem:s6+$0xFFFFFFE0];
	v8 =	vadd.f32 v8, v0;
	[tilespmem:s0+$0xFFFFFFF0] =	vst v3  }
0x37d: {  	v6 =	vadd.f32 v6, v0;
	v3 =	vld [tilespmem:s6+$0xFFFFFFF0];
	[tilespmem:s0+$0xFFFFFF90] =	vst v5;
	s0 =	sadd.s32 $0x400, s0  }
0x37e: {  	v5 =	vld [tilespmem:s6+$0xFFFFFF90];
	v7 =	vadd.f32 v7, v0;
	[tilespmem:s0+$0x0] =	vst v8;
	s6 =	sadd.s32 $0x400, s6  }
0x37f: {  	[tilespmem:s0+$0xFFFFFFA0] =	vst v6;
	v4 =	vadd.f32 v4, v0  }
0x380: {  	[tilespmem:s0+$0xFFFFFFB0] =	vst v7;
	v2 =	vadd.f32 v2, v0  }
0x381: {  	[tilespmem:s0+$0xFFFFFFC0] =	vst v4;
	v1 =	vadd.f32 v1, v0  }
0x382: {  	[tilespmem:s0+$0xFFFFFFD0] =	vst v2;
	v2 =	vadd.f32 v3, v0  }
0x383: {  	v0 =	vadd.f32 v5, v0;
	[tilespmem:s0+$0xFFFFFFE0] =	vst v1  }
0x384: {  	[tilespmem:s0+$0xFFFFFFF0] =	vst v2  }
0x385: {  	[tilespmem:s0+$0xFFFFFF90] =	vst v0  }
0x386: {  	s6 =	simm.s32 $0x1AF0;
	v0 =	vld [tilespmem:$0x18B0]  }
0x387: {  	v3 =	vld [tilespmem:s6+$0x0]  }
0x388: {  	v5 =	vld [tilespmem:s6+$0xFFFFFFA0]  }
0x389: {  	v7 =	vld [tilespmem:s6+$0xFFFFFFB0]  }
0x38a: {  	v4 =	vld [tilespmem:s6+$0xFFFFFFC0]  }
0x38b: {  	v2 =	vld [tilespmem:s6+$0xFFFFFFD0]  }
0x38c: {  	v1 =	vld [tilespmem:s6+$0xFFFFFFE0];
	v8 =	vadd.f32 v3, v0  }
0x38d: {  	s0 =	simm.s32 $0x9AF0;
	v3 =	vld [tilespmem:s6+$0xFFFFFFF0];
	v6 =	vadd.f32 v5, v0  }
0x38e: {  	s2 =	simm.s32 $0x0;
	v5 =	vld [tilespmem:s6+$0xFFFFFF90];
	v7 =	vadd.f32 v7, v0;
	s6 =	simm.s32 $0x1EF0;
	[tilespmem:s0+$0x0] =	vst v8  }
.LBB2_74:
0x38f: {  	v8 =	vld [tilespmem:s6+$0x0];
	s2 =	sadd.s32 $0x80, s2;
	[tilespmem:s0+$0xFFFFFFA0] =	vst v6;
	v4 =	vadd.f32 v4, v0  }
0x390: {  	v6 =	vld [tilespmem:s6+$0xFFFFFFA0];
	p0 =	slt.u32 s2, $0x780;
	[tilespmem:s0+$0xFFFFFFB0] =	vst v7;
	v2 =	vadd.f32 v2, v0  }
0x391: {  	v7 =	vld [tilespmem:s6+$0xFFFFFFB0];
	[tilespmem:s0+$0xFFFFFFC0] =	vst v4;
	v1 =	vadd.f32 v1, v0  }
.Ltmp36:
0x392: {  	v4 =	vld [tilespmem:s6+$0xFFFFFFC0];
	[tilespmem:s0+$0xFFFFFFD0] =	vst v2;
	v3 =	vadd.f32 v3, v0;
	(pc) =	sbr.rel @p0 .LBB2_74-.Ltmp36, $4  }
0x393: {  	v2 =	vld [tilespmem:s6+$0xFFFFFFD0];
	v5 =	vadd.f32 v5, v0;
	[tilespmem:s0+$0xFFFFFFE0] =	vst v1  }
0x394: {  	v1 =	vld [tilespmem:s6+$0xFFFFFFE0];
	v8 =	vadd.f32 v8, v0;
	[tilespmem:s0+$0xFFFFFFF0] =	vst v3  }
0x395: {  	v6 =	vadd.f32 v6, v0;
	v3 =	vld [tilespmem:s6+$0xFFFFFFF0];
	[tilespmem:s0+$0xFFFFFF90] =	vst v5;
	s0 =	sadd.s32 $0x400, s0  }
0x396: {  	v5 =	vld [tilespmem:s6+$0xFFFFFF90];
	v7 =	vadd.f32 v7, v0;
	[tilespmem:s0+$0x0] =	vst v8;
	s6 =	sadd.s32 $0x400, s6  }
0x397: {  	[tilespmem:s0+$0xFFFFFFA0] =	vst v6;
	v4 =	vadd.f32 v4, v0  }
0x398: {  	[tilespmem:s0+$0xFFFFFFB0] =	vst v7;
	v2 =	vadd.f32 v2, v0  }
0x399: {  	[tilespmem:s0+$0xFFFFFFC0] =	vst v4;
	v1 =	vadd.f32 v1, v0  }
0x39a: {  	[tilespmem:s0+$0xFFFFFFD0] =	vst v2;
	v2 =	vadd.f32 v3, v0  }
0x39b: {  	v0 =	vadd.f32 v5, v0;
	[tilespmem:s0+$0xFFFFFFE0] =	vst v1  }
0x39c: {  	[tilespmem:s0+$0xFFFFFFF0] =	vst v2  }
0x39d: {  	[tilespmem:s0+$0xFFFFFF90] =	vst v0  }
0x39e: {  	s6 =	simm.s32 $0x1B70;
	v0 =	vld [tilespmem:$0x18C0]  }
0x39f: {  	v3 =	vld [tilespmem:s6+$0x0]  }
0x3a0: {  	v5 =	vld [tilespmem:s6+$0xFFFFFFA0]  }
0x3a1: {  	v7 =	vld [tilespmem:s6+$0xFFFFFFB0]  }
0x3a2: {  	v4 =	vld [tilespmem:s6+$0xFFFFFFC0]  }
0x3a3: {  	v2 =	vld [tilespmem:s6+$0xFFFFFFD0]  }
0x3a4: {  	v1 =	vld [tilespmem:s6+$0xFFFFFFE0];
	v8 =	vadd.f32 v3, v0  }
0x3a5: {  	s0 =	simm.s32 $0x9B70;
	v3 =	vld [tilespmem:s6+$0xFFFFFFF0];
	v6 =	vadd.f32 v5, v0  }
0x3a6: {  	s2 =	simm.s32 $0x0;
	v5 =	vld [tilespmem:s6+$0xFFFFFF90];
	v7 =	vadd.f32 v7, v0;
	s6 =	simm.s32 $0x1F70;
	[tilespmem:s0+$0x0] =	vst v8  }
.LBB2_76:
0x3a7: {  	v8 =	vld [tilespmem:s6+$0x0];
	s2 =	sadd.s32 $0x80, s2;
	[tilespmem:s0+$0xFFFFFFA0] =	vst v6;
	v4 =	vadd.f32 v4, v0  }
0x3a8: {  	v6 =	vld [tilespmem:s6+$0xFFFFFFA0];
	p0 =	slt.u32 s2, $0x780;
	[tilespmem:s0+$0xFFFFFFB0] =	vst v7;
	v2 =	vadd.f32 v2, v0  }
0x3a9: {  	v7 =	vld [tilespmem:s6+$0xFFFFFFB0];
	[tilespmem:s0+$0xFFFFFFC0] =	vst v4;
	v1 =	vadd.f32 v1, v0  }
.Ltmp37:
0x3aa: {  	v4 =	vld [tilespmem:s6+$0xFFFFFFC0];
	[tilespmem:s0+$0xFFFFFFD0] =	vst v2;
	v3 =	vadd.f32 v3, v0;
	(pc) =	sbr.rel @p0 .LBB2_76-.Ltmp37, $4  }
0x3ab: {  	v2 =	vld [tilespmem:s6+$0xFFFFFFD0];
	v5 =	vadd.f32 v5, v0;
	[tilespmem:s0+$0xFFFFFFE0] =	vst v1  }
0x3ac: {  	v1 =	vld [tilespmem:s6+$0xFFFFFFE0];
	v8 =	vadd.f32 v8, v0;
	[tilespmem:s0+$0xFFFFFFF0] =	vst v3  }
0x3ad: {  	v6 =	vadd.f32 v6, v0;
	v3 =	vld [tilespmem:s6+$0xFFFFFFF0];
	[tilespmem:s0+$0xFFFFFF90] =	vst v5;
	s0 =	sadd.s32 $0x400, s0  }
0x3ae: {  	v5 =	vld [tilespmem:s6+$0xFFFFFF90];
	v7 =	vadd.f32 v7, v0;
	[tilespmem:s0+$0x0] =	vst v8;
	s6 =	sadd.s32 $0x400, s6  }
0x3af: {  	[tilespmem:s0+$0xFFFFFFA0] =	vst v6;
	v4 =	vadd.f32 v4, v0  }
0x3b0: {  	[tilespmem:s0+$0xFFFFFFB0] =	vst v7;
	v2 =	vadd.f32 v2, v0  }
0x3b1: {  	[tilespmem:s0+$0xFFFFFFC0] =	vst v4;
	v1 =	vadd.f32 v1, v0  }
0x3b2: {  	[tilespmem:s0+$0xFFFFFFD0] =	vst v2;
	v2 =	vadd.f32 v3, v0  }
0x3b3: {  	v0 =	vadd.f32 v5, v0;
	[tilespmem:s0+$0xFFFFFFE0] =	vst v1  }
0x3b4: {  	[tilespmem:s0+$0xFFFFFFF0] =	vst v2  }
0x3b5: {  	[tilespmem:s0+$0xFFFFFF90] =	vst v0  }
0x3b6: {  	s6 =	simm.s32 $0x1BF0;
	v0 =	vld [tilespmem:$0x18D0]  }
0x3b7: {  	v3 =	vld [tilespmem:s6+$0x0]  }
0x3b8: {  	v5 =	vld [tilespmem:s6+$0xFFFFFFA0]  }
0x3b9: {  	v7 =	vld [tilespmem:s6+$0xFFFFFFB0]  }
0x3ba: {  	v4 =	vld [tilespmem:s6+$0xFFFFFFC0]  }
0x3bb: {  	v2 =	vld [tilespmem:s6+$0xFFFFFFD0]  }
0x3bc: {  	v1 =	vld [tilespmem:s6+$0xFFFFFFE0];
	v8 =	vadd.f32 v3, v0  }
0x3bd: {  	s0 =	simm.s32 $0x9BF0;
	v3 =	vld [tilespmem:s6+$0xFFFFFFF0];
	v6 =	vadd.f32 v5, v0  }
0x3be: {  	s2 =	simm.s32 $0x0;
	v5 =	vld [tilespmem:s6+$0xFFFFFF90];
	v7 =	vadd.f32 v7, v0;
	s6 =	simm.s32 $0x1FF0;
	[tilespmem:s0+$0x0] =	vst v8  }
.LBB2_78:
0x3bf: {  	v8 =	vld [tilespmem:s6+$0x0];
	s2 =	sadd.s32 $0x80, s2;
	[tilespmem:s0+$0xFFFFFFA0] =	vst v6;
	v4 =	vadd.f32 v4, v0  }
0x3c0: {  	v6 =	vld [tilespmem:s6+$0xFFFFFFA0];
	p0 =	slt.u32 s2, $0x780;
	[tilespmem:s0+$0xFFFFFFB0] =	vst v7;
	v2 =	vadd.f32 v2, v0  }
0x3c1: {  	v7 =	vld [tilespmem:s6+$0xFFFFFFB0];
	[tilespmem:s0+$0xFFFFFFC0] =	vst v4;
	v1 =	vadd.f32 v1, v0  }
.Ltmp38:
0x3c2: {  	v4 =	vld [tilespmem:s6+$0xFFFFFFC0];
	[tilespmem:s0+$0xFFFFFFD0] =	vst v2;
	v3 =	vadd.f32 v3, v0;
	(pc) =	sbr.rel @p0 .LBB2_78-.Ltmp38, $4  }
0x3c3: {  	v2 =	vld [tilespmem:s6+$0xFFFFFFD0];
	v5 =	vadd.f32 v5, v0;
	[tilespmem:s0+$0xFFFFFFE0] =	vst v1  }
0x3c4: {  	v1 =	vld [tilespmem:s6+$0xFFFFFFE0];
	v8 =	vadd.f32 v8, v0;
	[tilespmem:s0+$0xFFFFFFF0] =	vst v3  }
0x3c5: {  	v6 =	vadd.f32 v6, v0;
	v3 =	vld [tilespmem:s6+$0xFFFFFFF0];
	[tilespmem:s0+$0xFFFFFF90] =	vst v5;
	s0 =	sadd.s32 $0x400, s0  }
0x3c6: {  	v5 =	vld [tilespmem:s6+$0xFFFFFF90];
	v7 =	vadd.f32 v7, v0;
	[tilespmem:s0+$0x0] =	vst v8;
	s6 =	sadd.s32 $0x400, s6  }
0x3c7: {  	[tilespmem:s0+$0xFFFFFFA0] =	vst v6;
	v4 =	vadd.f32 v4, v0  }
0x3c8: {  	[tilespmem:s0+$0xFFFFFFB0] =	vst v7;
	v2 =	vadd.f32 v2, v0  }
0x3c9: {  	[tilespmem:s0+$0xFFFFFFC0] =	vst v4;
	v1 =	vadd.f32 v1, v0  }
0x3ca: {  	[tilespmem:s0+$0xFFFFFFD0] =	vst v2;
	v2 =	vadd.f32 v3, v0  }
0x3cb: {  	v0 =	vadd.f32 v5, v0;
	[tilespmem:s0+$0xFFFFFFE0] =	vst v1  }
0x3cc: {  	[tilespmem:s0+$0xFFFFFFF0] =	vst v2  }
0x3cd: {  	[tilespmem:s0+$0xFFFFFF90] =	vst v0  }
0x3ce: {  	s6 =	simm.s32 $0x1C70;
	v0 =	vld [tilespmem:$0x18E0]  }
0x3cf: {  	v3 =	vld [tilespmem:s6+$0x0]  }
0x3d0: {  	v5 =	vld [tilespmem:s6+$0xFFFFFFA0]  }
0x3d1: {  	v7 =	vld [tilespmem:s6+$0xFFFFFFB0]  }
0x3d2: {  	v4 =	vld [tilespmem:s6+$0xFFFFFFC0]  }
0x3d3: {  	v2 =	vld [tilespmem:s6+$0xFFFFFFD0]  }
0x3d4: {  	v1 =	vld [tilespmem:s6+$0xFFFFFFE0];
	v8 =	vadd.f32 v3, v0  }
0x3d5: {  	s0 =	simm.s32 $0x9C70;
	v3 =	vld [tilespmem:s6+$0xFFFFFFF0];
	v6 =	vadd.f32 v5, v0  }
0x3d6: {  	s2 =	simm.s32 $0x0;
	v5 =	vld [tilespmem:s6+$0xFFFFFF90];
	v7 =	vadd.f32 v7, v0;
	s6 =	simm.s32 $0x2070;
	[tilespmem:s0+$0x0] =	vst v8  }
.LBB2_80:
0x3d7: {  	v8 =	vld [tilespmem:s6+$0x0];
	s2 =	sadd.s32 $0x80, s2;
	[tilespmem:s0+$0xFFFFFFA0] =	vst v6;
	v4 =	vadd.f32 v4, v0  }
0x3d8: {  	v6 =	vld [tilespmem:s6+$0xFFFFFFA0];
	p0 =	slt.u32 s2, $0x780;
	[tilespmem:s0+$0xFFFFFFB0] =	vst v7;
	v2 =	vadd.f32 v2, v0  }
0x3d9: {  	v7 =	vld [tilespmem:s6+$0xFFFFFFB0];
	[tilespmem:s0+$0xFFFFFFC0] =	vst v4;
	v1 =	vadd.f32 v1, v0  }
.Ltmp39:
0x3da: {  	v4 =	vld [tilespmem:s6+$0xFFFFFFC0];
	[tilespmem:s0+$0xFFFFFFD0] =	vst v2;
	v3 =	vadd.f32 v3, v0;
	(pc) =	sbr.rel @p0 .LBB2_80-.Ltmp39, $4  }
0x3db: {  	v2 =	vld [tilespmem:s6+$0xFFFFFFD0];
	v5 =	vadd.f32 v5, v0;
	[tilespmem:s0+$0xFFFFFFE0] =	vst v1  }
0x3dc: {  	v1 =	vld [tilespmem:s6+$0xFFFFFFE0];
	v8 =	vadd.f32 v8, v0;
	[tilespmem:s0+$0xFFFFFFF0] =	vst v3  }
0x3dd: {  	v6 =	vadd.f32 v6, v0;
	v3 =	vld [tilespmem:s6+$0xFFFFFFF0];
	[tilespmem:s0+$0xFFFFFF90] =	vst v5;
	s0 =	sadd.s32 $0x400, s0  }
0x3de: {  	v5 =	vld [tilespmem:s6+$0xFFFFFF90];
	v7 =	vadd.f32 v7, v0;
	[tilespmem:s0+$0x0] =	vst v8;
	s6 =	sadd.s32 $0x400, s6  }
0x3df: {  	[tilespmem:s0+$0xFFFFFFA0] =	vst v6;
	v4 =	vadd.f32 v4, v0  }
0x3e0: {  	[tilespmem:s0+$0xFFFFFFB0] =	vst v7;
	v2 =	vadd.f32 v2, v0  }
0x3e1: {  	[tilespmem:s0+$0xFFFFFFC0] =	vst v4;
	v1 =	vadd.f32 v1, v0  }
0x3e2: {  	[tilespmem:s0+$0xFFFFFFD0] =	vst v2;
	v2 =	vadd.f32 v3, v0  }
0x3e3: {  	v0 =	vadd.f32 v5, v0;
	[tilespmem:s0+$0xFFFFFFE0] =	vst v1  }
0x3e4: {  	[tilespmem:s0+$0xFFFFFFF0] =	vst v2  }
0x3e5: {  	[tilespmem:s0+$0xFFFFFF90] =	vst v0  }
0x3e6: {  	s6 =	simm.s32 $0x1CF0;
	v0 =	vld [tilespmem:$0x18F0]  }
0x3e7: {  	v3 =	vld [tilespmem:s6+$0x0]  }
0x3e8: {  	v5 =	vld [tilespmem:s6+$0xFFFFFFA0]  }
0x3e9: {  	v7 =	vld [tilespmem:s6+$0xFFFFFFB0]  }
0x3ea: {  	v4 =	vld [tilespmem:s6+$0xFFFFFFC0]  }
0x3eb: {  	v2 =	vld [tilespmem:s6+$0xFFFFFFD0]  }
0x3ec: {  	v1 =	vld [tilespmem:s6+$0xFFFFFFE0];
	v8 =	vadd.f32 v3, v0  }
0x3ed: {  	s0 =	simm.s32 $0x9CF0;
	v3 =	vld [tilespmem:s6+$0xFFFFFFF0];
	v6 =	vadd.f32 v5, v0  }
0x3ee: {  	s2 =	simm.s32 $0x0;
	v5 =	vld [tilespmem:s6+$0xFFFFFF90];
	v7 =	vadd.f32 v7, v0;
	s6 =	simm.s32 $0x20F0;
	[tilespmem:s0+$0x0] =	vst v8  }
.LBB2_82:
0x3ef: {  	v8 =	vld [tilespmem:s6+$0x0];
	s2 =	sadd.s32 $0x80, s2;
	[tilespmem:s0+$0xFFFFFFA0] =	vst v6;
	v4 =	vadd.f32 v4, v0  }
0x3f0: {  	v6 =	vld [tilespmem:s6+$0xFFFFFFA0];
	p0 =	slt.u32 s2, $0x780;
	[tilespmem:s0+$0xFFFFFFB0] =	vst v7;
	v2 =	vadd.f32 v2, v0  }
0x3f1: {  	v7 =	vld [tilespmem:s6+$0xFFFFFFB0];
	[tilespmem:s0+$0xFFFFFFC0] =	vst v4;
	v1 =	vadd.f32 v1, v0  }
.Ltmp40:
0x3f2: {  	v4 =	vld [tilespmem:s6+$0xFFFFFFC0];
	[tilespmem:s0+$0xFFFFFFD0] =	vst v2;
	v3 =	vadd.f32 v3, v0;
	(pc) =	sbr.rel @p0 .LBB2_82-.Ltmp40, $4  }
0x3f3: {  	v2 =	vld [tilespmem:s6+$0xFFFFFFD0];
	v5 =	vadd.f32 v5, v0;
	[tilespmem:s0+$0xFFFFFFE0] =	vst v1  }
0x3f4: {  	v1 =	vld [tilespmem:s6+$0xFFFFFFE0];
	v8 =	vadd.f32 v8, v0;
	[tilespmem:s0+$0xFFFFFFF0] =	vst v3  }
0x3f5: {  	v6 =	vadd.f32 v6, v0;
	v3 =	vld [tilespmem:s6+$0xFFFFFFF0];
	[tilespmem:s0+$0xFFFFFF90] =	vst v5;
	s0 =	sadd.s32 $0x400, s0  }
0x3f6: {  	v5 =	vld [tilespmem:s6+$0xFFFFFF90];
	v7 =	vadd.f32 v7, v0;
	[tilespmem:s0+$0x0] =	vst v8;
	s6 =	sadd.s32 $0x400, s6  }
0x3f7: {  	[tilespmem:s0+$0xFFFFFFA0] =	vst v6;
	v4 =	vadd.f32 v4, v0  }
0x3f8: {  	[tilespmem:s0+$0xFFFFFFB0] =	vst v7;
	v2 =	vadd.f32 v2, v0  }
0x3f9: {  	[tilespmem:s0+$0xFFFFFFC0] =	vst v4;
	v1 =	vadd.f32 v1, v0  }
0x3fa: {  	[tilespmem:s0+$0xFFFFFFD0] =	vst v2;
	v2 =	vadd.f32 v3, v0  }
0x3fb: {  	v0 =	vadd.f32 v5, v0;
	[tilespmem:s0+$0xFFFFFFE0] =	vst v1  }
0x3fc: {  	[tilespmem:s0+$0xFFFFFFF0] =	vst v2  }
0x3fd: {  	[tilespmem:s0+$0xFFFFFF90] =	vst v0  }
0x3fe: {  	[hbm4b:s15+s4] =	stream.linear.scatter [tilespmem:s22], [sflag:$0x3], $0x4000, $0x38;
	[tilespmem:$0x11900] =	vst v63  }
0x3ff: {  	_ =	swait.ge [sflag:s23], $0x4000  }
0x400: {  	[sflag:s23] =	ssyncset.done $0x0  }
0x401: {  	[sflag:s23] =	ssyncadd.s32 $0xFFFFC000  }
0x402: {  	_ =	swait.ge [sflag:s26], $0x4000  }
0x403: {  	[sflag:s26] =	ssyncset.done $0x0  }
0x404: {  	[sflag:s26] =	ssyncadd.s32 $0xFFFFC000  }
0x405: {  	s6 =	simm.s32 $0x5940;
	v0 =	vld [tilespmem:$0x1880]  }
0x406: {  	v3 =	vld [tilespmem:s6+$0x30]  }
0x407: {  	v5 =	vld [tilespmem:s6+$0xFFFFFFD0]  }
0x408: {  	v7 =	vld [tilespmem:s6+$0xFFFFFFE0]  }
0x409: {  	v4 =	vld [tilespmem:s6+$0xFFFFFFF0]  }
0x40a: {  	v2 =	vld [tilespmem:s6+$0x0]  }
0x40b: {  	v1 =	vld [tilespmem:s6+$0x10];
	v8 =	vadd.f32 v3, v0  }
0x40c: {  	s0 =	simm.s32 $0xD940;
	v3 =	vld [tilespmem:s6+$0x20];
	v6 =	vadd.f32 v5, v0  }
0x40d: {  	s2 =	simm.s32 $0x0;
	v5 =	vld [tilespmem:s6+$0xFFFFFFC0];
	v7 =	vadd.f32 v7, v0;
	s6 =	simm.s32 $0x5D40;
	[tilespmem:s0+$0x30] =	vst v8  }
.LBB2_84:
0x40e: {  	v8 =	vld [tilespmem:s6+$0x30];
	s2 =	sadd.s32 $0x80, s2;
	[tilespmem:s0+$0xFFFFFFD0] =	vst v6;
	v4 =	vadd.f32 v4, v0  }
0x40f: {  	v6 =	vld [tilespmem:s6+$0xFFFFFFD0];
	p0 =	slt.u32 s2, $0x780;
	[tilespmem:s0+$0xFFFFFFE0] =	vst v7;
	v2 =	vadd.f32 v2, v0  }
0x410: {  	v7 =	vld [tilespmem:s6+$0xFFFFFFE0];
	[tilespmem:s0+$0xFFFFFFF0] =	vst v4;
	v1 =	vadd.f32 v1, v0  }
.Ltmp41:
0x411: {  	v4 =	vld [tilespmem:s6+$0xFFFFFFF0];
	[tilespmem:s0+$0x0] =	vst v2;
	v3 =	vadd.f32 v3, v0;
	(pc) =	sbr.rel @p0 .LBB2_84-.Ltmp41, $4  }
0x412: {  	v2 =	vld [tilespmem:s6+$0x0];
	v5 =	vadd.f32 v5, v0;
	[tilespmem:s0+$0x10] =	vst v1  }
0x413: {  	v1 =	vld [tilespmem:s6+$0x10];
	v8 =	vadd.f32 v8, v0;
	[tilespmem:s0+$0x20] =	vst v3  }
0x414: {  	v6 =	vadd.f32 v6, v0;
	v3 =	vld [tilespmem:s6+$0x20];
	[tilespmem:s0+$0xFFFFFFC0] =	vst v5;
	s0 =	sadd.s32 $0x400, s0  }
0x415: {  	v5 =	vld [tilespmem:s6+$0xFFFFFFC0];
	v7 =	vadd.f32 v7, v0;
	[tilespmem:s0+$0x30] =	vst v8;
	s6 =	sadd.s32 $0x400, s6  }
0x416: {  	[tilespmem:s0+$0xFFFFFFD0] =	vst v6;
	v4 =	vadd.f32 v4, v0  }
0x417: {  	[tilespmem:s0+$0xFFFFFFE0] =	vst v7;
	v2 =	vadd.f32 v2, v0  }
0x418: {  	[tilespmem:s0+$0xFFFFFFF0] =	vst v4;
	v1 =	vadd.f32 v1, v0  }
0x419: {  	[tilespmem:s0+$0x0] =	vst v2;
	v2 =	vadd.f32 v3, v0  }
0x41a: {  	v0 =	vadd.f32 v5, v0;
	[tilespmem:s0+$0x10] =	vst v1  }
0x41b: {  	[tilespmem:s0+$0x20] =	vst v2  }
0x41c: {  	[tilespmem:s0+$0xFFFFFFC0] =	vst v0  }
0x41d: {  	s6 =	simm.s32 $0x59F0;
	v0 =	vld [tilespmem:$0x1890]  }
0x41e: {  	v3 =	vld [tilespmem:s6+$0x0]  }
0x41f: {  	v5 =	vld [tilespmem:s6+$0xFFFFFFA0]  }
0x420: {  	v7 =	vld [tilespmem:s6+$0xFFFFFFB0]  }
0x421: {  	v4 =	vld [tilespmem:s6+$0xFFFFFFC0]  }
0x422: {  	v2 =	vld [tilespmem:s6+$0xFFFFFFD0]  }
0x423: {  	v1 =	vld [tilespmem:s6+$0xFFFFFFE0];
	v8 =	vadd.f32 v3, v0  }
0x424: {  	s0 =	simm.s32 $0xD9F0;
	v3 =	vld [tilespmem:s6+$0xFFFFFFF0];
	v6 =	vadd.f32 v5, v0  }
0x425: {  	s2 =	simm.s32 $0x0;
	v5 =	vld [tilespmem:s6+$0xFFFFFF90];
	v7 =	vadd.f32 v7, v0;
	s6 =	simm.s32 $0x5DF0;
	[tilespmem:s0+$0x0] =	vst v8  }
.LBB2_86:
0x426: {  	v8 =	vld [tilespmem:s6+$0x0];
	s2 =	sadd.s32 $0x80, s2;
	[tilespmem:s0+$0xFFFFFFA0] =	vst v6;
	v4 =	vadd.f32 v4, v0  }
0x427: {  	v6 =	vld [tilespmem:s6+$0xFFFFFFA0];
	p0 =	slt.u32 s2, $0x780;
	[tilespmem:s0+$0xFFFFFFB0] =	vst v7;
	v2 =	vadd.f32 v2, v0  }
0x428: {  	v7 =	vld [tilespmem:s6+$0xFFFFFFB0];
	[tilespmem:s0+$0xFFFFFFC0] =	vst v4;
	v1 =	vadd.f32 v1, v0  }
.Ltmp42:
0x429: {  	v4 =	vld [tilespmem:s6+$0xFFFFFFC0];
	[tilespmem:s0+$0xFFFFFFD0] =	vst v2;
	v3 =	vadd.f32 v3, v0;
	(pc) =	sbr.rel @p0 .LBB2_86-.Ltmp42, $4  }
0x42a: {  	v2 =	vld [tilespmem:s6+$0xFFFFFFD0];
	v5 =	vadd.f32 v5, v0;
	[tilespmem:s0+$0xFFFFFFE0] =	vst v1  }
0x42b: {  	v1 =	vld [tilespmem:s6+$0xFFFFFFE0];
	v8 =	vadd.f32 v8, v0;
	[tilespmem:s0+$0xFFFFFFF0] =	vst v3  }
0x42c: {  	v6 =	vadd.f32 v6, v0;
	v3 =	vld [tilespmem:s6+$0xFFFFFFF0];
	[tilespmem:s0+$0xFFFFFF90] =	vst v5;
	s0 =	sadd.s32 $0x400, s0  }
0x42d: {  	v5 =	vld [tilespmem:s6+$0xFFFFFF90];
	v7 =	vadd.f32 v7, v0;
	[tilespmem:s0+$0x0] =	vst v8;
	s6 =	sadd.s32 $0x400, s6  }
0x42e: {  	[tilespmem:s0+$0xFFFFFFA0] =	vst v6;
	v4 =	vadd.f32 v4, v0  }
0x42f: {  	[tilespmem:s0+$0xFFFFFFB0] =	vst v7;
	v2 =	vadd.f32 v2, v0  }
0x430: {  	[tilespmem:s0+$0xFFFFFFC0] =	vst v4;
	v1 =	vadd.f32 v1, v0  }
0x431: {  	[tilespmem:s0+$0xFFFFFFD0] =	vst v2;
	v2 =	vadd.f32 v3, v0  }
0x432: {  	v0 =	vadd.f32 v5, v0;
	[tilespmem:s0+$0xFFFFFFE0] =	vst v1  }
0x433: {  	[tilespmem:s0+$0xFFFFFFF0] =	vst v2  }
0x434: {  	[tilespmem:s0+$0xFFFFFF90] =	vst v0  }
0x435: {  	s6 =	simm.s32 $0x5A70;
	v0 =	vld [tilespmem:$0x18A0]  }
0x436: {  	v3 =	vld [tilespmem:s6+$0x0]  }
0x437: {  	v5 =	vld [tilespmem:s6+$0xFFFFFFA0]  }
0x438: {  	v7 =	vld [tilespmem:s6+$0xFFFFFFB0]  }
0x439: {  	v4 =	vld [tilespmem:s6+$0xFFFFFFC0]  }
0x43a: {  	v2 =	vld [tilespmem:s6+$0xFFFFFFD0]  }
0x43b: {  	v1 =	vld [tilespmem:s6+$0xFFFFFFE0];
	v8 =	vadd.f32 v3, v0  }
0x43c: {  	s0 =	simm.s32 $0xDA70;
	v3 =	vld [tilespmem:s6+$0xFFFFFFF0];
	v6 =	vadd.f32 v5, v0  }
0x43d: {  	s2 =	simm.s32 $0x0;
	v5 =	vld [tilespmem:s6+$0xFFFFFF90];
	v7 =	vadd.f32 v7, v0;
	s6 =	simm.s32 $0x5E70;
	[tilespmem:s0+$0x0] =	vst v8  }
.LBB2_88:
0x43e: {  	v8 =	vld [tilespmem:s6+$0x0];
	s2 =	sadd.s32 $0x80, s2;
	[tilespmem:s0+$0xFFFFFFA0] =	vst v6;
	v4 =	vadd.f32 v4, v0  }
0x43f: {  	v6 =	vld [tilespmem:s6+$0xFFFFFFA0];
	p0 =	slt.u32 s2, $0x780;
	[tilespmem:s0+$0xFFFFFFB0] =	vst v7;
	v2 =	vadd.f32 v2, v0  }
0x440: {  	v7 =	vld [tilespmem:s6+$0xFFFFFFB0];
	[tilespmem:s0+$0xFFFFFFC0] =	vst v4;
	v1 =	vadd.f32 v1, v0  }
.Ltmp43:
0x441: {  	v4 =	vld [tilespmem:s6+$0xFFFFFFC0];
	[tilespmem:s0+$0xFFFFFFD0] =	vst v2;
	v3 =	vadd.f32 v3, v0;
	(pc) =	sbr.rel @p0 .LBB2_88-.Ltmp43, $4  }
0x442: {  	v2 =	vld [tilespmem:s6+$0xFFFFFFD0];
	v5 =	vadd.f32 v5, v0;
	[tilespmem:s0+$0xFFFFFFE0] =	vst v1  }
0x443: {  	v1 =	vld [tilespmem:s6+$0xFFFFFFE0];
	v8 =	vadd.f32 v8, v0;
	[tilespmem:s0+$0xFFFFFFF0] =	vst v3  }
0x444: {  	v6 =	vadd.f32 v6, v0;
	v3 =	vld [tilespmem:s6+$0xFFFFFFF0];
	[tilespmem:s0+$0xFFFFFF90] =	vst v5;
	s0 =	sadd.s32 $0x400, s0  }
0x445: {  	v5 =	vld [tilespmem:s6+$0xFFFFFF90];
	v7 =	vadd.f32 v7, v0;
	[tilespmem:s0+$0x0] =	vst v8;
	s6 =	sadd.s32 $0x400, s6  }
0x446: {  	[tilespmem:s0+$0xFFFFFFA0] =	vst v6;
	v4 =	vadd.f32 v4, v0  }
0x447: {  	[tilespmem:s0+$0xFFFFFFB0] =	vst v7;
	v2 =	vadd.f32 v2, v0  }
0x448: {  	[tilespmem:s0+$0xFFFFFFC0] =	vst v4;
	v1 =	vadd.f32 v1, v0  }
0x449: {  	[tilespmem:s0+$0xFFFFFFD0] =	vst v2;
	v2 =	vadd.f32 v3, v0  }
0x44a: {  	v0 =	vadd.f32 v5, v0;
	[tilespmem:s0+$0xFFFFFFE0] =	vst v1  }
0x44b: {  	[tilespmem:s0+$0xFFFFFFF0] =	vst v2  }
0x44c: {  	[tilespmem:s0+$0xFFFFFF90] =	vst v0  }
0x44d: {  	s6 =	simm.s32 $0x5AF0;
	v0 =	vld [tilespmem:$0x18B0]  }
0x44e: {  	v3 =	vld [tilespmem:s6+$0x0]  }
0x44f: {  	v5 =	vld [tilespmem:s6+$0xFFFFFFA0]  }
0x450: {  	v7 =	vld [tilespmem:s6+$0xFFFFFFB0]  }
0x451: {  	v4 =	vld [tilespmem:s6+$0xFFFFFFC0]  }
0x452: {  	v2 =	vld [tilespmem:s6+$0xFFFFFFD0]  }
0x453: {  	v1 =	vld [tilespmem:s6+$0xFFFFFFE0];
	v8 =	vadd.f32 v3, v0  }
0x454: {  	s0 =	simm.s32 $0xDAF0;
	v3 =	vld [tilespmem:s6+$0xFFFFFFF0];
	v6 =	vadd.f32 v5, v0  }
0x455: {  	s2 =	simm.s32 $0x0;
	v5 =	vld [tilespmem:s6+$0xFFFFFF90];
	v7 =	vadd.f32 v7, v0;
	s6 =	simm.s32 $0x5EF0;
	[tilespmem:s0+$0x0] =	vst v8  }
.LBB2_90:
0x456: {  	v8 =	vld [tilespmem:s6+$0x0];
	s2 =	sadd.s32 $0x80, s2;
	[tilespmem:s0+$0xFFFFFFA0] =	vst v6;
	v4 =	vadd.f32 v4, v0  }
0x457: {  	v6 =	vld [tilespmem:s6+$0xFFFFFFA0];
	p0 =	slt.u32 s2, $0x780;
	[tilespmem:s0+$0xFFFFFFB0] =	vst v7;
	v2 =	vadd.f32 v2, v0  }
0x458: {  	v7 =	vld [tilespmem:s6+$0xFFFFFFB0];
	[tilespmem:s0+$0xFFFFFFC0] =	vst v4;
	v1 =	vadd.f32 v1, v0  }
.Ltmp44:
0x459: {  	v4 =	vld [tilespmem:s6+$0xFFFFFFC0];
	[tilespmem:s0+$0xFFFFFFD0] =	vst v2;
	v3 =	vadd.f32 v3, v0;
	(pc) =	sbr.rel @p0 .LBB2_90-.Ltmp44, $4  }
0x45a: {  	v2 =	vld [tilespmem:s6+$0xFFFFFFD0];
	v5 =	vadd.f32 v5, v0;
	[tilespmem:s0+$0xFFFFFFE0] =	vst v1  }
0x45b: {  	v1 =	vld [tilespmem:s6+$0xFFFFFFE0];
	v8 =	vadd.f32 v8, v0;
	[tilespmem:s0+$0xFFFFFFF0] =	vst v3  }
0x45c: {  	v6 =	vadd.f32 v6, v0;
	v3 =	vld [tilespmem:s6+$0xFFFFFFF0];
	[tilespmem:s0+$0xFFFFFF90] =	vst v5;
	s0 =	sadd.s32 $0x400, s0  }
0x45d: {  	v5 =	vld [tilespmem:s6+$0xFFFFFF90];
	v7 =	vadd.f32 v7, v0;
	[tilespmem:s0+$0x0] =	vst v8;
	s6 =	sadd.s32 $0x400, s6  }
0x45e: {  	[tilespmem:s0+$0xFFFFFFA0] =	vst v6;
	v4 =	vadd.f32 v4, v0  }
0x45f: {  	[tilespmem:s0+$0xFFFFFFB0] =	vst v7;
	v2 =	vadd.f32 v2, v0  }
0x460: {  	[tilespmem:s0+$0xFFFFFFC0] =	vst v4;
	v1 =	vadd.f32 v1, v0  }
0x461: {  	[tilespmem:s0+$0xFFFFFFD0] =	vst v2;
	v2 =	vadd.f32 v3, v0  }
0x462: {  	v0 =	vadd.f32 v5, v0;
	[tilespmem:s0+$0xFFFFFFE0] =	vst v1  }
0x463: {  	[tilespmem:s0+$0xFFFFFFF0] =	vst v2  }
0x464: {  	[tilespmem:s0+$0xFFFFFF90] =	vst v0  }
0x465: {  	s6 =	simm.s32 $0x5B70;
	v0 =	vld [tilespmem:$0x18C0]  }
0x466: {  	v3 =	vld [tilespmem:s6+$0x0]  }
0x467: {  	v5 =	vld [tilespmem:s6+$0xFFFFFFA0]  }
0x468: {  	v7 =	vld [tilespmem:s6+$0xFFFFFFB0]  }
0x469: {  	v4 =	vld [tilespmem:s6+$0xFFFFFFC0]  }
0x46a: {  	v2 =	vld [tilespmem:s6+$0xFFFFFFD0]  }
0x46b: {  	v1 =	vld [tilespmem:s6+$0xFFFFFFE0];
	v8 =	vadd.f32 v3, v0  }
0x46c: {  	s0 =	simm.s32 $0xDB70;
	v3 =	vld [tilespmem:s6+$0xFFFFFFF0];
	v6 =	vadd.f32 v5, v0  }
0x46d: {  	s2 =	simm.s32 $0x0;
	v5 =	vld [tilespmem:s6+$0xFFFFFF90];
	v7 =	vadd.f32 v7, v0;
	s6 =	simm.s32 $0x5F70;
	[tilespmem:s0+$0x0] =	vst v8  }
.LBB2_92:
0x46e: {  	v8 =	vld [tilespmem:s6+$0x0];
	s2 =	sadd.s32 $0x80, s2;
	[tilespmem:s0+$0xFFFFFFA0] =	vst v6;
	v4 =	vadd.f32 v4, v0  }
0x46f: {  	v6 =	vld [tilespmem:s6+$0xFFFFFFA0];
	p0 =	slt.u32 s2, $0x780;
	[tilespmem:s0+$0xFFFFFFB0] =	vst v7;
	v2 =	vadd.f32 v2, v0  }
0x470: {  	v7 =	vld [tilespmem:s6+$0xFFFFFFB0];
	[tilespmem:s0+$0xFFFFFFC0] =	vst v4;
	v1 =	vadd.f32 v1, v0  }
.Ltmp45:
0x471: {  	v4 =	vld [tilespmem:s6+$0xFFFFFFC0];
	[tilespmem:s0+$0xFFFFFFD0] =	vst v2;
	v3 =	vadd.f32 v3, v0;
	(pc) =	sbr.rel @p0 .LBB2_92-.Ltmp45, $4  }
0x472: {  	v2 =	vld [tilespmem:s6+$0xFFFFFFD0];
	v5 =	vadd.f32 v5, v0;
	[tilespmem:s0+$0xFFFFFFE0] =	vst v1  }
0x473: {  	v1 =	vld [tilespmem:s6+$0xFFFFFFE0];
	v8 =	vadd.f32 v8, v0;
	[tilespmem:s0+$0xFFFFFFF0] =	vst v3  }
0x474: {  	v6 =	vadd.f32 v6, v0;
	v3 =	vld [tilespmem:s6+$0xFFFFFFF0];
	[tilespmem:s0+$0xFFFFFF90] =	vst v5;
	s0 =	sadd.s32 $0x400, s0  }
0x475: {  	v5 =	vld [tilespmem:s6+$0xFFFFFF90];
	v7 =	vadd.f32 v7, v0;
	[tilespmem:s0+$0x0] =	vst v8;
	s6 =	sadd.s32 $0x400, s6  }
0x476: {  	[tilespmem:s0+$0xFFFFFFA0] =	vst v6;
	v4 =	vadd.f32 v4, v0  }
0x477: {  	[tilespmem:s0+$0xFFFFFFB0] =	vst v7;
	v2 =	vadd.f32 v2, v0  }
0x478: {  	[tilespmem:s0+$0xFFFFFFC0] =	vst v4;
	v1 =	vadd.f32 v1, v0  }
0x479: {  	[tilespmem:s0+$0xFFFFFFD0] =	vst v2;
	v2 =	vadd.f32 v3, v0  }
0x47a: {  	v0 =	vadd.f32 v5, v0;
	[tilespmem:s0+$0xFFFFFFE0] =	vst v1  }
0x47b: {  	[tilespmem:s0+$0xFFFFFFF0] =	vst v2  }
0x47c: {  	[tilespmem:s0+$0xFFFFFF90] =	vst v0  }
0x47d: {  	s6 =	simm.s32 $0x5BF0;
	v0 =	vld [tilespmem:$0x18D0]  }
0x47e: {  	v3 =	vld [tilespmem:s6+$0x0]  }
0x47f: {  	v5 =	vld [tilespmem:s6+$0xFFFFFFA0]  }
0x480: {  	v7 =	vld [tilespmem:s6+$0xFFFFFFB0]  }
0x481: {  	v4 =	vld [tilespmem:s6+$0xFFFFFFC0]  }
0x482: {  	v2 =	vld [tilespmem:s6+$0xFFFFFFD0]  }
0x483: {  	v1 =	vld [tilespmem:s6+$0xFFFFFFE0];
	v8 =	vadd.f32 v3, v0  }
0x484: {  	s0 =	simm.s32 $0xDBF0;
	v3 =	vld [tilespmem:s6+$0xFFFFFFF0];
	v6 =	vadd.f32 v5, v0  }
0x485: {  	s2 =	simm.s32 $0x0;
	v5 =	vld [tilespmem:s6+$0xFFFFFF90];
	v7 =	vadd.f32 v7, v0;
	s6 =	simm.s32 $0x5FF0;
	[tilespmem:s0+$0x0] =	vst v8  }
.LBB2_94:
0x486: {  	v8 =	vld [tilespmem:s6+$0x0];
	s2 =	sadd.s32 $0x80, s2;
	[tilespmem:s0+$0xFFFFFFA0] =	vst v6;
	v4 =	vadd.f32 v4, v0  }
0x487: {  	v6 =	vld [tilespmem:s6+$0xFFFFFFA0];
	p0 =	slt.u32 s2, $0x780;
	[tilespmem:s0+$0xFFFFFFB0] =	vst v7;
	v2 =	vadd.f32 v2, v0  }
0x488: {  	v7 =	vld [tilespmem:s6+$0xFFFFFFB0];
	[tilespmem:s0+$0xFFFFFFC0] =	vst v4;
	v1 =	vadd.f32 v1, v0  }
.Ltmp46:
0x489: {  	v4 =	vld [tilespmem:s6+$0xFFFFFFC0];
	[tilespmem:s0+$0xFFFFFFD0] =	vst v2;
	v3 =	vadd.f32 v3, v0;
	(pc) =	sbr.rel @p0 .LBB2_94-.Ltmp46, $4  }
0x48a: {  	v2 =	vld [tilespmem:s6+$0xFFFFFFD0];
	v5 =	vadd.f32 v5, v0;
	[tilespmem:s0+$0xFFFFFFE0] =	vst v1  }
0x48b: {  	v1 =	vld [tilespmem:s6+$0xFFFFFFE0];
	v8 =	vadd.f32 v8, v0;
	[tilespmem:s0+$0xFFFFFFF0] =	vst v3  }
0x48c: {  	v6 =	vadd.f32 v6, v0;
	v3 =	vld [tilespmem:s6+$0xFFFFFFF0];
	[tilespmem:s0+$0xFFFFFF90] =	vst v5;
	s0 =	sadd.s32 $0x400, s0  }
0x48d: {  	v5 =	vld [tilespmem:s6+$0xFFFFFF90];
	v7 =	vadd.f32 v7, v0;
	[tilespmem:s0+$0x0] =	vst v8;
	s6 =	sadd.s32 $0x400, s6  }
0x48e: {  	[tilespmem:s0+$0xFFFFFFA0] =	vst v6;
	v4 =	vadd.f32 v4, v0  }
0x48f: {  	[tilespmem:s0+$0xFFFFFFB0] =	vst v7;
	v2 =	vadd.f32 v2, v0  }
0x490: {  	[tilespmem:s0+$0xFFFFFFC0] =	vst v4;
	v1 =	vadd.f32 v1, v0  }
0x491: {  	[tilespmem:s0+$0xFFFFFFD0] =	vst v2;
	v2 =	vadd.f32 v3, v0  }
0x492: {  	v0 =	vadd.f32 v5, v0;
	[tilespmem:s0+$0xFFFFFFE0] =	vst v1  }
0x493: {  	[tilespmem:s0+$0xFFFFFFF0] =	vst v2  }
0x494: {  	[tilespmem:s0+$0xFFFFFF90] =	vst v0  }
0x495: {  	s6 =	simm.s32 $0x5C70;
	v0 =	vld [tilespmem:$0x18E0]  }
0x496: {  	v3 =	vld [tilespmem:s6+$0x0]  }
0x497: {  	v5 =	vld [tilespmem:s6+$0xFFFFFFA0]  }
0x498: {  	v7 =	vld [tilespmem:s6+$0xFFFFFFB0]  }
0x499: {  	v4 =	vld [tilespmem:s6+$0xFFFFFFC0]  }
0x49a: {  	v2 =	vld [tilespmem:s6+$0xFFFFFFD0]  }
0x49b: {  	v1 =	vld [tilespmem:s6+$0xFFFFFFE0];
	v8 =	vadd.f32 v3, v0  }
0x49c: {  	s0 =	simm.s32 $0xDC70;
	v3 =	vld [tilespmem:s6+$0xFFFFFFF0];
	v6 =	vadd.f32 v5, v0  }
0x49d: {  	s2 =	simm.s32 $0x0;
	v5 =	vld [tilespmem:s6+$0xFFFFFF90];
	v7 =	vadd.f32 v7, v0;
	s6 =	simm.s32 $0x6070;
	[tilespmem:s0+$0x0] =	vst v8  }
.LBB2_96:
0x49e: {  	v8 =	vld [tilespmem:s6+$0x0];
	s2 =	sadd.s32 $0x80, s2;
	[tilespmem:s0+$0xFFFFFFA0] =	vst v6;
	v4 =	vadd.f32 v4, v0  }
0x49f: {  	v6 =	vld [tilespmem:s6+$0xFFFFFFA0];
	p0 =	slt.u32 s2, $0x780;
	[tilespmem:s0+$0xFFFFFFB0] =	vst v7;
	v2 =	vadd.f32 v2, v0  }
0x4a0: {  	v7 =	vld [tilespmem:s6+$0xFFFFFFB0];
	[tilespmem:s0+$0xFFFFFFC0] =	vst v4;
	v1 =	vadd.f32 v1, v0  }
.Ltmp47:
0x4a1: {  	v4 =	vld [tilespmem:s6+$0xFFFFFFC0];
	[tilespmem:s0+$0xFFFFFFD0] =	vst v2;
	v3 =	vadd.f32 v3, v0;
	(pc) =	sbr.rel @p0 .LBB2_96-.Ltmp47, $4  }
0x4a2: {  	v2 =	vld [tilespmem:s6+$0xFFFFFFD0];
	v5 =	vadd.f32 v5, v0;
	[tilespmem:s0+$0xFFFFFFE0] =	vst v1  }
0x4a3: {  	v1 =	vld [tilespmem:s6+$0xFFFFFFE0];
	v8 =	vadd.f32 v8, v0;
	[tilespmem:s0+$0xFFFFFFF0] =	vst v3  }
0x4a4: {  	v6 =	vadd.f32 v6, v0;
	v3 =	vld [tilespmem:s6+$0xFFFFFFF0];
	[tilespmem:s0+$0xFFFFFF90] =	vst v5;
	s0 =	sadd.s32 $0x400, s0  }
0x4a5: {  	v5 =	vld [tilespmem:s6+$0xFFFFFF90];
	v7 =	vadd.f32 v7, v0;
	[tilespmem:s0+$0x0] =	vst v8;
	s6 =	sadd.s32 $0x400, s6  }
0x4a6: {  	[tilespmem:s0+$0xFFFFFFA0] =	vst v6;
	v4 =	vadd.f32 v4, v0  }
0x4a7: {  	[tilespmem:s0+$0xFFFFFFB0] =	vst v7;
	v2 =	vadd.f32 v2, v0  }
0x4a8: {  	[tilespmem:s0+$0xFFFFFFC0] =	vst v4;
	v1 =	vadd.f32 v1, v0  }
0x4a9: {  	[tilespmem:s0+$0xFFFFFFD0] =	vst v2;
	v2 =	vadd.f32 v3, v0  }
0x4aa: {  	v0 =	vadd.f32 v5, v0;
	[tilespmem:s0+$0xFFFFFFE0] =	vst v1  }
0x4ab: {  	[tilespmem:s0+$0xFFFFFFF0] =	vst v2  }
0x4ac: {  	[tilespmem:s0+$0xFFFFFF90] =	vst v0  }
0x4ad: {  	s6 =	simm.s32 $0x5CF0;
	v0 =	vld [tilespmem:$0x18F0]  }
0x4ae: {  	v3 =	vld [tilespmem:s6+$0x0]  }
0x4af: {  	v5 =	vld [tilespmem:s6+$0xFFFFFFA0]  }
0x4b0: {  	v7 =	vld [tilespmem:s6+$0xFFFFFFB0]  }
0x4b1: {  	v4 =	vld [tilespmem:s6+$0xFFFFFFC0]  }
0x4b2: {  	v2 =	vld [tilespmem:s6+$0xFFFFFFD0]  }
0x4b3: {  	v1 =	vld [tilespmem:s6+$0xFFFFFFE0];
	v8 =	vadd.f32 v3, v0  }
0x4b4: {  	s0 =	simm.s32 $0xDCF0;
	v3 =	vld [tilespmem:s6+$0xFFFFFFF0];
	v6 =	vadd.f32 v5, v0  }
0x4b5: {  	s2 =	simm.s32 $0x0;
	v5 =	vld [tilespmem:s6+$0xFFFFFF90];
	v7 =	vadd.f32 v7, v0;
	s6 =	simm.s32 $0x60F0;
	[tilespmem:s0+$0x0] =	vst v8  }
.LBB2_98:
0x4b6: {  	v8 =	vld [tilespmem:s6+$0x0];
	s2 =	sadd.s32 $0x80, s2;
	[tilespmem:s0+$0xFFFFFFA0] =	vst v6;
	v4 =	vadd.f32 v4, v0  }
0x4b7: {  	v6 =	vld [tilespmem:s6+$0xFFFFFFA0];
	p0 =	slt.u32 s2, $0x780;
	[tilespmem:s0+$0xFFFFFFB0] =	vst v7;
	v2 =	vadd.f32 v2, v0  }
0x4b8: {  	v7 =	vld [tilespmem:s6+$0xFFFFFFB0];
	[tilespmem:s0+$0xFFFFFFC0] =	vst v4;
	v1 =	vadd.f32 v1, v0  }
.Ltmp48:
0x4b9: {  	v4 =	vld [tilespmem:s6+$0xFFFFFFC0];
	[tilespmem:s0+$0xFFFFFFD0] =	vst v2;
	v3 =	vadd.f32 v3, v0;
	(pc) =	sbr.rel @p0 .LBB2_98-.Ltmp48, $4  }
0x4ba: {  	v2 =	vld [tilespmem:s6+$0xFFFFFFD0];
	v5 =	vadd.f32 v5, v0;
	[tilespmem:s0+$0xFFFFFFE0] =	vst v1  }
0x4bb: {  	v1 =	vld [tilespmem:s6+$0xFFFFFFE0];
	v8 =	vadd.f32 v8, v0;
	[tilespmem:s0+$0xFFFFFFF0] =	vst v3  }
0x4bc: {  	v6 =	vadd.f32 v6, v0;
	v3 =	vld [tilespmem:s6+$0xFFFFFFF0];
	[tilespmem:s0+$0xFFFFFF90] =	vst v5;
	s0 =	sadd.s32 $0x400, s0  }
0x4bd: {  	v5 =	vld [tilespmem:s6+$0xFFFFFF90];
	v7 =	vadd.f32 v7, v0;
	[tilespmem:s0+$0x0] =	vst v8;
	s6 =	sadd.s32 $0x400, s6  }
0x4be: {  	[tilespmem:s0+$0xFFFFFFA0] =	vst v6;
	v4 =	vadd.f32 v4, v0  }
0x4bf: {  	[tilespmem:s0+$0xFFFFFFB0] =	vst v7;
	v2 =	vadd.f32 v2, v0  }
0x4c0: {  	[tilespmem:s0+$0xFFFFFFC0] =	vst v4;
	v1 =	vadd.f32 v1, v0  }
0x4c1: {  	[tilespmem:s0+$0xFFFFFFD0] =	vst v2;
	v62 =	vadd.f32 v3, v0  }
0x4c2: {  	v63 =	vadd.f32 v5, v0;
	[tilespmem:s0+$0xFFFFFFE0] =	vst v1  }
0x4c3: {  	[tilespmem:s0+$0xFFFFFFF0] =	vst v62  }
0x4c4: {  	s28 =	sadd.s32 $0x1, s28;
	[tilespmem:s0+$0xFFFFFF90] =	vst v63  }
0x4c5: {  	[hbm4b:s16+s4] =	stream.linear.scatter [tilespmem:s24], [sflag:$0x4], $0x4000, $0x38;
	[tilespmem:$0x11900] =	vst v63  }
0x4c6: {  	p0 =	sne.s32 s28, s17;
	_ =	swait.ge [sflag:s25], $0x4000  }
.Ltmp49:
0x4c7: {  	[sflag:s25] =	ssyncset.done $0x0;
	(pc) =	sbr.rel @p0 .LBB2_1-.Ltmp49, $4  }
0x4c8: {  	[sflag:s25] =	ssyncadd.s32 $0xFFFFC000  }
0x4c9: {  	_ =	swait.ge [sflag:s26], $0x4000  }
0x4ca: {  	[sflag:s26] =	ssyncset.done $0x0  }
0x4cb: {  	[sflag:s26] =	ssyncadd.s32 $0xFFFFC000  }
0x4cc: {  	_ =	sfence.sel $0x180000  }
0x4cd: {  	[bflag:$0x0] =	sbarrier.arrive $0xFFFF  }
0x4ce: {  	_ =	strace $0x90000047  }
0x4cf: {  	s0 =	stileid.u32;
	[bflag:$0x2] =	sbarrier.arrive $0xFFFF  }
0x4d0: {  	p0 =	sne.s32 s0, $0x0;
	s0 =	rddreg [dreg:$0x3]  }
0x4d1: {  	s0 =	sadd.s32 @!p0 $0x100000, s0  }
0x4d2: {  	[sflag:s0] =	ssyncadd.tile.s32 @!p0 $0x1;
	_ =	shalt  }
.Lfunc_end2:
_tile_overlayer_lowered:
.L_overlay_start_2:
0x4d3: {  	(tag) =	ssettag $0x2  }
0x4d4: {  	s0 =	rddreg [dreg:$0x0];
	s2 =	stileid.u32  }
0x4d5: {  	s1 =	rddreg [dreg:$0x1];
	p0 =	sne.s32 s2, $0x0  }
0x4d6: {  	s3 =	rddreg [dreg:$0x2];
	[bflag:$0x3] =	sbarrier.arrive $0xFFFF;
	s2 =	simm.s32 @!p0 $0x1C05  }
0x4d7: {  	[timem:s3], [sflag:s2] =	dma.local @!p0 [hbm:s0], s1  }
0x4d8: {  	s0 =	simm.s32 @!p0 $0x5  }
0x4d9: {  	_ =	swait.ge @!p0 [sflag:s0], s1  }
0x4da: {  	s1 =	ssub.s32 @!p0 $0x0, s1;
	[sflag:s0] =	ssyncset.done @!p0 $0x0  }
0x4db: {  	[sflag:s0] =	ssyncadd.s32 @!p0 s1  }
0x4dc: {  	[bflag:$0x3] =	sbarrier.arrive $0xFFFF  }
0x4dd: {  	_ =	shalt  }

</sc_bundles>
